<compile_context>
chip_gen: v7x
topology: tpu7x:2x2x1
jax: 0.10.2.dev20260603
libtpu: 0.0.44.dev20260713+nightly
codegen_flags: <defaults>
</compile_context>

<pallas_src>
import jax
import jax.numpy as jnp
from jax import lax
from jax.experimental import pallas as pl
from jax.experimental.pallas import tpu as pltpu
from jax.experimental.pallas import tpu_sc as plsc

N_MOVIE = 50000
E = 500000
HID = 128
OUT_CH = 16

_BLK = 8192
_NBLK = 7
_BLK_C = 16384
_NBLK_C = 4
_NSLICE = _NBLK * _BLK

_SLAB = 15616
_NCHS = _SLAB // 128
_GRP = 16
_C1_BASE = 249984
_SEG = 4096
_NPAD = 16 * _SEG


def _sc_count_body(e0_hbm, e1_hbm, t0_hbm, t1_hbm, out_hbm, idx_v, ext_v,
                   ones_v, stage_v, sem, acc0_sh, acc1_sh):
    c = lax.axis_index("c")
    s = lax.axis_index("s")
    edges = (e0_hbm, e1_hbm)
    tails = (t0_hbm, t1_hbm)
    accs = (acc0_sh, acc1_sh)

    def fill_ones(j, _):
        ones_v[pl.ds(j * 16, 16)] = jnp.ones((16,), jnp.float32)
        return _
    lax.fori_loop(0, 128 // 16, fill_ones, None)

    def fill_zeros(j, _):
        stage_v[pl.ds(j * 16, 16)] = jnp.zeros((16,), jnp.float32)
        return _
    lax.fori_loop(0, _SEG // 16, fill_zeros, None)

    for t in range(2):
        pltpu.sync_copy(stage_v, accs[t].at[pl.ds(s * _SEG, _SEG)])
    plsc.subcore_barrier()

    base = c * _C1_BASE + s * _SLAB
    for t in range(2):
        acc = accs[t]
        pltpu.sync_copy(edges[t].at[:, pl.ds(base, _SLAB)], idx_v)

        def scatter_grp(jo, _):
            cps = [
                pltpu.async_copy(
                    ones_v,
                    acc.at[idx_v.at[1, pl.ds((jo * _GRP + b) * 128, 128)]],
                    sem, add=True)
                for b in range(_GRP)
            ]
            for cp in cps:
                cp.wait()
            return _
        lax.fori_loop(0, _NCHS // _GRP, scatter_grp, None)
        for j in range(_NCHS - _NCHS % _GRP, _NCHS):
            pltpu.sync_copy(ones_v,
                            acc.at[idx_v.at[1, pl.ds(j * 128, 128)]],
                            add=True)

        @pl.when(jnp.logical_and(c == 0, s == 0))
        def _():
            pltpu.sync_copy(edges[t].at[:, pl.ds(249856, 128)], ext_v)
            pltpu.sync_copy(ones_v, acc.at[ext_v.at[1, :]], add=True)

        @pl.when(jnp.logical_and(c == 1, s == 0))
        def _():
            pltpu.sync_copy(edges[t].at[:, pl.ds(499840, 128)], ext_v)
            pltpu.sync_copy(ones_v, acc.at[ext_v.at[1, :]], add=True)

        @pl.when(jnp.logical_and(c == 1, s == 1))
        def _():
            pltpu.sync_copy(tails[t], ext_v)
            pltpu.sync_copy(ones_v, acc.at[ext_v.at[1, :]], add=True)
    plsc.subcore_barrier()

    for t in range(2):
        pltpu.sync_copy(accs[t].at[pl.ds(s * _SEG, _SEG)], stage_v)
        pltpu.sync_copy(
            stage_v,
            out_hbm.at[pl.ds((2 * t + c) * _NPAD + s * _SEG, _SEG)])


_sc_count = pl.kernel(
    _sc_count_body,
    out_type=jax.ShapeDtypeStruct((4 * _NPAD,), jnp.float32),
    mesh=plsc.VectorSubcoreMesh(core_axis_name="c", subcore_axis_name="s"),
    scratch_types=[
        pltpu.VMEM((2, _SLAB), jnp.int32),
        pltpu.VMEM((2, 128), jnp.int32),
        pltpu.VMEM((128,), jnp.float32),
        pltpu.VMEM((_SEG,), jnp.float32),
        pltpu.SemaphoreType.DMA,
        pltpu.VMEM_SHARED((_NPAD,), jnp.float32),
        pltpu.VMEM_SHARED((_NPAD,), jnp.float32),
    ],
)


def _tc1_body(x_ref, w_ref, b_ref, kw_ref, kb_ref, q_ref, lw_ref,
              p00_ref, p01_ref, p10_ref, p11_ref, ytu_ref, stats_ref):
    i = pl.program_id(0)
    g = jnp.maximum(
        jnp.dot(x_ref[...], w_ref[...], preferred_element_type=jnp.float32)
        + b_ref[...], 0.0)
    ytu_ref[...] = lax.dot_general(
        lw_ref[...], g, (((0,), (1,)), ((), ())),
        preferred_element_type=jnp.float32)
    t = jnp.tanh(
        jnp.dot(g, kw_ref[...], preferred_element_type=jnp.float32)
        + kb_ref[...])
    row = lax.broadcasted_iota(jnp.int32, (_BLK, HID), 0) + i * _BLK
    t = jnp.where(row < N_MOVIE, t, 0.0)
    lane = lax.broadcasted_iota(jnp.int32, (1, _BLK), 1) + i * _BLK
    valid = lane < N_MOVIE
    cnt0 = (p00_ref[...] + p01_ref[...]).reshape(1, _BLK)
    cnt1 = (p10_ref[...] + p11_ref[...]).reshape(1, _BLK)
    m0 = jnp.logical_and(cnt0 > 0.0, valid).astype(jnp.float32)
    m1 = jnp.logical_and(cnt1 > 0.0, valid).astype(jnp.float32)
    s0 = jnp.dot(m0, t, preferred_element_type=jnp.float32)
    s1 = jnp.dot(m1, t, preferred_element_type=jnp.float32)
    n0 = jnp.full((1, HID), jnp.sum(m0))
    n1 = jnp.full((1, HID), jnp.sum(m1))
    z = jnp.zeros((4, HID), jnp.float32)
    upd = jnp.concatenate([s0, s1, n0, n1, z], axis=0)

    @pl.when(i == 0)
    def _():
        stats_ref[...] = upd

    @pl.when(i > 0)
    def _():
        stats_ref[...] = stats_ref[...] + upd

    @pl.when(i == _NBLK - 1)
    def _():
        tkb = jnp.tanh(kb_ref[...])
        n = jnp.float32(N_MOVIE)
        qv = q_ref[...]
        mean0 = (stats_ref[0:1, :] + (n - stats_ref[2, 0]) * tkb) / n
        mean1 = (stats_ref[1:2, :] + (n - stats_ref[3, 0]) * tkb) / n
        sc0 = jnp.sum(qv * mean0)
        sc1 = jnp.sum(qv * mean1)
        mx = jnp.maximum(sc0, sc1)
        e0 = jnp.exp(sc0 - mx)
        e1 = jnp.exp(sc1 - mx)
        stats_ref[4:5, :] = jnp.full((1, HID), e0 / (e0 + e1))
        stats_ref[5:6, :] = jnp.full((1, HID), e1 / (e0 + e1))


_tc1 = pl.pallas_call(
    _tc1_body,
    grid=(_NBLK,),
    in_specs=[
        pl.BlockSpec((_BLK, HID), lambda i: (i, 0)),
        pl.BlockSpec((HID, HID), lambda i: (0, 0)),
        pl.BlockSpec((1, HID), lambda i: (0, 0)),
        pl.BlockSpec((HID, HID), lambda i: (0, 0)),
        pl.BlockSpec((1, HID), lambda i: (0, 0)),
        pl.BlockSpec((1, HID), lambda i: (0, 0)),
        pl.BlockSpec((HID, OUT_CH), lambda i: (0, 0)),
        pl.BlockSpec((_BLK,), lambda i: (i,)),
        pl.BlockSpec((_BLK,), lambda i: (i + _NPAD // _BLK,)),
        pl.BlockSpec((_BLK,), lambda i: (i + 2 * (_NPAD // _BLK),)),
        pl.BlockSpec((_BLK,), lambda i: (i + 3 * (_NPAD // _BLK),)),
    ],
    out_specs=[
        pl.BlockSpec((OUT_CH, _BLK), lambda i: (0, i)),
        pl.BlockSpec((8, HID), lambda i: (0, 0)),
    ],
    out_shape=[
        jax.ShapeDtypeStruct((OUT_CH, N_MOVIE), jnp.float32),
        jax.ShapeDtypeStruct((8, HID), jnp.float32),
    ],
)


def _tc2_body(ytu_ref, p00_ref, p01_ref, p10_ref, p11_ref, stats_ref,
              lbt_ref, yt_ref):
    a0 = stats_ref[4, 0]
    a1 = stats_ref[5, 0]
    cnt0 = (p00_ref[...] + p01_ref[...]).reshape(1, _BLK_C)
    cnt1 = (p10_ref[...] + p11_ref[...]).reshape(1, _BLK_C)
    m0 = (cnt0 > 0.0).astype(jnp.float32)
    m1 = (cnt1 > 0.0).astype(jnp.float32)
    coeff = a0 * m0 + a1 * m1
    yt_ref[...] = ytu_ref[...] * coeff + lbt_ref[...]


_tc2 = pl.pallas_call(
    _tc2_body,
    grid=(_NBLK_C,),
    in_specs=[
        pl.BlockSpec((OUT_CH, _BLK_C), lambda i: (0, i)),
        pl.BlockSpec((_BLK_C,), lambda i: (i,)),
        pl.BlockSpec((_BLK_C,), lambda i: (i + _NPAD // _BLK_C,)),
        pl.BlockSpec((_BLK_C,), lambda i: (i + 2 * (_NPAD // _BLK_C),)),
        pl.BlockSpec((_BLK_C,), lambda i: (i + 3 * (_NPAD // _BLK_C),)),
        pl.BlockSpec((8, HID), lambda i: (0, 0)),
        pl.BlockSpec((OUT_CH, 1), lambda i: (0, 0)),
    ],
    out_specs=pl.BlockSpec((OUT_CH, _BLK_C), lambda i: (0, i)),
    out_shape=jax.ShapeDtypeStruct((OUT_CH, N_MOVIE), jnp.float32),
)


@jax.jit
def _run(x_movie, ei0, ei1, proj_W, proj_b, k_W, k_b, q, lin_W, lin_b):
    tails = jnp.full((2, 2, 128), N_MOVIE, jnp.int32).at[:, :, :32].set(
        jnp.stack([ei0[:, 499968:], ei1[:, 499968:]]))
    counts = _sc_count(ei0, ei1, tails[0], tails[1])
    ytu, stats = _tc1(x_movie, proj_W, proj_b.reshape(1, HID),
                      k_W, k_b.reshape(1, HID), q, lin_W,
                      counts, counts, counts, counts)
    yt = _tc2(ytu, counts, counts, counts, counts, stats,
              lin_b.reshape(OUT_CH, 1))
    return yt.T


def kernel(x_movie, x_director, x_actor, edge_index_movie__to__director,
           edge_index_director__to__movie, edge_index_movie__to__actor,
           edge_index_actor__to__movie, proj_W_movie, proj_b_movie,
           proj_W_director, proj_b_director, proj_W_actor, proj_b_actor,
           lin_src_movie__to__director, lin_dst_movie__to__director,
           lin_src_director__to__movie, lin_dst_director__to__movie,
           lin_src_movie__to__actor, lin_dst_movie__to__actor,
           lin_src_actor__to__movie, lin_dst_actor__to__movie,
           k_W, k_b, q, lin_W, lin_b):
    return _run(x_movie, edge_index_director__to__movie,
                edge_index_actor__to__movie, proj_W_movie, proj_b_movie,
                k_W, k_b, q, lin_W, lin_b)

# --- scband reference (transcript-rebuilt; emitter-appended) ---
"""Pipeline reference for scband-han-57423712748241 (READ-ONLY COPY).

The authoritative reference and input builder live on the scoring server;
editing this copy changes nothing except your own understanding.
"""

import jax, jax.numpy as jnp
import numpy as np

NODE_TYPES = ["movie", "director", "actor"]
EDGE_TYPES = [("movie", "to", "director"), ("director", "to", "movie"), ("movie", "to", "actor"), ("actor", "to", "movie")]
NUM_NODES = {"movie": 50000, "director": 10000, "actor": 50000}
IN_CH = 128
HID = 128
HEADS = 8
DIM = HID // HEADS
OUT_CH = 16
NUM_EDGES = 500000
NEG_SLOPE = 0.2

FLOAT_NAMES = (["x_" + nt for nt in NODE_TYPES]
               + [w for nt in NODE_TYPES for w in ("proj_W_" + nt, "proj_b_" + nt)]
               + [w for et in EDGE_TYPES for w in ("lin_src_" + "__".join(et), "lin_dst_" + "__".join(et))]
               + ["k_W", "k_b", "q", "lin_W", "lin_b"])
INT_NAMES = ["edge_index_" + "__".join(et) for et in EDGE_TYPES]


def setup_inputs(seed: int = 0):
    key = jax.random.key(seed)
    ks = iter(jax.random.split(key, 40))
    inp = {}
    for nt in NODE_TYPES:
        inp["x_" + nt] = jax.random.normal(next(ks), (NUM_NODES[nt], IN_CH), dtype=jnp.float32)
    for et in EDGE_TYPES:
        src, _, dst = et
        name = "__".join(et)
        srow = jax.random.randint(next(ks), (1, NUM_EDGES), 0, NUM_NODES[src])
        drow = jax.random.randint(next(ks), (1, NUM_EDGES), 0, NUM_NODES[dst])
        inp["edge_index_" + name] = jnp.concatenate([srow, drow], axis=0).astype(jnp.int32)
    for nt in NODE_TYPES:
        inp["proj_W_" + nt] = jax.random.normal(next(ks), (IN_CH, HID), dtype=jnp.float32) * (1.0 / np.sqrt(IN_CH))
        inp["proj_b_" + nt] = jnp.zeros((HID,), dtype=jnp.float32)
    for et in EDGE_TYPES:
        name = "__".join(et)
        inp["lin_src_" + name] = jax.random.normal(next(ks), (1, HEADS, DIM), dtype=jnp.float32) * (1.0 / np.sqrt(DIM))
        inp["lin_dst_" + name] = jax.random.normal(next(ks), (1, HEADS, DIM), dtype=jnp.float32) * (1.0 / np.sqrt(DIM))
    inp["k_W"] = jax.random.normal(next(ks), (HID, HID), dtype=jnp.float32) * (1.0 / np.sqrt(HID))
    inp["k_b"] = jnp.zeros((HID,), dtype=jnp.float32)
    inp["q"] = jax.random.normal(next(ks), (1, HID), dtype=jnp.float32) * (1.0 / np.sqrt(HID))
    inp["lin_W"] = jax.random.normal(next(ks), (HID, OUT_CH), dtype=jnp.float32) * (1.0 / np.sqrt(HID))
    inp["lin_b"] = jnp.zeros((OUT_CH,), dtype=jnp.float32)
    return inp


def _segment_softmax(a, idx, num_segments):
    a_max = jax.ops.segment_max(a, idx, num_segments=num_segments)
    a_max = jnp.where(jnp.isfinite(a_max), a_max, 0.0)
    e = jnp.exp(a - a_max[idx])
    s = jax.ops.segment_sum(e, idx, num_segments=num_segments)
    return e / (s[idx] + 1e-16)


def _han_forward(d):
    # per-node-type projection: proj[nt](x).view(-1, H, D)
    xn = {}
    for nt in NODE_TYPES:
        h = d["x_" + nt] @ d["proj_W_" + nt] + d["proj_b_" + nt]
        xn[nt] = h.reshape(-1, HEADS, DIM)
    out_dict = {nt: [] for nt in NODE_TYPES}
    for et in EDGE_TYPES:
        src, _, dst = et
        name = "__".join(et)
        alpha_src = (xn[src] * d["lin_src_" + name]).sum(-1)  # [N_src, H]
        alpha_dst = (xn[dst] * d["lin_dst_" + name]).sum(-1)  # [N_dst, H]
        ei = d["edge_index_" + name]
        si, di = ei[0], ei[1]
        # message: alpha = leaky_relu(alpha_j + alpha_i); softmax over dst segments
        a = alpha_src[si] + alpha_dst[di]  # [E, H]
        a = jnp.where(a >= 0, a, NEG_SLOPE * a)
        a = _segment_softmax(a, di, NUM_NODES[dst])
        # NOTE: faithful to reference code, message uses x_dst_i (dst features gathered per edge)
        msg = (xn[dst][di] * a[:, :, None]).reshape(-1, HID)
        out = jax.ops.segment_sum(msg, di, num_segments=NUM_NODES[dst])  # aggr='add'
        out_dict[dst].append(jax.nn.relu(out))
    # HANgroup semantic attention over edge types
    grouped = {}
    for nt in NODE_TYPES:
        outs = out_dict[nt]
        if len(outs) == 0:
            grouped[nt] = None
            continue
        stk = jnp.stack(outs)  # [T, N, HID]
        score = (d["q"] * jnp.tanh(stk @ d["k_W"] + d["k_b"]).mean(1)).sum(-1)  # [T]
        attn = jax.nn.softmax(score, axis=0)
        grouped[nt] = (attn.reshape(-1, 1, 1) * stk).sum(0)
    return grouped["movie"] @ d["lin_W"] + d["lin_b"]


def reference(x_movie, x_director, x_actor,
              edge_index_movie__to__director, edge_index_director__to__movie,
              edge_index_movie__to__actor, edge_index_actor__to__movie,
              proj_W_movie, proj_b_movie, proj_W_director, proj_b_director,
              proj_W_actor, proj_b_actor,
              lin_src_movie__to__director, lin_dst_movie__to__director,
              lin_src_director__to__movie, lin_dst_director__to__movie,
              lin_src_movie__to__actor, lin_dst_movie__to__actor,
              lin_src_actor__to__movie, lin_dst_actor__to__movie,
              k_W, k_b, q, lin_W, lin_b):
    d = dict(locals())
    return _han_forward(d)

if __name__ == "__main__":
    import jax
    _d = setup_inputs()
    print(jax.jit(kernel)(*tuple(_d.values())))

</pallas_src>

<mosaic_0001>
#map = affine_map<(d0, d1) -> (0, 0)>
#map1 = affine_map<(d0, d1) -> (0)>
module attributes {stable_mosaic.version = 14 : i64} {
  func.func @_sc_count_body(%arg0: i32, %arg1: i32, %arg2: memref<2x500000xi32, #tpu.memory_space<hbm>>, %arg3: memref<2x500000xi32, #tpu.memory_space<hbm>>, %arg4: memref<2x128xi32, #tpu.memory_space<hbm>>, %arg5: memref<2x128xi32, #tpu.memory_space<hbm>>, %arg6: memref<262144xf32, #tpu.memory_space<hbm>>, %arg7: memref<2x15616xi32, #tpu.memory_space<vmem>>, %arg8: memref<2x128xi32, #tpu.memory_space<vmem>>, %arg9: memref<128xf32, #tpu.memory_space<vmem>>, %arg10: memref<4096xf32, #tpu.memory_space<vmem>>, %arg11: memref<!tpu.dma_semaphore, #tpu.memory_space<semaphore_mem>>, %arg12: memref<65536xf32, #tpu.memory_space<vmem_shared>>, %arg13: memref<65536xf32, #tpu.memory_space<vmem_shared>>) attributes {dimension_semantics = [#tpu.dimension_semantics<core_parallel>, #tpu.dimension_semantics<subcore_parallel>], iteration_bounds = array<i64: 2, 16>, scalar_prefetch = 0 : i64, scratch_operands = 7 : i64, tpu.core_type = #tpu.core_type<sc_vector_subcore>, window_params = [{transform_indices = #map}, {transform_indices = #map}, {transform_indices = #map}, {transform_indices = #map}, {transform_indices = #map1}]} {
    %scan3A = arith.constant 0 : i32
    %scan3A_0 = arith.constant 8 : i32
    %scan3A_1 = arith.addi %scan3A, %scan3A_0 : i32
    %scan3A_2 = arith.constant 1 : i32
    scf.for %scan3A_108 = %scan3A to %scan3A_1 step %scan3A_2  : i32 {
      %broadcast_in_dim3A = arith.constant 1.000000e+00 : f32
      %broadcast_in_dim3A_109 = vector.broadcast %broadcast_in_dim3A : f32 to vector<16xf32>
      %mul3A_110 = arith.constant 16 : i32
      %mul3A_111 = arith.muli %scan3A_108, %mul3A_110 : i32
      %swap3A = arith.index_cast %mul3A_111 : i32 to index
      %swap3A_112 = tpu.vector_load %arg9[%swap3A] {strides = array<i32>} : memref<128xf32, #tpu.memory_space<vmem>>, vector<16xf32>,
      %swap3A_113 = vector.shape_cast %swap3A_112 : vector<16xf32> to vector<16xf32>
      %swap3A_114 = vector.shape_cast %broadcast_in_dim3A_109 : vector<16xf32> to vector<16xf32>
      tpu.vector_store %arg9[%swap3A], %swap3A_114 {strides = array<i32>} : memref<128xf32, #tpu.memory_space<vmem>>, vector<16xf32>,
    }
    %scan3A_3 = arith.constant 8 : i32
    %scan3A_4 = arith.constant 0 : i32
    %scan3A_5 = arith.constant 256 : i32
    %scan3A_6 = arith.addi %scan3A_4, %scan3A_5 : i32
    %scan3A_7 = arith.constant 1 : i32
    scf.for %scan3A_108 = %scan3A_4 to %scan3A_6 step %scan3A_7  : i32 {
      %broadcast_in_dim3A = arith.constant 0.000000e+00 : f32
      %broadcast_in_dim3A_109 = vector.broadcast %broadcast_in_dim3A : f32 to vector<16xf32>
      %mul3A_110 = arith.constant 16 : i32
      %mul3A_111 = arith.muli %scan3A_108, %mul3A_110 : i32
      %swap3A = arith.index_cast %mul3A_111 : i32 to index
      %swap3A_112 = tpu.vector_load %arg10[%swap3A] {strides = array<i32>} : memref<4096xf32, #tpu.memory_space<vmem>>, vector<16xf32>,
      %swap3A_113 = vector.shape_cast %swap3A_112 : vector<16xf32> to vector<16xf32>
      %swap3A_114 = vector.shape_cast %broadcast_in_dim3A_109 : vector<16xf32> to vector<16xf32>
      tpu.vector_store %arg10[%swap3A], %swap3A_114 {strides = array<i32>} : memref<4096xf32, #tpu.memory_space<vmem>>, vector<16xf32>,
    }
    %scan3A_8 = arith.constant 256 : i32
    %mul3A = arith.constant 4096 : i32
    %mul3A_9 = arith.muli %arg1, %mul3A : i32
    "tpu.region"() ({
      %run_scoped3A_108 = tpu.sem_alloc : memref<!tpu.dma_semaphore, #tpu.memory_space<semaphore_mem>>
      %dma_start3A = tpu.memref_slice %arg12[%mul3A_9] : memref<65536xf32, #tpu.memory_space<vmem_shared>> -> memref<4096xf32, #tpu.memory_space<vmem_shared>>
      %dma_start3A_109 = tpu.memref_slice %arg12[%mul3A_9] : memref<65536xf32, #tpu.memory_space<vmem_shared>> -> memref<4096xf32, #tpu.memory_space<vmem_shared>>
      tpu.enqueue_dma source(%arg10 : memref<4096xf32, #tpu.memory_space<vmem>>) target(%dma_start3A_109 : memref<4096xf32, #tpu.memory_space<vmem_shared>>) target_semaphore(%run_scoped3A_108 : memref<!tpu.dma_semaphore, #tpu.memory_space<semaphore_mem>>)
      %dma_wait3A = tpu.memref_slice %arg12[%mul3A_9] : memref<65536xf32, #tpu.memory_space<vmem_shared>> -> memref<4096xf32, #tpu.memory_space<vmem_shared>>
      %dma_wait3A_110 = tpu.memref_slice %arg12[%mul3A_9] : memref<65536xf32, #tpu.memory_space<vmem_shared>> -> memref<4096xf32, #tpu.memory_space<vmem_shared>>
      tpu.wait_dma2 semaphore(%run_scoped3A_108 : memref<!tpu.dma_semaphore, #tpu.memory_space<semaphore_mem>>) src(%arg10 : memref<4096xf32, #tpu.memory_space<vmem>>) dst(%dma_wait3A_110 : memref<4096xf32, #tpu.memory_space<vmem_shared>>)
      tpu.yield
    }) : () -> ()
    %mul3A_10 = arith.constant 4096 : i32
    %mul3A_11 = arith.muli %arg1, %mul3A_10 : i32
    "tpu.region"() ({
      %run_scoped3A_108 = tpu.sem_alloc : memref<!tpu.dma_semaphore, #tpu.memory_space<semaphore_mem>>
      %dma_start3A = tpu.memref_slice %arg13[%mul3A_11] : memref<65536xf32, #tpu.memory_space<vmem_shared>> -> memref<4096xf32, #tpu.memory_space<vmem_shared>>
      %dma_start3A_109 = tpu.memref_slice %arg13[%mul3A_11] : memref<65536xf32, #tpu.memory_space<vmem_shared>> -> memref<4096xf32, #tpu.memory_space<vmem_shared>>
      tpu.enqueue_dma source(%arg10 : memref<4096xf32, #tpu.memory_space<vmem>>) target(%dma_start3A_109 : memref<4096xf32, #tpu.memory_space<vmem_shared>>) target_semaphore(%run_scoped3A_108 : memref<!tpu.dma_semaphore, #tpu.memory_space<semaphore_mem>>)
      %dma_wait3A = tpu.memref_slice %arg13[%mul3A_11] : memref<65536xf32, #tpu.memory_space<vmem_shared>> -> memref<4096xf32, #tpu.memory_space<vmem_shared>>
      %dma_wait3A_110 = tpu.memref_slice %arg13[%mul3A_11] : memref<65536xf32, #tpu.memory_space<vmem_shared>> -> memref<4096xf32, #tpu.memory_space<vmem_shared>>
      tpu.wait_dma2 semaphore(%run_scoped3A_108 : memref<!tpu.dma_semaphore, #tpu.memory_space<semaphore_mem>>) src(%arg10 : memref<4096xf32, #tpu.memory_space<vmem>>) dst(%dma_wait3A_110 : memref<4096xf32, #tpu.memory_space<vmem_shared>>)
      tpu.yield
    }) : () -> ()
    %barrier3A = arith.constant 0 : index
    tpu.barrier barrier_id(%barrier3A)
    %mul3A_12 = arith.constant 249984 : i32
    %mul3A_13 = arith.muli %arg0, %mul3A_12 : i32
    %mul3A_14 = arith.constant 15616 : i32
    %mul3A_15 = arith.muli %arg1, %mul3A_14 : i32
    %add3A = arith.addi %mul3A_13, %mul3A_15 : i32
    "tpu.region"() ({
      %run_scoped3A_108 = tpu.sem_alloc : memref<!tpu.dma_semaphore, #tpu.memory_space<semaphore_mem>>
      %dma_start3A = arith.constant 0 : i32
      %dma_start3A_109 = tpu.memref_slice %arg2[%dma_start3A, %add3A] : memref<2x500000xi32, #tpu.memory_space<hbm>> -> memref<2x15616xi32, #tpu.memory_space<hbm>>
      %dma_start3A_110 = arith.constant 0 : i32
      %dma_start3A_111 = tpu.memref_slice %arg2[%dma_start3A_110, %add3A] : memref<2x500000xi32, #tpu.memory_space<hbm>> -> memref<2x15616xi32, #tpu.memory_space<hbm>>
      tpu.enqueue_dma source(%dma_start3A_111 : memref<2x15616xi32, #tpu.memory_space<hbm>>) target(%arg7 : memref<2x15616xi32, #tpu.memory_space<vmem>>) target_semaphore(%run_scoped3A_108 : memref<!tpu.dma_semaphore, #tpu.memory_space<semaphore_mem>>)
      %dma_wait3A = arith.constant 0 : i32
      %dma_wait3A_112 = tpu.memref_slice %arg2[%dma_wait3A, %add3A] : memref<2x500000xi32, #tpu.memory_space<hbm>> -> memref<2x15616xi32, #tpu.memory_space<hbm>>
      %dma_wait3A_113 = arith.constant 0 : i32
      %dma_wait3A_114 = tpu.memref_slice %arg2[%dma_wait3A_113, %add3A] : memref<2x500000xi32, #tpu.memory_space<hbm>> -> memref<2x15616xi32, #tpu.memory_space<hbm>>
      tpu.wait_dma2 semaphore(%run_scoped3A_108 : memref<!tpu.dma_semaphore, #tpu.memory_space<semaphore_mem>>) src(%dma_wait3A_114 : memref<2x15616xi32, #tpu.memory_space<hbm>>) dst(%arg7 : memref<2x15616xi32, #tpu.memory_space<vmem>>)
      tpu.yield
    }) : () -> ()
    %scan3A_16 = arith.constant 0 : i32
    %scan3A_17 = arith.constant 7 : i32
    %scan3A_18 = arith.addi %scan3A_16, %scan3A_17 : i32
    %scan3A_19 = arith.constant 1 : i32
    scf.for %scan3A_108 = %scan3A_16 to %scan3A_18 step %scan3A_19  : i32 {
      %mul3A_109 = arith.constant 16 : i32
      %mul3A_110 = arith.muli %scan3A_108, %mul3A_109 : i32
      %add3A_111 = arith.constant 0 : i32
      %add3A_112 = arith.addi %mul3A_110, %add3A_111 : i32
      %mul3A_113 = arith.constant 128 : i32
      %mul3A_114 = arith.muli %add3A_112, %mul3A_113 : i32
      %dma_start3A = arith.constant 1 : i32
      %dma_start3A_115 = tpu.memref_slice %arg7[%dma_start3A, %mul3A_114] : memref<2x15616xi32, #tpu.memory_space<vmem>> -> memref<1x128xi32, #tpu.memory_space<vmem>>
      %dma_start3A_116 = tpu.memref_squeeze %dma_start3A_115 : memref<1x128xi32, #tpu.memory_space<vmem>> -> memref<128xi32, #tpu.memory_space<vmem>>
      %dma_start3A_117 = arith.constant 0 : i32
      %dma_start3A_118 = tpu.memref_slice %arg12[%dma_start3A_117] : memref<65536xf32, #tpu.memory_space<vmem_shared>> -> memref<65536xf32, #tpu.memory_space<vmem_shared>>
      tpu.enqueue_indirect_dma source(%arg9 : memref<128xf32, #tpu.memory_space<vmem>>) target(%dma_start3A_118 : memref<65536xf32, #tpu.memory_space<vmem_shared>>) offsets(%dma_start3A_116 : memref<128xi32, #tpu.memory_space<vmem>>) semaphore(%arg11 : memref<!tpu.dma_semaphore, #tpu.memory_space<semaphore_mem>>) {add = true}
      %mul3A_119 = arith.constant 16 : i32
      %mul3A_120 = arith.muli %scan3A_108, %mul3A_119 : i32
      %add3A_121 = arith.constant 1 : i32
      %add3A_122 = arith.addi %mul3A_120, %add3A_121 : i32
      %mul3A_123 = arith.constant 128 : i32
      %mul3A_124 = arith.muli %add3A_122, %mul3A_123 : i32
      %dma_start3A_125 = arith.constant 1 : i32
      %dma_start3A_126 = tpu.memref_slice %arg7[%dma_start3A_125, %mul3A_124] : memref<2x15616xi32, #tpu.memory_space<vmem>> -> memref<1x128xi32, #tpu.memory_space<vmem>>
      %dma_start3A_127 = tpu.memref_squeeze %dma_start3A_126 : memref<1x128xi32, #tpu.memory_space<vmem>> -> memref<128xi32, #tpu.memory_space<vmem>>
      %dma_start3A_128 = arith.constant 0 : i32
      %dma_start3A_129 = tpu.memref_slice %arg12[%dma_start3A_128] : memref<65536xf32, #tpu.memory_space<vmem_shared>> -> memref<65536xf32, #tpu.memory_space<vmem_shared>>
      tpu.enqueue_indirect_dma source(%arg9 : memref<128xf32, #tpu.memory_space<vmem>>) target(%dma_start3A_129 : memref<65536xf32, #tpu.memory_space<vmem_shared>>) offsets(%dma_start3A_127 : memref<128xi32, #tpu.memory_space<vmem>>) semaphore(%arg11 : memref<!tpu.dma_semaphore, #tpu.memory_space<semaphore_mem>>) {add = true}
      %mul3A_130 = arith.constant 16 : i32
      %mul3A_131 = arith.muli %scan3A_108, %mul3A_130 : i32
      %add3A_132 = arith.constant 2 : i32
      %add3A_133 = arith.addi %mul3A_131, %add3A_132 : i32
      %mul3A_134 = arith.constant 128 : i32
      %mul3A_135 = arith.muli %add3A_133, %mul3A_134 : i32
      %dma_start3A_136 = arith.constant 1 : i32
      %dma_start3A_137 = tpu.memref_slice %arg7[%dma_start3A_136, %mul3A_135] : memref<2x15616xi32, #tpu.memory_space<vmem>> -> memref<1x128xi32, #tpu.memory_space<vmem>>
      %dma_start3A_138 = tpu.memref_squeeze %dma_start3A_137 : memref<1x128xi32, #tpu.memory_space<vmem>> -> memref<128xi32, #tpu.memory_space<vmem>>
      %dma_start3A_139 = arith.constant 0 : i32
      %dma_start3A_140 = tpu.memref_slice %arg12[%dma_start3A_139] : memref<65536xf32, #tpu.memory_space<vmem_shared>> -> memref<65536xf32, #tpu.memory_space<vmem_shared>>
      tpu.enqueue_indirect_dma source(%arg9 : memref<128xf32, #tpu.memory_space<vmem>>) target(%dma_start3A_140 : memref<65536xf32, #tpu.memory_space<vmem_shared>>) offsets(%dma_start3A_138 : memref<128xi32, #tpu.memory_space<vmem>>) semaphore(%arg11 : memref<!tpu.dma_semaphore, #tpu.memory_space<semaphore_mem>>) {add = true}
      %mul3A_141 = arith.constant 16 : i32
      %mul3A_142 = arith.muli %scan3A_108, %mul3A_141 : i32
      %add3A_143 = arith.constant 3 : i32
      %add3A_144 = arith.addi %mul3A_142, %add3A_143 : i32
      %mul3A_145 = arith.constant 128 : i32
      %mul3A_146 = arith.muli %add3A_144, %mul3A_145 : i32
      %dma_start3A_147 = arith.constant 1 : i32
      %dma_start3A_148 = tpu.memref_slice %arg7[%dma_start3A_147, %mul3A_146] : memref<2x15616xi32, #tpu.memory_space<vmem>> -> memref<1x128xi32, #tpu.memory_space<vmem>>
      %dma_start3A_149 = tpu.memref_squeeze %dma_start3A_148 : memref<1x128xi32, #tpu.memory_space<vmem>> -> memref<128xi32, #tpu.memory_space<vmem>>
      %dma_start3A_150 = arith.constant 0 : i32
      %dma_start3A_151 = tpu.memref_slice %arg12[%dma_start3A_150] : memref<65536xf32, #tpu.memory_space<vmem_shared>> -> memref<65536xf32, #tpu.memory_space<vmem_shared>>
      tpu.enqueue_indirect_dma source(%arg9 : memref<128xf32, #tpu.memory_space<vmem>>) target(%dma_start3A_151 : memref<65536xf32, #tpu.memory_space<vmem_shared>>) offsets(%dma_start3A_149 : memref<128xi32, #tpu.memory_space<vmem>>) semaphore(%arg11 : memref<!tpu.dma_semaphore, #tpu.memory_space<semaphore_mem>>) {add = true}
      %mul3A_152 = arith.constant 16 : i32
      %mul3A_153 = arith.muli %scan3A_108, %mul3A_152 : i32
      %add3A_154 = arith.constant 4 : i32
      %add3A_155 = arith.addi %mul3A_153, %add3A_154 : i32
      %mul3A_156 = arith.constant 128 : i32
      %mul3A_157 = arith.muli %add3A_155, %mul3A_156 : i32
      %dma_start3A_158 = arith.constant 1 : i32
      %dma_start3A_159 = tpu.memref_slice %arg7[%dma_start3A_158, %mul3A_157] : memref<2x15616xi32, #tpu.memory_space<vmem>> -> memref<1x128xi32, #tpu.memory_space<vmem>>
      %dma_start3A_160 = tpu.memref_squeeze %dma_start3A_159 : memref<1x128xi32, #tpu.memory_space<vmem>> -> memref<128xi32, #tpu.memory_space<vmem>>
      %dma_start3A_161 = arith.constant 0 : i32
      %dma_start3A_162 = tpu.memref_slice %arg12[%dma_start3A_161] : memref<65536xf32, #tpu.memory_space<vmem_shared>> -> memref<65536xf32, #tpu.memory_space<vmem_shared>>
      tpu.enqueue_indirect_dma source(%arg9 : memref<128xf32, #tpu.memory_space<vmem>>) target(%dma_start3A_162 : memref<65536xf32, #tpu.memory_space<vmem_shared>>) offsets(%dma_start3A_160 : memref<128xi32, #tpu.memory_space<vmem>>) semaphore(%arg11 : memref<!tpu.dma_semaphore, #tpu.memory_space<semaphore_mem>>) {add = true}
      %mul3A_163 = arith.constant 16 : i32
      %mul3A_164 = arith.muli %scan3A_108, %mul3A_163 : i32
      %add3A_165 = arith.constant 5 : i32
      %add3A_166 = arith.addi %mul3A_164, %add3A_165 : i32
      %mul3A_167 = arith.constant 128 : i32
      %mul3A_168 = arith.muli %add3A_166, %mul3A_167 : i32
      %dma_start3A_169 = arith.constant 1 : i32
      %dma_start3A_170 = tpu.memref_slice %arg7[%dma_start3A_169, %mul3A_168] : memref<2x15616xi32, #tpu.memory_space<vmem>> -> memref<1x128xi32, #tpu.memory_space<vmem>>
      %dma_start3A_171 = tpu.memref_squeeze %dma_start3A_170 : memref<1x128xi32, #tpu.memory_space<vmem>> -> memref<128xi32, #tpu.memory_space<vmem>>
      %dma_start3A_172 = arith.constant 0 : i32
      %dma_start3A_173 = tpu.memref_slice %arg12[%dma_start3A_172] : memref<65536xf32, #tpu.memory_space<vmem_shared>> -> memref<65536xf32, #tpu.memory_space<vmem_shared>>
      tpu.enqueue_indirect_dma source(%arg9 : memref<128xf32, #tpu.memory_space<vmem>>) target(%dma_start3A_173 : memref<65536xf32, #tpu.memory_space<vmem_shared>>) offsets(%dma_start3A_171 : memref<128xi32, #tpu.memory_space<vmem>>) semaphore(%arg11 : memref<!tpu.dma_semaphore, #tpu.memory_space<semaphore_mem>>) {add = true}
      %mul3A_174 = arith.constant 16 : i32
      %mul3A_175 = arith.muli %scan3A_108, %mul3A_174 : i32
      %add3A_176 = arith.constant 6 : i32
      %add3A_177 = arith.addi %mul3A_175, %add3A_176 : i32
      %mul3A_178 = arith.constant 128 : i32
      %mul3A_179 = arith.muli %add3A_177, %mul3A_178 : i32
      %dma_start3A_180 = arith.constant 1 : i32
      %dma_start3A_181 = tpu.memref_slice %arg7[%dma_start3A_180, %mul3A_179] : memref<2x15616xi32, #tpu.memory_space<vmem>> -> memref<1x128xi32, #tpu.memory_space<vmem>>
      %dma_start3A_182 = tpu.memref_squeeze %dma_start3A_181 : memref<1x128xi32, #tpu.memory_space<vmem>> -> memref<128xi32, #tpu.memory_space<vmem>>
      %dma_start3A_183 = arith.constant 0 : i32
      %dma_start3A_184 = tpu.memref_slice %arg12[%dma_start3A_183] : memref<65536xf32, #tpu.memory_space<vmem_shared>> -> memref<65536xf32, #tpu.memory_space<vmem_shared>>
      tpu.enqueue_indirect_dma source(%arg9 : memref<128xf32, #tpu.memory_space<vmem>>) target(%dma_start3A_184 : memref<65536xf32, #tpu.memory_space<vmem_shared>>) offsets(%dma_start3A_182 : memref<128xi32, #tpu.memory_space<vmem>>) semaphore(%arg11 : memref<!tpu.dma_semaphore, #tpu.memory_space<semaphore_mem>>) {add = true}
      %mul3A_185 = arith.constant 16 : i32
      %mul3A_186 = arith.muli %scan3A_108, %mul3A_185 : i32
      %add3A_187 = arith.constant 7 : i32
      %add3A_188 = arith.addi %mul3A_186, %add3A_187 : i32
      %mul3A_189 = arith.constant 128 : i32
      %mul3A_190 = arith.muli %add3A_188, %mul3A_189 : i32
      %dma_start3A_191 = arith.constant 1 : i32
      %dma_start3A_192 = tpu.memref_slice %arg7[%dma_start3A_191, %mul3A_190] : memref<2x15616xi32, #tpu.memory_space<vmem>> -> memref<1x128xi32, #tpu.memory_space<vmem>>
      %dma_start3A_193 = tpu.memref_squeeze %dma_start3A_192 : memref<1x128xi32, #tpu.memory_space<vmem>> -> memref<128xi32, #tpu.memory_space<vmem>>
      %dma_start3A_194 = arith.constant 0 : i32
      %dma_start3A_195 = tpu.memref_slice %arg12[%dma_start3A_194] : memref<65536xf32, #tpu.memory_space<vmem_shared>> -> memref<65536xf32, #tpu.memory_space<vmem_shared>>
      tpu.enqueue_indirect_dma source(%arg9 : memref<128xf32, #tpu.memory_space<vmem>>) target(%dma_start3A_195 : memref<65536xf32, #tpu.memory_space<vmem_shared>>) offsets(%dma_start3A_193 : memref<128xi32, #tpu.memory_space<vmem>>) semaphore(%arg11 : memref<!tpu.dma_semaphore, #tpu.memory_space<semaphore_mem>>) {add = true}
      %mul3A_196 = arith.constant 16 : i32
      %mul3A_197 = arith.muli %scan3A_108, %mul3A_196 : i32
      %add3A_198 = arith.constant 8 : i32
      %add3A_199 = arith.addi %mul3A_197, %add3A_198 : i32
      %mul3A_200 = arith.constant 128 : i32
      %mul3A_201 = arith.muli %add3A_199, %mul3A_200 : i32
      %dma_start3A_202 = arith.constant 1 : i32
      %dma_start3A_203 = tpu.memref_slice %arg7[%dma_start3A_202, %mul3A_201] : memref<2x15616xi32, #tpu.memory_space<vmem>> -> memref<1x128xi32, #tpu.memory_space<vmem>>
      %dma_start3A_204 = tpu.memref_squeeze %dma_start3A_203 : memref<1x128xi32, #tpu.memory_space<vmem>> -> memref<128xi32, #tpu.memory_space<vmem>>
      %dma_start3A_205 = arith.constant 0 : i32
      %dma_start3A_206 = tpu.memref_slice %arg12[%dma_start3A_205] : memref<65536xf32, #tpu.memory_space<vmem_shared>> -> memref<65536xf32, #tpu.memory_space<vmem_shared>>
      tpu.enqueue_indirect_dma source(%arg9 : memref<128xf32, #tpu.memory_space<vmem>>) target(%dma_start3A_206 : memref<65536xf32, #tpu.memory_space<vmem_shared>>) offsets(%dma_start3A_204 : memref<128xi32, #tpu.memory_space<vmem>>) semaphore(%arg11 : memref<!tpu.dma_semaphore, #tpu.memory_space<semaphore_mem>>) {add = true}
      %mul3A_207 = arith.constant 16 : i32
      %mul3A_208 = arith.muli %scan3A_108, %mul3A_207 : i32
      %add3A_209 = arith.constant 9 : i32
      %add3A_210 = arith.addi %mul3A_208, %add3A_209 : i32
      %mul3A_211 = arith.constant 128 : i32
      %mul3A_212 = arith.muli %add3A_210, %mul3A_211 : i32
      %dma_start3A_213 = arith.constant 1 : i32
      %dma_start3A_214 = tpu.memref_slice %arg7[%dma_start3A_213, %mul3A_212] : memref<2x15616xi32, #tpu.memory_space<vmem>> -> memref<1x128xi32, #tpu.memory_space<vmem>>
      %dma_start3A_215 = tpu.memref_squeeze %dma_start3A_214 : memref<1x128xi32, #tpu.memory_space<vmem>> -> memref<128xi32, #tpu.memory_space<vmem>>
      %dma_start3A_216 = arith.constant 0 : i32
      %dma_start3A_217 = tpu.memref_slice %arg12[%dma_start3A_216] : memref<65536xf32, #tpu.memory_space<vmem_shared>> -> memref<65536xf32, #tpu.memory_space<vmem_shared>>
      tpu.enqueue_indirect_dma source(%arg9 : memref<128xf32, #tpu.memory_space<vmem>>) target(%dma_start3A_217 : memref<65536xf32, #tpu.memory_space<vmem_shared>>) offsets(%dma_start3A_215 : memref<128xi32, #tpu.memory_space<vmem>>) semaphore(%arg11 : memref<!tpu.dma_semaphore, #tpu.memory_space<semaphore_mem>>) {add = true}
      %mul3A_218 = arith.constant 16 : i32
      %mul3A_219 = arith.muli %scan3A_108, %mul3A_218 : i32
      %add3A_220 = arith.constant 10 : i32
      %add3A_221 = arith.addi %mul3A_219, %add3A_220 : i32
      %mul3A_222 = arith.constant 128 : i32
      %mul3A_223 = arith.muli %add3A_221, %mul3A_222 : i32
      %dma_start3A_224 = arith.constant 1 : i32
      %dma_start3A_225 = tpu.memref_slice %arg7[%dma_start3A_224, %mul3A_223] : memref<2x15616xi32, #tpu.memory_space<vmem>> -> memref<1x128xi32, #tpu.memory_space<vmem>>
      %dma_start3A_226 = tpu.memref_squeeze %dma_start3A_225 : memref<1x128xi32, #tpu.memory_space<vmem>> -> memref<128xi32, #tpu.memory_space<vmem>>
      %dma_start3A_227 = arith.constant 0 : i32
      %dma_start3A_228 = tpu.memref_slice %arg12[%dma_start3A_227] : memref<65536xf32, #tpu.memory_space<vmem_shared>> -> memref<65536xf32, #tpu.memory_space<vmem_shared>>
      tpu.enqueue_indirect_dma source(%arg9 : memref<128xf32, #tpu.memory_space<vmem>>) target(%dma_start3A_228 : memref<65536xf32, #tpu.memory_space<vmem_shared>>) offsets(%dma_start3A_226 : memref<128xi32, #tpu.memory_space<vmem>>) semaphore(%arg11 : memref<!tpu.dma_semaphore, #tpu.memory_space<semaphore_mem>>) {add = true}
      %mul3A_229 = arith.constant 16 : i32
      %mul3A_230 = arith.muli %scan3A_108, %mul3A_229 : i32
      %add3A_231 = arith.constant 11 : i32
      %add3A_232 = arith.addi %mul3A_230, %add3A_231 : i32
      %mul3A_233 = arith.constant 128 : i32
      %mul3A_234 = arith.muli %add3A_232, %mul3A_233 : i32
      %dma_start3A_235 = arith.constant 1 : i32
      %dma_start3A_236 = tpu.memref_slice %arg7[%dma_start3A_235, %mul3A_234] : memref<2x15616xi32, #tpu.memory_space<vmem>> -> memref<1x128xi32, #tpu.memory_space<vmem>>
      %dma_start3A_237 = tpu.memref_squeeze %dma_start3A_236 : memref<1x128xi32, #tpu.memory_space<vmem>> -> memref<128xi32, #tpu.memory_space<vmem>>
      %dma_start3A_238 = arith.constant 0 : i32
      %dma_start3A_239 = tpu.memref_slice %arg12[%dma_start3A_238] : memref<65536xf32, #tpu.memory_space<vmem_shared>> -> memref<65536xf32, #tpu.memory_space<vmem_shared>>
      tpu.enqueue_indirect_dma source(%arg9 : memref<128xf32, #tpu.memory_space<vmem>>) target(%dma_start3A_239 : memref<65536xf32, #tpu.memory_space<vmem_shared>>) offsets(%dma_start3A_237 : memref<128xi32, #tpu.memory_space<vmem>>) semaphore(%arg11 : memref<!tpu.dma_semaphore, #tpu.memory_space<semaphore_mem>>) {add = true}
      %mul3A_240 = arith.constant 16 : i32
      %mul3A_241 = arith.muli %scan3A_108, %mul3A_240 : i32
      %add3A_242 = arith.constant 12 : i32
      %add3A_243 = arith.addi %mul3A_241, %add3A_242 : i32
      %mul3A_244 = arith.constant 128 : i32
      %mul3A_245 = arith.muli %add3A_243, %mul3A_244 : i32
      %dma_start3A_246 = arith.constant 1 : i32
      %dma_start3A_247 = tpu.memref_slice %arg7[%dma_start3A_246, %mul3A_245] : memref<2x15616xi32, #tpu.memory_space<vmem>> -> memref<1x128xi32, #tpu.memory_space<vmem>>
      %dma_start3A_248 = tpu.memref_squeeze %dma_start3A_247 : memref<1x128xi32, #tpu.memory_space<vmem>> -> memref<128xi32, #tpu.memory_space<vmem>>
      %dma_start3A_249 = arith.constant 0 : i32
      %dma_start3A_250 = tpu.memref_slice %arg12[%dma_start3A_249] : memref<65536xf32, #tpu.memory_space<vmem_shared>> -> memref<65536xf32, #tpu.memory_space<vmem_shared>>
      tpu.enqueue_indirect_dma source(%arg9 : memref<128xf32, #tpu.memory_space<vmem>>) target(%dma_start3A_250 : memref<65536xf32, #tpu.memory_space<vmem_shared>>) offsets(%dma_start3A_248 : memref<128xi32, #tpu.memory_space<vmem>>) semaphore(%arg11 : memref<!tpu.dma_semaphore, #tpu.memory_space<semaphore_mem>>) {add = true}
      %mul3A_251 = arith.constant 16 : i32
      %mul3A_252 = arith.muli %scan3A_108, %mul3A_251 : i32
      %add3A_253 = arith.constant 13 : i32
      %add3A_254 = arith.addi %mul3A_252, %add3A_253 : i32
      %mul3A_255 = arith.constant 128 : i32
      %mul3A_256 = arith.muli %add3A_254, %mul3A_255 : i32
      %dma_start3A_257 = arith.constant 1 : i32
      %dma_start3A_258 = tpu.memref_slice %arg7[%dma_start3A_257, %mul3A_256] : memref<2x15616xi32, #tpu.memory_space<vmem>> -> memref<1x128xi32, #tpu.memory_space<vmem>>
      %dma_start3A_259 = tpu.memref_squeeze %dma_start3A_258 : memref<1x128xi32, #tpu.memory_space<vmem>> -> memref<128xi32, #tpu.memory_space<vmem>>
      %dma_start3A_260 = arith.constant 0 : i32
      %dma_start3A_261 = tpu.memref_slice %arg12[%dma_start3A_260] : memref<65536xf32, #tpu.memory_space<vmem_shared>> -> memref<65536xf32, #tpu.memory_space<vmem_shared>>
      tpu.enqueue_indirect_dma source(%arg9 : memref<128xf32, #tpu.memory_space<vmem>>) target(%dma_start3A_261 : memref<65536xf32, #tpu.memory_space<vmem_shared>>) offsets(%dma_start3A_259 : memref<128xi32, #tpu.memory_space<vmem>>) semaphore(%arg11 : memref<!tpu.dma_semaphore, #tpu.memory_space<semaphore_mem>>) {add = true}
      %mul3A_262 = arith.constant 16 : i32
      %mul3A_263 = arith.muli %scan3A_108, %mul3A_262 : i32
      %add3A_264 = arith.constant 14 : i32
      %add3A_265 = arith.addi %mul3A_263, %add3A_264 : i32
      %mul3A_266 = arith.constant 128 : i32
      %mul3A_267 = arith.muli %add3A_265, %mul3A_266 : i32
      %dma_start3A_268 = arith.constant 1 : i32
      %dma_start3A_269 = tpu.memref_slice %arg7[%dma_start3A_268, %mul3A_267] : memref<2x15616xi32, #tpu.memory_space<vmem>> -> memref<1x128xi32, #tpu.memory_space<vmem>>
      %dma_start3A_270 = tpu.memref_squeeze %dma_start3A_269 : memref<1x128xi32, #tpu.memory_space<vmem>> -> memref<128xi32, #tpu.memory_space<vmem>>
      %dma_start3A_271 = arith.constant 0 : i32
      %dma_start3A_272 = tpu.memref_slice %arg12[%dma_start3A_271] : memref<65536xf32, #tpu.memory_space<vmem_shared>> -> memref<65536xf32, #tpu.memory_space<vmem_shared>>
      tpu.enqueue_indirect_dma source(%arg9 : memref<128xf32, #tpu.memory_space<vmem>>) target(%dma_start3A_272 : memref<65536xf32, #tpu.memory_space<vmem_shared>>) offsets(%dma_start3A_270 : memref<128xi32, #tpu.memory_space<vmem>>) semaphore(%arg11 : memref<!tpu.dma_semaphore, #tpu.memory_space<semaphore_mem>>) {add = true}
      %mul3A_273 = arith.constant 16 : i32
      %mul3A_274 = arith.muli %scan3A_108, %mul3A_273 : i32
      %add3A_275 = arith.constant 15 : i32
      %add3A_276 = arith.addi %mul3A_274, %add3A_275 : i32
      %mul3A_277 = arith.constant 128 : i32
      %mul3A_278 = arith.muli %add3A_276, %mul3A_277 : i32
      %dma_start3A_279 = arith.constant 1 : i32
      %dma_start3A_280 = tpu.memref_slice %arg7[%dma_start3A_279, %mul3A_278] : memref<2x15616xi32, #tpu.memory_space<vmem>> -> memref<1x128xi32, #tpu.memory_space<vmem>>
      %dma_start3A_281 = tpu.memref_squeeze %dma_start3A_280 : memref<1x128xi32, #tpu.memory_space<vmem>> -> memref<128xi32, #tpu.memory_space<vmem>>
      %dma_start3A_282 = arith.constant 0 : i32
      %dma_start3A_283 = tpu.memref_slice %arg12[%dma_start3A_282] : memref<65536xf32, #tpu.memory_space<vmem_shared>> -> memref<65536xf32, #tpu.memory_space<vmem_shared>>
      tpu.enqueue_indirect_dma source(%arg9 : memref<128xf32, #tpu.memory_space<vmem>>) target(%dma_start3A_283 : memref<65536xf32, #tpu.memory_space<vmem_shared>>) offsets(%dma_start3A_281 : memref<128xi32, #tpu.memory_space<vmem>>) semaphore(%arg11 : memref<!tpu.dma_semaphore, #tpu.memory_space<semaphore_mem>>) {add = true}
      %dma_wait3A = arith.constant 1 : i32
      %dma_wait3A_284 = tpu.memref_slice %arg7[%dma_wait3A, %mul3A_114] : memref<2x15616xi32, #tpu.memory_space<vmem>> -> memref<1x128xi32, #tpu.memory_space<vmem>>
      %dma_wait3A_285 = tpu.memref_squeeze %dma_wait3A_284 : memref<1x128xi32, #tpu.memory_space<vmem>> -> memref<128xi32, #tpu.memory_space<vmem>>
      %dma_wait3A_286 = arith.constant 0 : i32
      %dma_wait3A_287 = tpu.memref_slice %arg12[%dma_wait3A_286] : memref<65536xf32, #tpu.memory_space<vmem_shared>> -> memref<65536xf32, #tpu.memory_space<vmem_shared>>
      tpu.wait_indirect_dma semaphore(%arg11 : memref<!tpu.dma_semaphore, #tpu.memory_space<semaphore_mem>>) src(%arg9 : memref<128xf32, #tpu.memory_space<vmem>>) dst(%dma_wait3A_287 : memref<65536xf32, #tpu.memory_space<vmem_shared>>)
      %dma_wait3A_288 = arith.constant 1 : i32
      %dma_wait3A_289 = tpu.memref_slice %arg7[%dma_wait3A_288, %mul3A_124] : memref<2x15616xi32, #tpu.memory_space<vmem>> -> memref<1x128xi32, #tpu.memory_space<vmem>>
      %dma_wait3A_290 = tpu.memref_squeeze %dma_wait3A_289 : memref<1x128xi32, #tpu.memory_space<vmem>> -> memref<128xi32, #tpu.memory_space<vmem>>
      %dma_wait3A_291 = arith.constant 0 : i32
      %dma_wait3A_292 = tpu.memref_slice %arg12[%dma_wait3A_291] : memref<65536xf32, #tpu.memory_space<vmem_shared>> -> memref<65536xf32, #tpu.memory_space<vmem_shared>>
      tpu.wait_indirect_dma semaphore(%arg11 : memref<!tpu.dma_semaphore, #tpu.memory_space<semaphore_mem>>) src(%arg9 : memref<128xf32, #tpu.memory_space<vmem>>) dst(%dma_wait3A_292 : memref<65536xf32, #tpu.memory_space<vmem_shared>>)
      %dma_wait3A_293 = arith.constant 1 : i32
      %dma_wait3A_294 = tpu.memref_slice %arg7[%dma_wait3A_293, %mul3A_135] : memref<2x15616xi32, #tpu.memory_space<vmem>> -> memref<1x128xi32, #tpu.memory_space<vmem>>
      %dma_wait3A_295 = tpu.memref_squeeze %dma_wait3A_294 : memref<1x128xi32, #tpu.memory_space<vmem>> -> memref<128xi32, #tpu.memory_space<vmem>>
      %dma_wait3A_296 = arith.constant 0 : i32
      %dma_wait3A_297 = tpu.memref_slice %arg12[%dma_wait3A_296] : memref<65536xf32, #tpu.memory_space<vmem_shared>> -> memref<65536xf32, #tpu.memory_space<vmem_shared>>
      tpu.wait_indirect_dma semaphore(%arg11 : memref<!tpu.dma_semaphore, #tpu.memory_space<semaphore_mem>>) src(%arg9 : memref<128xf32, #tpu.memory_space<vmem>>) dst(%dma_wait3A_297 : memref<65536xf32, #tpu.memory_space<vmem_shared>>)
      %dma_wait3A_298 = arith.constant 1 : i32
      %dma_wait3A_299 = tpu.memref_slice %arg7[%dma_wait3A_298, %mul3A_146] : memref<2x15616xi32, #tpu.memory_space<vmem>> -> memref<1x128xi32, #tpu.memory_space<vmem>>
      %dma_wait3A_300 = tpu.memref_squeeze %dma_wait3A_299 : memref<1x128xi32, #tpu.memory_space<vmem>> -> memref<128xi32, #tpu.memory_space<vmem>>
      %dma_wait3A_301 = arith.constant 0 : i32
      %dma_wait3A_302 = tpu.memref_slice %arg12[%dma_wait3A_301] : memref<65536xf32, #tpu.memory_space<vmem_shared>> -> memref<65536xf32, #tpu.memory_space<vmem_shared>>
      tpu.wait_indirect_dma semaphore(%arg11 : memref<!tpu.dma_semaphore, #tpu.memory_space<semaphore_mem>>) src(%arg9 : memref<128xf32, #tpu.memory_space<vmem>>) dst(%dma_wait3A_302 : memref<65536xf32, #tpu.memory_space<vmem_shared>>)
      %dma_wait3A_303 = arith.constant 1 : i32
      %dma_wait3A_304 = tpu.memref_slice %arg7[%dma_wait3A_303, %mul3A_157] : memref<2x15616xi32, #tpu.memory_space<vmem>> -> memref<1x128xi32, #tpu.memory_space<vmem>>
      %dma_wait3A_305 = tpu.memref_squeeze %dma_wait3A_304 : memref<1x128xi32, #tpu.memory_space<vmem>> -> memref<128xi32, #tpu.memory_space<vmem>>
      %dma_wait3A_306 = arith.constant 0 : i32
      %dma_wait3A_307 = tpu.memref_slice %arg12[%dma_wait3A_306] : memref<65536xf32, #tpu.memory_space<vmem_shared>> -> memref<65536xf32, #tpu.memory_space<vmem_shared>>
      tpu.wait_indirect_dma semaphore(%arg11 : memref<!tpu.dma_semaphore, #tpu.memory_space<semaphore_mem>>) src(%arg9 : memref<128xf32, #tpu.memory_space<vmem>>) dst(%dma_wait3A_307 : memref<65536xf32, #tpu.memory_space<vmem_shared>>)
      %dma_wait3A_308 = arith.constant 1 : i32
      %dma_wait3A_309 = tpu.memref_slice %arg7[%dma_wait3A_308, %mul3A_168] : memref<2x15616xi32, #tpu.memory_space<vmem>> -> memref<1x128xi32, #tpu.memory_space<vmem>>
      %dma_wait3A_310 = tpu.memref_squeeze %dma_wait3A_309 : memref<1x128xi32, #tpu.memory_space<vmem>> -> memref<128xi32, #tpu.memory_space<vmem>>
      %dma_wait3A_311 = arith.constant 0 : i32
      %dma_wait3A_312 = tpu.memref_slice %arg12[%dma_wait3A_311] : memref<65536xf32, #tpu.memory_space<vmem_shared>> -> memref<65536xf32, #tpu.memory_space<vmem_shared>>
      tpu.wait_indirect_dma semaphore(%arg11 : memref<!tpu.dma_semaphore, #tpu.memory_space<semaphore_mem>>) src(%arg9 : memref<128xf32, #tpu.memory_space<vmem>>) dst(%dma_wait3A_312 : memref<65536xf32, #tpu.memory_space<vmem_shared>>)
      %dma_wait3A_313 = arith.constant 1 : i32
      %dma_wait3A_314 = tpu.memref_slice %arg7[%dma_wait3A_313, %mul3A_179] : memref<2x15616xi32, #tpu.memory_space<vmem>> -> memref<1x128xi32, #tpu.memory_space<vmem>>
      %dma_wait3A_315 = tpu.memref_squeeze %dma_wait3A_314 : memref<1x128xi32, #tpu.memory_space<vmem>> -> memref<128xi32, #tpu.memory_space<vmem>>
      %dma_wait3A_316 = arith.constant 0 : i32
      %dma_wait3A_317 = tpu.memref_slice %arg12[%dma_wait3A_316] : memref<65536xf32, #tpu.memory_space<vmem_shared>> -> memref<65536xf32, #tpu.memory_space<vmem_shared>>
      tpu.wait_indirect_dma semaphore(%arg11 : memref<!tpu.dma_semaphore, #tpu.memory_space<semaphore_mem>>) src(%arg9 : memref<128xf32, #tpu.memory_space<vmem>>) dst(%dma_wait3A_317 : memref<65536xf32, #tpu.memory_space<vmem_shared>>)
      %dma_wait3A_318 = arith.constant 1 : i32
      %dma_wait3A_319 = tpu.memref_slice %arg7[%dma_wait3A_318, %mul3A_190] : memref<2x15616xi32, #tpu.memory_space<vmem>> -> memref<1x128xi32, #tpu.memory_space<vmem>>
      %dma_wait3A_320 = tpu.memref_squeeze %dma_wait3A_319 : memref<1x128xi32, #tpu.memory_space<vmem>> -> memref<128xi32, #tpu.memory_space<vmem>>
      %dma_wait3A_321 = arith.constant 0 : i32
      %dma_wait3A_322 = tpu.memref_slice %arg12[%dma_wait3A_321] : memref<65536xf32, #tpu.memory_space<vmem_shared>> -> memref<65536xf32, #tpu.memory_space<vmem_shared>>
      tpu.wait_indirect_dma semaphore(%arg11 : memref<!tpu.dma_semaphore, #tpu.memory_space<semaphore_mem>>) src(%arg9 : memref<128xf32, #tpu.memory_space<vmem>>) dst(%dma_wait3A_322 : memref<65536xf32, #tpu.memory_space<vmem_shared>>)
      %dma_wait3A_323 = arith.constant 1 : i32
      %dma_wait3A_324 = tpu.memref_slice %arg7[%dma_wait3A_323, %mul3A_201] : memref<2x15616xi32, #tpu.memory_space<vmem>> -> memref<1x128xi32, #tpu.memory_space<vmem>>
      %dma_wait3A_325 = tpu.memref_squeeze %dma_wait3A_324 : memref<1x128xi32, #tpu.memory_space<vmem>> -> memref<128xi32, #tpu.memory_space<vmem>>
      %dma_wait3A_326 = arith.constant 0 : i32
      %dma_wait3A_327 = tpu.memref_slice %arg12[%dma_wait3A_326] : memref<65536xf32, #tpu.memory_space<vmem_shared>> -> memref<65536xf32, #tpu.memory_space<vmem_shared>>
      tpu.wait_indirect_dma semaphore(%arg11 : memref<!tpu.dma_semaphore, #tpu.memory_space<semaphore_mem>>) src(%arg9 : memref<128xf32, #tpu.memory_space<vmem>>) dst(%dma_wait3A_327 : memref<65536xf32, #tpu.memory_space<vmem_shared>>)
      %dma_wait3A_328 = arith.constant 1 : i32
      %dma_wait3A_329 = tpu.memref_slice %arg7[%dma_wait3A_328, %mul3A_212] : memref<2x15616xi32, #tpu.memory_space<vmem>> -> memref<1x128xi32, #tpu.memory_space<vmem>>
      %dma_wait3A_330 = tpu.memref_squeeze %dma_wait3A_329 : memref<1x128xi32, #tpu.memory_space<vmem>> -> memref<128xi32, #tpu.memory_space<vmem>>
      %dma_wait3A_331 = arith.constant 0 : i32
      %dma_wait3A_332 = tpu.memref_slice %arg12[%dma_wait3A_331] : memref<65536xf32, #tpu.memory_space<vmem_shared>> -> memref<65536xf32, #tpu.memory_space<vmem_shared>>
      tpu.wait_indirect_dma semaphore(%arg11 : memref<!tpu.dma_semaphore, #tpu.memory_space<semaphore_mem>>) src(%arg9 : memref<128xf32, #tpu.memory_space<vmem>>) dst(%dma_wait3A_332 : memref<65536xf32, #tpu.memory_space<vmem_shared>>)
      %dma_wait3A_333 = arith.constant 1 : i32
      %dma_wait3A_334 = tpu.memref_slice %arg7[%dma_wait3A_333, %mul3A_223] : memref<2x15616xi32, #tpu.memory_space<vmem>> -> memref<1x128xi32, #tpu.memory_space<vmem>>
      %dma_wait3A_335 = tpu.memref_squeeze %dma_wait3A_334 : memref<1x128xi32, #tpu.memory_space<vmem>> -> memref<128xi32, #tpu.memory_space<vmem>>
      %dma_wait3A_336 = arith.constant 0 : i32
      %dma_wait3A_337 = tpu.memref_slice %arg12[%dma_wait3A_336] : memref<65536xf32, #tpu.memory_space<vmem_shared>> -> memref<65536xf32, #tpu.memory_space<vmem_shared>>
      tpu.wait_indirect_dma semaphore(%arg11 : memref<!tpu.dma_semaphore, #tpu.memory_space<semaphore_mem>>) src(%arg9 : memref<128xf32, #tpu.memory_space<vmem>>) dst(%dma_wait3A_337 : memref<65536xf32, #tpu.memory_space<vmem_shared>>)
      %dma_wait3A_338 = arith.constant 1 : i32
      %dma_wait3A_339 = tpu.memref_slice %arg7[%dma_wait3A_338, %mul3A_234] : memref<2x15616xi32, #tpu.memory_space<vmem>> -> memref<1x128xi32, #tpu.memory_space<vmem>>
      %dma_wait3A_340 = tpu.memref_squeeze %dma_wait3A_339 : memref<1x128xi32, #tpu.memory_space<vmem>> -> memref<128xi32, #tpu.memory_space<vmem>>
      %dma_wait3A_341 = arith.constant 0 : i32
      %dma_wait3A_342 = tpu.memref_slice %arg12[%dma_wait3A_341] : memref<65536xf32, #tpu.memory_space<vmem_shared>> -> memref<65536xf32, #tpu.memory_space<vmem_shared>>
      tpu.wait_indirect_dma semaphore(%arg11 : memref<!tpu.dma_semaphore, #tpu.memory_space<semaphore_mem>>) src(%arg9 : memref<128xf32, #tpu.memory_space<vmem>>) dst(%dma_wait3A_342 : memref<65536xf32, #tpu.memory_space<vmem_shared>>)
      %dma_wait3A_343 = arith.constant 1 : i32
      %dma_wait3A_344 = tpu.memref_slice %arg7[%dma_wait3A_343, %mul3A_245] : memref<2x15616xi32, #tpu.memory_space<vmem>> -> memref<1x128xi32, #tpu.memory_space<vmem>>
      %dma_wait3A_345 = tpu.memref_squeeze %dma_wait3A_344 : memref<1x128xi32, #tpu.memory_space<vmem>> -> memref<128xi32, #tpu.memory_space<vmem>>
      %dma_wait3A_346 = arith.constant 0 : i32
      %dma_wait3A_347 = tpu.memref_slice %arg12[%dma_wait3A_346] : memref<65536xf32, #tpu.memory_space<vmem_shared>> -> memref<65536xf32, #tpu.memory_space<vmem_shared>>
      tpu.wait_indirect_dma semaphore(%arg11 : memref<!tpu.dma_semaphore, #tpu.memory_space<semaphore_mem>>) src(%arg9 : memref<128xf32, #tpu.memory_space<vmem>>) dst(%dma_wait3A_347 : memref<65536xf32, #tpu.memory_space<vmem_shared>>)
      %dma_wait3A_348 = arith.constant 1 : i32
      %dma_wait3A_349 = tpu.memref_slice %arg7[%dma_wait3A_348, %mul3A_256] : memref<2x15616xi32, #tpu.memory_space<vmem>> -> memref<1x128xi32, #tpu.memory_space<vmem>>
      %dma_wait3A_350 = tpu.memref_squeeze %dma_wait3A_349 : memref<1x128xi32, #tpu.memory_space<vmem>> -> memref<128xi32, #tpu.memory_space<vmem>>
      %dma_wait3A_351 = arith.constant 0 : i32
      %dma_wait3A_352 = tpu.memref_slice %arg12[%dma_wait3A_351] : memref<65536xf32, #tpu.memory_space<vmem_shared>> -> memref<65536xf32, #tpu.memory_space<vmem_shared>>
      tpu.wait_indirect_dma semaphore(%arg11 : memref<!tpu.dma_semaphore, #tpu.memory_space<semaphore_mem>>) src(%arg9 : memref<128xf32, #tpu.memory_space<vmem>>) dst(%dma_wait3A_352 : memref<65536xf32, #tpu.memory_space<vmem_shared>>)
      %dma_wait3A_353 = arith.constant 1 : i32
      %dma_wait3A_354 = tpu.memref_slice %arg7[%dma_wait3A_353, %mul3A_267] : memref<2x15616xi32, #tpu.memory_space<vmem>> -> memref<1x128xi32, #tpu.memory_space<vmem>>
      %dma_wait3A_355 = tpu.memref_squeeze %dma_wait3A_354 : memref<1x128xi32, #tpu.memory_space<vmem>> -> memref<128xi32, #tpu.memory_space<vmem>>
      %dma_wait3A_356 = arith.constant 0 : i32
      %dma_wait3A_357 = tpu.memref_slice %arg12[%dma_wait3A_356] : memref<65536xf32, #tpu.memory_space<vmem_shared>> -> memref<65536xf32, #tpu.memory_space<vmem_shared>>
      tpu.wait_indirect_dma semaphore(%arg11 : memref<!tpu.dma_semaphore, #tpu.memory_space<semaphore_mem>>) src(%arg9 : memref<128xf32, #tpu.memory_space<vmem>>) dst(%dma_wait3A_357 : memref<65536xf32, #tpu.memory_space<vmem_shared>>)
      %dma_wait3A_358 = arith.constant 1 : i32
      %dma_wait3A_359 = tpu.memref_slice %arg7[%dma_wait3A_358, %mul3A_278] : memref<2x15616xi32, #tpu.memory_space<vmem>> -> memref<1x128xi32, #tpu.memory_space<vmem>>
      %dma_wait3A_360 = tpu.memref_squeeze %dma_wait3A_359 : memref<1x128xi32, #tpu.memory_space<vmem>> -> memref<128xi32, #tpu.memory_space<vmem>>
      %dma_wait3A_361 = arith.constant 0 : i32
      %dma_wait3A_362 = tpu.memref_slice %arg12[%dma_wait3A_361] : memref<65536xf32, #tpu.memory_space<vmem_shared>> -> memref<65536xf32, #tpu.memory_space<vmem_shared>>
      tpu.wait_indirect_dma semaphore(%arg11 : memref<!tpu.dma_semaphore, #tpu.memory_space<semaphore_mem>>) src(%arg9 : memref<128xf32, #tpu.memory_space<vmem>>) dst(%dma_wait3A_362 : memref<65536xf32, #tpu.memory_space<vmem_shared>>)
    }
    %scan3A_20 = arith.constant 7 : i32
    %run_scoped3A = arith.constant 1 : i32
    "tpu.region"() ({
      %run_scoped3A_108 = tpu.sem_alloc : memref<!tpu.dma_semaphore, #tpu.memory_space<semaphore_mem>>
      %dma_start3A = arith.constant 14336 : i32
      %dma_start3A_109 = tpu.memref_slice %arg7[%run_scoped3A, %dma_start3A] : memref<2x15616xi32, #tpu.memory_space<vmem>> -> memref<1x128xi32, #tpu.memory_space<vmem>>
      %dma_start3A_110 = tpu.memref_squeeze %dma_start3A_109 : memref<1x128xi32, #tpu.memory_space<vmem>> -> memref<128xi32, #tpu.memory_space<vmem>>
      %dma_start3A_111 = arith.constant 0 : i32
      %dma_start3A_112 = tpu.memref_slice %arg12[%dma_start3A_111] : memref<65536xf32, #tpu.memory_space<vmem_shared>> -> memref<65536xf32, #tpu.memory_space<vmem_shared>>
      tpu.enqueue_indirect_dma source(%arg9 : memref<128xf32, #tpu.memory_space<vmem>>) target(%dma_start3A_112 : memref<65536xf32, #tpu.memory_space<vmem_shared>>) offsets(%dma_start3A_110 : memref<128xi32, #tpu.memory_space<vmem>>) semaphore(%run_scoped3A_108 : memref<!tpu.dma_semaphore, #tpu.memory_space<semaphore_mem>>) {add = true}
      %dma_wait3A = arith.constant 14336 : i32
      %dma_wait3A_113 = tpu.memref_slice %arg7[%run_scoped3A, %dma_wait3A] : memref<2x15616xi32, #tpu.memory_space<vmem>> -> memref<1x128xi32, #tpu.memory_space<vmem>>
      %dma_wait3A_114 = tpu.memref_squeeze %dma_wait3A_113 : memref<1x128xi32, #tpu.memory_space<vmem>> -> memref<128xi32, #tpu.memory_space<vmem>>
      %dma_wait3A_115 = arith.constant 0 : i32
      %dma_wait3A_116 = tpu.memref_slice %arg12[%dma_wait3A_115] : memref<65536xf32, #tpu.memory_space<vmem_shared>> -> memref<65536xf32, #tpu.memory_space<vmem_shared>>
      tpu.wait_indirect_dma semaphore(%run_scoped3A_108 : memref<!tpu.dma_semaphore, #tpu.memory_space<semaphore_mem>>) src(%arg9 : memref<128xf32, #tpu.memory_space<vmem>>) dst(%dma_wait3A_116 : memref<65536xf32, #tpu.memory_space<vmem_shared>>)
      tpu.yield
    }) : () -> ()
    %run_scoped3A_21 = arith.constant 1 : i32
    "tpu.region"() ({
      %run_scoped3A_108 = tpu.sem_alloc : memref<!tpu.dma_semaphore, #tpu.memory_space<semaphore_mem>>
      %dma_start3A = arith.constant 14464 : i32
      %dma_start3A_109 = tpu.memref_slice %arg7[%run_scoped3A_21, %dma_start3A] : memref<2x15616xi32, #tpu.memory_space<vmem>> -> memref<1x128xi32, #tpu.memory_space<vmem>>
      %dma_start3A_110 = tpu.memref_squeeze %dma_start3A_109 : memref<1x128xi32, #tpu.memory_space<vmem>> -> memref<128xi32, #tpu.memory_space<vmem>>
      %dma_start3A_111 = arith.constant 0 : i32
      %dma_start3A_112 = tpu.memref_slice %arg12[%dma_start3A_111] : memref<65536xf32, #tpu.memory_space<vmem_shared>> -> memref<65536xf32, #tpu.memory_space<vmem_shared>>
      tpu.enqueue_indirect_dma source(%arg9 : memref<128xf32, #tpu.memory_space<vmem>>) target(%dma_start3A_112 : memref<65536xf32, #tpu.memory_space<vmem_shared>>) offsets(%dma_start3A_110 : memref<128xi32, #tpu.memory_space<vmem>>) semaphore(%run_scoped3A_108 : memref<!tpu.dma_semaphore, #tpu.memory_space<semaphore_mem>>) {add = true}
      %dma_wait3A = arith.constant 14464 : i32
      %dma_wait3A_113 = tpu.memref_slice %arg7[%run_scoped3A_21, %dma_wait3A] : memref<2x15616xi32, #tpu.memory_space<vmem>> -> memref<1x128xi32, #tpu.memory_space<vmem>>
      %dma_wait3A_114 = tpu.memref_squeeze %dma_wait3A_113 : memref<1x128xi32, #tpu.memory_space<vmem>> -> memref<128xi32, #tpu.memory_space<vmem>>
      %dma_wait3A_115 = arith.constant 0 : i32
      %dma_wait3A_116 = tpu.memref_slice %arg12[%dma_wait3A_115] : memref<65536xf32, #tpu.memory_space<vmem_shared>> -> memref<65536xf32, #tpu.memory_space<vmem_shared>>
      tpu.wait_indirect_dma semaphore(%run_scoped3A_108 : memref<!tpu.dma_semaphore, #tpu.memory_space<semaphore_mem>>) src(%arg9 : memref<128xf32, #tpu.memory_space<vmem>>) dst(%dma_wait3A_116 : memref<65536xf32, #tpu.memory_space<vmem_shared>>)
      tpu.yield
    }) : () -> ()
    %run_scoped3A_22 = arith.constant 1 : i32
    "tpu.region"() ({
      %run_scoped3A_108 = tpu.sem_alloc : memref<!tpu.dma_semaphore, #tpu.memory_space<semaphore_mem>>
      %dma_start3A = arith.constant 14592 : i32
      %dma_start3A_109 = tpu.memref_slice %arg7[%run_scoped3A_22, %dma_start3A] : memref<2x15616xi32, #tpu.memory_space<vmem>> -> memref<1x128xi32, #tpu.memory_space<vmem>>
      %dma_start3A_110 = tpu.memref_squeeze %dma_start3A_109 : memref<1x128xi32, #tpu.memory_space<vmem>> -> memref<128xi32, #tpu.memory_space<vmem>>
      %dma_start3A_111 = arith.constant 0 : i32
      %dma_start3A_112 = tpu.memref_slice %arg12[%dma_start3A_111] : memref<65536xf32, #tpu.memory_space<vmem_shared>> -> memref<65536xf32, #tpu.memory_space<vmem_shared>>
      tpu.enqueue_indirect_dma source(%arg9 : memref<128xf32, #tpu.memory_space<vmem>>) target(%dma_start3A_112 : memref<65536xf32, #tpu.memory_space<vmem_shared>>) offsets(%dma_start3A_110 : memref<128xi32, #tpu.memory_space<vmem>>) semaphore(%run_scoped3A_108 : memref<!tpu.dma_semaphore, #tpu.memory_space<semaphore_mem>>) {add = true}
      %dma_wait3A = arith.constant 14592 : i32
      %dma_wait3A_113 = tpu.memref_slice %arg7[%run_scoped3A_22, %dma_wait3A] : memref<2x15616xi32, #tpu.memory_space<vmem>> -> memref<1x128xi32, #tpu.memory_space<vmem>>
      %dma_wait3A_114 = tpu.memref_squeeze %dma_wait3A_113 : memref<1x128xi32, #tpu.memory_space<vmem>> -> memref<128xi32, #tpu.memory_space<vmem>>
      %dma_wait3A_115 = arith.constant 0 : i32
      %dma_wait3A_116 = tpu.memref_slice %arg12[%dma_wait3A_115] : memref<65536xf32, #tpu.memory_space<vmem_shared>> -> memref<65536xf32, #tpu.memory_space<vmem_shared>>
      tpu.wait_indirect_dma semaphore(%run_scoped3A_108 : memref<!tpu.dma_semaphore, #tpu.memory_space<semaphore_mem>>) src(%arg9 : memref<128xf32, #tpu.memory_space<vmem>>) dst(%dma_wait3A_116 : memref<65536xf32, #tpu.memory_space<vmem_shared>>)
      tpu.yield
    }) : () -> ()
    %run_scoped3A_23 = arith.constant 1 : i32
    "tpu.region"() ({
      %run_scoped3A_108 = tpu.sem_alloc : memref<!tpu.dma_semaphore, #tpu.memory_space<semaphore_mem>>
      %dma_start3A = arith.constant 14720 : i32
      %dma_start3A_109 = tpu.memref_slice %arg7[%run_scoped3A_23, %dma_start3A] : memref<2x15616xi32, #tpu.memory_space<vmem>> -> memref<1x128xi32, #tpu.memory_space<vmem>>
      %dma_start3A_110 = tpu.memref_squeeze %dma_start3A_109 : memref<1x128xi32, #tpu.memory_space<vmem>> -> memref<128xi32, #tpu.memory_space<vmem>>
      %dma_start3A_111 = arith.constant 0 : i32
      %dma_start3A_112 = tpu.memref_slice %arg12[%dma_start3A_111] : memref<65536xf32, #tpu.memory_space<vmem_shared>> -> memref<65536xf32, #tpu.memory_space<vmem_shared>>
      tpu.enqueue_indirect_dma source(%arg9 : memref<128xf32, #tpu.memory_space<vmem>>) target(%dma_start3A_112 : memref<65536xf32, #tpu.memory_space<vmem_shared>>) offsets(%dma_start3A_110 : memref<128xi32, #tpu.memory_space<vmem>>) semaphore(%run_scoped3A_108 : memref<!tpu.dma_semaphore, #tpu.memory_space<semaphore_mem>>) {add = true}
      %dma_wait3A = arith.constant 14720 : i32
      %dma_wait3A_113 = tpu.memref_slice %arg7[%run_scoped3A_23, %dma_wait3A] : memref<2x15616xi32, #tpu.memory_space<vmem>> -> memref<1x128xi32, #tpu.memory_space<vmem>>
      %dma_wait3A_114 = tpu.memref_squeeze %dma_wait3A_113 : memref<1x128xi32, #tpu.memory_space<vmem>> -> memref<128xi32, #tpu.memory_space<vmem>>
      %dma_wait3A_115 = arith.constant 0 : i32
      %dma_wait3A_116 = tpu.memref_slice %arg12[%dma_wait3A_115] : memref<65536xf32, #tpu.memory_space<vmem_shared>> -> memref<65536xf32, #tpu.memory_space<vmem_shared>>
      tpu.wait_indirect_dma semaphore(%run_scoped3A_108 : memref<!tpu.dma_semaphore, #tpu.memory_space<semaphore_mem>>) src(%arg9 : memref<128xf32, #tpu.memory_space<vmem>>) dst(%dma_wait3A_116 : memref<65536xf32, #tpu.memory_space<vmem_shared>>)
      tpu.yield
    }) : () -> ()
    %run_scoped3A_24 = arith.constant 1 : i32
    "tpu.region"() ({
      %run_scoped3A_108 = tpu.sem_alloc : memref<!tpu.dma_semaphore, #tpu.memory_space<semaphore_mem>>
      %dma_start3A = arith.constant 14848 : i32
      %dma_start3A_109 = tpu.memref_slice %arg7[%run_scoped3A_24, %dma_start3A] : memref<2x15616xi32, #tpu.memory_space<vmem>> -> memref<1x128xi32, #tpu.memory_space<vmem>>
      %dma_start3A_110 = tpu.memref_squeeze %dma_start3A_109 : memref<1x128xi32, #tpu.memory_space<vmem>> -> memref<128xi32, #tpu.memory_space<vmem>>
      %dma_start3A_111 = arith.constant 0 : i32
      %dma_start3A_112 = tpu.memref_slice %arg12[%dma_start3A_111] : memref<65536xf32, #tpu.memory_space<vmem_shared>> -> memref<65536xf32, #tpu.memory_space<vmem_shared>>
      tpu.enqueue_indirect_dma source(%arg9 : memref<128xf32, #tpu.memory_space<vmem>>) target(%dma_start3A_112 : memref<65536xf32, #tpu.memory_space<vmem_shared>>) offsets(%dma_start3A_110 : memref<128xi32, #tpu.memory_space<vmem>>) semaphore(%run_scoped3A_108 : memref<!tpu.dma_semaphore, #tpu.memory_space<semaphore_mem>>) {add = true}
      %dma_wait3A = arith.constant 14848 : i32
      %dma_wait3A_113 = tpu.memref_slice %arg7[%run_scoped3A_24, %dma_wait3A] : memref<2x15616xi32, #tpu.memory_space<vmem>> -> memref<1x128xi32, #tpu.memory_space<vmem>>
      %dma_wait3A_114 = tpu.memref_squeeze %dma_wait3A_113 : memref<1x128xi32, #tpu.memory_space<vmem>> -> memref<128xi32, #tpu.memory_space<vmem>>
      %dma_wait3A_115 = arith.constant 0 : i32
      %dma_wait3A_116 = tpu.memref_slice %arg12[%dma_wait3A_115] : memref<65536xf32, #tpu.memory_space<vmem_shared>> -> memref<65536xf32, #tpu.memory_space<vmem_shared>>
      tpu.wait_indirect_dma semaphore(%run_scoped3A_108 : memref<!tpu.dma_semaphore, #tpu.memory_space<semaphore_mem>>) src(%arg9 : memref<128xf32, #tpu.memory_space<vmem>>) dst(%dma_wait3A_116 : memref<65536xf32, #tpu.memory_space<vmem_shared>>)
      tpu.yield
    }) : () -> ()
    %run_scoped3A_25 = arith.constant 1 : i32
    "tpu.region"() ({
      %run_scoped3A_108 = tpu.sem_alloc : memref<!tpu.dma_semaphore, #tpu.memory_space<semaphore_mem>>
      %dma_start3A = arith.constant 14976 : i32
      %dma_start3A_109 = tpu.memref_slice %arg7[%run_scoped3A_25, %dma_start3A] : memref<2x15616xi32, #tpu.memory_space<vmem>> -> memref<1x128xi32, #tpu.memory_space<vmem>>
      %dma_start3A_110 = tpu.memref_squeeze %dma_start3A_109 : memref<1x128xi32, #tpu.memory_space<vmem>> -> memref<128xi32, #tpu.memory_space<vmem>>
      %dma_start3A_111 = arith.constant 0 : i32
      %dma_start3A_112 = tpu.memref_slice %arg12[%dma_start3A_111] : memref<65536xf32, #tpu.memory_space<vmem_shared>> -> memref<65536xf32, #tpu.memory_space<vmem_shared>>
      tpu.enqueue_indirect_dma source(%arg9 : memref<128xf32, #tpu.memory_space<vmem>>) target(%dma_start3A_112 : memref<65536xf32, #tpu.memory_space<vmem_shared>>) offsets(%dma_start3A_110 : memref<128xi32, #tpu.memory_space<vmem>>) semaphore(%run_scoped3A_108 : memref<!tpu.dma_semaphore, #tpu.memory_space<semaphore_mem>>) {add = true}
      %dma_wait3A = arith.constant 14976 : i32
      %dma_wait3A_113 = tpu.memref_slice %arg7[%run_scoped3A_25, %dma_wait3A] : memref<2x15616xi32, #tpu.memory_space<vmem>> -> memref<1x128xi32, #tpu.memory_space<vmem>>
      %dma_wait3A_114 = tpu.memref_squeeze %dma_wait3A_113 : memref<1x128xi32, #tpu.memory_space<vmem>> -> memref<128xi32, #tpu.memory_space<vmem>>
      %dma_wait3A_115 = arith.constant 0 : i32
      %dma_wait3A_116 = tpu.memref_slice %arg12[%dma_wait3A_115] : memref<65536xf32, #tpu.memory_space<vmem_shared>> -> memref<65536xf32, #tpu.memory_space<vmem_shared>>
      tpu.wait_indirect_dma semaphore(%run_scoped3A_108 : memref<!tpu.dma_semaphore, #tpu.memory_space<semaphore_mem>>) src(%arg9 : memref<128xf32, #tpu.memory_space<vmem>>) dst(%dma_wait3A_116 : memref<65536xf32, #tpu.memory_space<vmem_shared>>)
      tpu.yield
    }) : () -> ()
    %run_scoped3A_26 = arith.constant 1 : i32
    "tpu.region"() ({
      %run_scoped3A_108 = tpu.sem_alloc : memref<!tpu.dma_semaphore, #tpu.memory_space<semaphore_mem>>
      %dma_start3A = arith.constant 15104 : i32
      %dma_start3A_109 = tpu.memref_slice %arg7[%run_scoped3A_26, %dma_start3A] : memref<2x15616xi32, #tpu.memory_space<vmem>> -> memref<1x128xi32, #tpu.memory_space<vmem>>
      %dma_start3A_110 = tpu.memref_squeeze %dma_start3A_109 : memref<1x128xi32, #tpu.memory_space<vmem>> -> memref<128xi32, #tpu.memory_space<vmem>>
      %dma_start3A_111 = arith.constant 0 : i32
      %dma_start3A_112 = tpu.memref_slice %arg12[%dma_start3A_111] : memref<65536xf32, #tpu.memory_space<vmem_shared>> -> memref<65536xf32, #tpu.memory_space<vmem_shared>>
      tpu.enqueue_indirect_dma source(%arg9 : memref<128xf32, #tpu.memory_space<vmem>>) target(%dma_start3A_112 : memref<65536xf32, #tpu.memory_space<vmem_shared>>) offsets(%dma_start3A_110 : memref<128xi32, #tpu.memory_space<vmem>>) semaphore(%run_scoped3A_108 : memref<!tpu.dma_semaphore, #tpu.memory_space<semaphore_mem>>) {add = true}
      %dma_wait3A = arith.constant 15104 : i32
      %dma_wait3A_113 = tpu.memref_slice %arg7[%run_scoped3A_26, %dma_wait3A] : memref<2x15616xi32, #tpu.memory_space<vmem>> -> memref<1x128xi32, #tpu.memory_space<vmem>>
      %dma_wait3A_114 = tpu.memref_squeeze %dma_wait3A_113 : memref<1x128xi32, #tpu.memory_space<vmem>> -> memref<128xi32, #tpu.memory_space<vmem>>
      %dma_wait3A_115 = arith.constant 0 : i32
      %dma_wait3A_116 = tpu.memref_slice %arg12[%dma_wait3A_115] : memref<65536xf32, #tpu.memory_space<vmem_shared>> -> memref<65536xf32, #tpu.memory_space<vmem_shared>>
      tpu.wait_indirect_dma semaphore(%run_scoped3A_108 : memref<!tpu.dma_semaphore, #tpu.memory_space<semaphore_mem>>) src(%arg9 : memref<128xf32, #tpu.memory_space<vmem>>) dst(%dma_wait3A_116 : memref<65536xf32, #tpu.memory_space<vmem_shared>>)
      tpu.yield
    }) : () -> ()
    %run_scoped3A_27 = arith.constant 1 : i32
    "tpu.region"() ({
      %run_scoped3A_108 = tpu.sem_alloc : memref<!tpu.dma_semaphore, #tpu.memory_space<semaphore_mem>>
      %dma_start3A = arith.constant 15232 : i32
      %dma_start3A_109 = tpu.memref_slice %arg7[%run_scoped3A_27, %dma_start3A] : memref<2x15616xi32, #tpu.memory_space<vmem>> -> memref<1x128xi32, #tpu.memory_space<vmem>>
      %dma_start3A_110 = tpu.memref_squeeze %dma_start3A_109 : memref<1x128xi32, #tpu.memory_space<vmem>> -> memref<128xi32, #tpu.memory_space<vmem>>
      %dma_start3A_111 = arith.constant 0 : i32
      %dma_start3A_112 = tpu.memref_slice %arg12[%dma_start3A_111] : memref<65536xf32, #tpu.memory_space<vmem_shared>> -> memref<65536xf32, #tpu.memory_space<vmem_shared>>
      tpu.enqueue_indirect_dma source(%arg9 : memref<128xf32, #tpu.memory_space<vmem>>) target(%dma_start3A_112 : memref<65536xf32, #tpu.memory_space<vmem_shared>>) offsets(%dma_start3A_110 : memref<128xi32, #tpu.memory_space<vmem>>) semaphore(%run_scoped3A_108 : memref<!tpu.dma_semaphore, #tpu.memory_space<semaphore_mem>>) {add = true}
      %dma_wait3A = arith.constant 15232 : i32
      %dma_wait3A_113 = tpu.memref_slice %arg7[%run_scoped3A_27, %dma_wait3A] : memref<2x15616xi32, #tpu.memory_space<vmem>> -> memref<1x128xi32, #tpu.memory_space<vmem>>
      %dma_wait3A_114 = tpu.memref_squeeze %dma_wait3A_113 : memref<1x128xi32, #tpu.memory_space<vmem>> -> memref<128xi32, #tpu.memory_space<vmem>>
      %dma_wait3A_115 = arith.constant 0 : i32
      %dma_wait3A_116 = tpu.memref_slice %arg12[%dma_wait3A_115] : memref<65536xf32, #tpu.memory_space<vmem_shared>> -> memref<65536xf32, #tpu.memory_space<vmem_shared>>
      tpu.wait_indirect_dma semaphore(%run_scoped3A_108 : memref<!tpu.dma_semaphore, #tpu.memory_space<semaphore_mem>>) src(%arg9 : memref<128xf32, #tpu.memory_space<vmem>>) dst(%dma_wait3A_116 : memref<65536xf32, #tpu.memory_space<vmem_shared>>)
      tpu.yield
    }) : () -> ()
    %run_scoped3A_28 = arith.constant 1 : i32
    "tpu.region"() ({
      %run_scoped3A_108 = tpu.sem_alloc : memref<!tpu.dma_semaphore, #tpu.memory_space<semaphore_mem>>
      %dma_start3A = arith.constant 15360 : i32
      %dma_start3A_109 = tpu.memref_slice %arg7[%run_scoped3A_28, %dma_start3A] : memref<2x15616xi32, #tpu.memory_space<vmem>> -> memref<1x128xi32, #tpu.memory_space<vmem>>
      %dma_start3A_110 = tpu.memref_squeeze %dma_start3A_109 : memref<1x128xi32, #tpu.memory_space<vmem>> -> memref<128xi32, #tpu.memory_space<vmem>>
      %dma_start3A_111 = arith.constant 0 : i32
      %dma_start3A_112 = tpu.memref_slice %arg12[%dma_start3A_111] : memref<65536xf32, #tpu.memory_space<vmem_shared>> -> memref<65536xf32, #tpu.memory_space<vmem_shared>>
      tpu.enqueue_indirect_dma source(%arg9 : memref<128xf32, #tpu.memory_space<vmem>>) target(%dma_start3A_112 : memref<65536xf32, #tpu.memory_space<vmem_shared>>) offsets(%dma_start3A_110 : memref<128xi32, #tpu.memory_space<vmem>>) semaphore(%run_scoped3A_108 : memref<!tpu.dma_semaphore, #tpu.memory_space<semaphore_mem>>) {add = true}
      %dma_wait3A = arith.constant 15360 : i32
      %dma_wait3A_113 = tpu.memref_slice %arg7[%run_scoped3A_28, %dma_wait3A] : memref<2x15616xi32, #tpu.memory_space<vmem>> -> memref<1x128xi32, #tpu.memory_space<vmem>>
      %dma_wait3A_114 = tpu.memref_squeeze %dma_wait3A_113 : memref<1x128xi32, #tpu.memory_space<vmem>> -> memref<128xi32, #tpu.memory_space<vmem>>
      %dma_wait3A_115 = arith.constant 0 : i32
      %dma_wait3A_116 = tpu.memref_slice %arg12[%dma_wait3A_115] : memref<65536xf32, #tpu.memory_space<vmem_shared>> -> memref<65536xf32, #tpu.memory_space<vmem_shared>>
      tpu.wait_indirect_dma semaphore(%run_scoped3A_108 : memref<!tpu.dma_semaphore, #tpu.memory_space<semaphore_mem>>) src(%arg9 : memref<128xf32, #tpu.memory_space<vmem>>) dst(%dma_wait3A_116 : memref<65536xf32, #tpu.memory_space<vmem_shared>>)
      tpu.yield
    }) : () -> ()
    %run_scoped3A_29 = arith.constant 1 : i32
    "tpu.region"() ({
      %run_scoped3A_108 = tpu.sem_alloc : memref<!tpu.dma_semaphore, #tpu.memory_space<semaphore_mem>>
      %dma_start3A = arith.constant 15488 : i32
      %dma_start3A_109 = tpu.memref_slice %arg7[%run_scoped3A_29, %dma_start3A] : memref<2x15616xi32, #tpu.memory_space<vmem>> -> memref<1x128xi32, #tpu.memory_space<vmem>>
      %dma_start3A_110 = tpu.memref_squeeze %dma_start3A_109 : memref<1x128xi32, #tpu.memory_space<vmem>> -> memref<128xi32, #tpu.memory_space<vmem>>
      %dma_start3A_111 = arith.constant 0 : i32
      %dma_start3A_112 = tpu.memref_slice %arg12[%dma_start3A_111] : memref<65536xf32, #tpu.memory_space<vmem_shared>> -> memref<65536xf32, #tpu.memory_space<vmem_shared>>
      tpu.enqueue_indirect_dma source(%arg9 : memref<128xf32, #tpu.memory_space<vmem>>) target(%dma_start3A_112 : memref<65536xf32, #tpu.memory_space<vmem_shared>>) offsets(%dma_start3A_110 : memref<128xi32, #tpu.memory_space<vmem>>) semaphore(%run_scoped3A_108 : memref<!tpu.dma_semaphore, #tpu.memory_space<semaphore_mem>>) {add = true}
      %dma_wait3A = arith.constant 15488 : i32
      %dma_wait3A_113 = tpu.memref_slice %arg7[%run_scoped3A_29, %dma_wait3A] : memref<2x15616xi32, #tpu.memory_space<vmem>> -> memref<1x128xi32, #tpu.memory_space<vmem>>
      %dma_wait3A_114 = tpu.memref_squeeze %dma_wait3A_113 : memref<1x128xi32, #tpu.memory_space<vmem>> -> memref<128xi32, #tpu.memory_space<vmem>>
      %dma_wait3A_115 = arith.constant 0 : i32
      %dma_wait3A_116 = tpu.memref_slice %arg12[%dma_wait3A_115] : memref<65536xf32, #tpu.memory_space<vmem_shared>> -> memref<65536xf32, #tpu.memory_space<vmem_shared>>
      tpu.wait_indirect_dma semaphore(%run_scoped3A_108 : memref<!tpu.dma_semaphore, #tpu.memory_space<semaphore_mem>>) src(%arg9 : memref<128xf32, #tpu.memory_space<vmem>>) dst(%dma_wait3A_116 : memref<65536xf32, #tpu.memory_space<vmem_shared>>)
      tpu.yield
    }) : () -> ()
    %eq3A = arith.constant 0 : i32
    %eq3A_30 = arith.cmpi eq, %arg0, %eq3A : i32
    %eq3A_31 = arith.constant 0 : i32
    %eq3A_32 = arith.cmpi eq, %arg1, %eq3A_31 : i32
    %and3A = arith.andi %eq3A_30, %eq3A_32 : i1
    %convert_element_type3A = arith.extui %and3A : i1 to i32
    %cond3A = arith.constant 0 : i32
    %cond3A_33 = arith.cmpi ne, %convert_element_type3A, %cond3A : i32
    scf.if %cond3A_33 {
      "tpu.region"() ({
        %run_scoped3A_109 = tpu.sem_alloc : memref<!tpu.dma_semaphore, #tpu.memory_space<semaphore_mem>>
        %dma_start3A = arith.constant 0 : i32
        %dma_start3A_110 = arith.constant 249856 : i32
        %dma_start3A_111 = tpu.memref_slice %arg2[%dma_start3A, %dma_start3A_110] : memref<2x500000xi32, #tpu.memory_space<hbm>> -> memref<2x128xi32, #tpu.memory_space<hbm>>
        %dma_start3A_112 = arith.constant 0 : i32
        %dma_start3A_113 = arith.constant 249856 : i32
        %dma_start3A_114 = tpu.memref_slice %arg2[%dma_start3A_112, %dma_start3A_113] : memref<2x500000xi32, #tpu.memory_space<hbm>> -> memref<2x128xi32, #tpu.memory_space<hbm>>
        tpu.enqueue_dma source(%dma_start3A_114 : memref<2x128xi32, #tpu.memory_space<hbm>>) target(%arg8 : memref<2x128xi32, #tpu.memory_space<vmem>>) target_semaphore(%run_scoped3A_109 : memref<!tpu.dma_semaphore, #tpu.memory_space<semaphore_mem>>)
        %dma_wait3A = arith.constant 0 : i32
        %dma_wait3A_115 = arith.constant 249856 : i32
        %dma_wait3A_116 = tpu.memref_slice %arg2[%dma_wait3A, %dma_wait3A_115] : memref<2x500000xi32, #tpu.memory_space<hbm>> -> memref<2x128xi32, #tpu.memory_space<hbm>>
        %dma_wait3A_117 = arith.constant 0 : i32
        %dma_wait3A_118 = arith.constant 249856 : i32
        %dma_wait3A_119 = tpu.memref_slice %arg2[%dma_wait3A_117, %dma_wait3A_118] : memref<2x500000xi32, #tpu.memory_space<hbm>> -> memref<2x128xi32, #tpu.memory_space<hbm>>
        tpu.wait_dma2 semaphore(%run_scoped3A_109 : memref<!tpu.dma_semaphore, #tpu.memory_space<semaphore_mem>>) src(%dma_wait3A_119 : memref<2x128xi32, #tpu.memory_space<hbm>>) dst(%arg8 : memref<2x128xi32, #tpu.memory_space<vmem>>)
        tpu.yield
      }) : () -> ()
      %run_scoped3A_108 = arith.constant 1 : i32
      "tpu.region"() ({
        %run_scoped3A_109 = tpu.sem_alloc : memref<!tpu.dma_semaphore, #tpu.memory_space<semaphore_mem>>
        %dma_start3A = arith.constant 0 : i32
        %dma_start3A_110 = tpu.memref_slice %arg8[%run_scoped3A_108, %dma_start3A] : memref<2x128xi32, #tpu.memory_space<vmem>> -> memref<1x128xi32, #tpu.memory_space<vmem>>
        %dma_start3A_111 = tpu.memref_squeeze %dma_start3A_110 : memref<1x128xi32, #tpu.memory_space<vmem>> -> memref<128xi32, #tpu.memory_space<vmem>>
        %dma_start3A_112 = arith.constant 0 : i32
        %dma_start3A_113 = tpu.memref_slice %arg12[%dma_start3A_112] : memref<65536xf32, #tpu.memory_space<vmem_shared>> -> memref<65536xf32, #tpu.memory_space<vmem_shared>>
        tpu.enqueue_indirect_dma source(%arg9 : memref<128xf32, #tpu.memory_space<vmem>>) target(%dma_start3A_113 : memref<65536xf32, #tpu.memory_space<vmem_shared>>) offsets(%dma_start3A_111 : memref<128xi32, #tpu.memory_space<vmem>>) semaphore(%run_scoped3A_109 : memref<!tpu.dma_semaphore, #tpu.memory_space<semaphore_mem>>) {add = true}
        %dma_wait3A = arith.constant 0 : i32
        %dma_wait3A_114 = tpu.memref_slice %arg8[%run_scoped3A_108, %dma_wait3A] : memref<2x128xi32, #tpu.memory_space<vmem>> -> memref<1x128xi32, #tpu.memory_space<vmem>>
        %dma_wait3A_115 = tpu.memref_squeeze %dma_wait3A_114 : memref<1x128xi32, #tpu.memory_space<vmem>> -> memref<128xi32, #tpu.memory_space<vmem>>
        %dma_wait3A_116 = arith.constant 0 : i32
        %dma_wait3A_117 = tpu.memref_slice %arg12[%dma_wait3A_116] : memref<65536xf32, #tpu.memory_space<vmem_shared>> -> memref<65536xf32, #tpu.memory_space<vmem_shared>>
        tpu.wait_indirect_dma semaphore(%run_scoped3A_109 : memref<!tpu.dma_semaphore, #tpu.memory_space<semaphore_mem>>) src(%arg9 : memref<128xf32, #tpu.memory_space<vmem>>) dst(%dma_wait3A_117 : memref<65536xf32, #tpu.memory_space<vmem_shared>>)
        tpu.yield
      }) : () -> ()
    } else {
    }
    %eq3A_34 = arith.constant 1 : i32
    %eq3A_35 = arith.cmpi eq, %arg0, %eq3A_34 : i32
    %eq3A_36 = arith.constant 0 : i32
    %eq3A_37 = arith.cmpi eq, %arg1, %eq3A_36 : i32
    %and3A_38 = arith.andi %eq3A_35, %eq3A_37 : i1
    %convert_element_type3A_39 = arith.extui %and3A_38 : i1 to i32
    %cond3A_40 = arith.constant 0 : i32
    %cond3A_41 = arith.cmpi ne, %convert_element_type3A_39, %cond3A_40 : i32
    scf.if %cond3A_41 {
      "tpu.region"() ({
        %run_scoped3A_109 = tpu.sem_alloc : memref<!tpu.dma_semaphore, #tpu.memory_space<semaphore_mem>>
        %dma_start3A = arith.constant 0 : i32
        %dma_start3A_110 = arith.constant 499840 : i32
        %dma_start3A_111 = tpu.memref_slice %arg2[%dma_start3A, %dma_start3A_110] : memref<2x500000xi32, #tpu.memory_space<hbm>> -> memref<2x128xi32, #tpu.memory_space<hbm>>
        %dma_start3A_112 = arith.constant 0 : i32
        %dma_start3A_113 = arith.constant 499840 : i32
        %dma_start3A_114 = tpu.memref_slice %arg2[%dma_start3A_112, %dma_start3A_113] : memref<2x500000xi32, #tpu.memory_space<hbm>> -> memref<2x128xi32, #tpu.memory_space<hbm>>
        tpu.enqueue_dma source(%dma_start3A_114 : memref<2x128xi32, #tpu.memory_space<hbm>>) target(%arg8 : memref<2x128xi32, #tpu.memory_space<vmem>>) target_semaphore(%run_scoped3A_109 : memref<!tpu.dma_semaphore, #tpu.memory_space<semaphore_mem>>)
        %dma_wait3A = arith.constant 0 : i32
        %dma_wait3A_115 = arith.constant 499840 : i32
        %dma_wait3A_116 = tpu.memref_slice %arg2[%dma_wait3A, %dma_wait3A_115] : memref<2x500000xi32, #tpu.memory_space<hbm>> -> memref<2x128xi32, #tpu.memory_space<hbm>>
        %dma_wait3A_117 = arith.constant 0 : i32
        %dma_wait3A_118 = arith.constant 499840 : i32
        %dma_wait3A_119 = tpu.memref_slice %arg2[%dma_wait3A_117, %dma_wait3A_118] : memref<2x500000xi32, #tpu.memory_space<hbm>> -> memref<2x128xi32, #tpu.memory_space<hbm>>
        tpu.wait_dma2 semaphore(%run_scoped3A_109 : memref<!tpu.dma_semaphore, #tpu.memory_space<semaphore_mem>>) src(%dma_wait3A_119 : memref<2x128xi32, #tpu.memory_space<hbm>>) dst(%arg8 : memref<2x128xi32, #tpu.memory_space<vmem>>)
        tpu.yield
      }) : () -> ()
      %run_scoped3A_108 = arith.constant 1 : i32
      "tpu.region"() ({
        %run_scoped3A_109 = tpu.sem_alloc : memref<!tpu.dma_semaphore, #tpu.memory_space<semaphore_mem>>
        %dma_start3A = arith.constant 0 : i32
        %dma_start3A_110 = tpu.memref_slice %arg8[%run_scoped3A_108, %dma_start3A] : memref<2x128xi32, #tpu.memory_space<vmem>> -> memref<1x128xi32, #tpu.memory_space<vmem>>
        %dma_start3A_111 = tpu.memref_squeeze %dma_start3A_110 : memref<1x128xi32, #tpu.memory_space<vmem>> -> memref<128xi32, #tpu.memory_space<vmem>>
        %dma_start3A_112 = arith.constant 0 : i32
        %dma_start3A_113 = tpu.memref_slice %arg12[%dma_start3A_112] : memref<65536xf32, #tpu.memory_space<vmem_shared>> -> memref<65536xf32, #tpu.memory_space<vmem_shared>>
        tpu.enqueue_indirect_dma source(%arg9 : memref<128xf32, #tpu.memory_space<vmem>>) target(%dma_start3A_113 : memref<65536xf32, #tpu.memory_space<vmem_shared>>) offsets(%dma_start3A_111 : memref<128xi32, #tpu.memory_space<vmem>>) semaphore(%run_scoped3A_109 : memref<!tpu.dma_semaphore, #tpu.memory_space<semaphore_mem>>) {add = true}
        %dma_wait3A = arith.constant 0 : i32
        %dma_wait3A_114 = tpu.memref_slice %arg8[%run_scoped3A_108, %dma_wait3A] : memref<2x128xi32, #tpu.memory_space<vmem>> -> memref<1x128xi32, #tpu.memory_space<vmem>>
        %dma_wait3A_115 = tpu.memref_squeeze %dma_wait3A_114 : memref<1x128xi32, #tpu.memory_space<vmem>> -> memref<128xi32, #tpu.memory_space<vmem>>
        %dma_wait3A_116 = arith.constant 0 : i32
        %dma_wait3A_117 = tpu.memref_slice %arg12[%dma_wait3A_116] : memref<65536xf32, #tpu.memory_space<vmem_shared>> -> memref<65536xf32, #tpu.memory_space<vmem_shared>>
        tpu.wait_indirect_dma semaphore(%run_scoped3A_109 : memref<!tpu.dma_semaphore, #tpu.memory_space<semaphore_mem>>) src(%arg9 : memref<128xf32, #tpu.memory_space<vmem>>) dst(%dma_wait3A_117 : memref<65536xf32, #tpu.memory_space<vmem_shared>>)
        tpu.yield
      }) : () -> ()
    } else {
    }
    %eq3A_42 = arith.constant 1 : i32
    %eq3A_43 = arith.cmpi eq, %arg0, %eq3A_42 : i32
    %eq3A_44 = arith.constant 1 : i32
    %eq3A_45 = arith.cmpi eq, %arg1, %eq3A_44 : i32
    %and3A_46 = arith.andi %eq3A_43, %eq3A_45 : i1
    %convert_element_type3A_47 = arith.extui %and3A_46 : i1 to i32
    %cond3A_48 = arith.constant 0 : i32
    %cond3A_49 = arith.cmpi ne, %convert_element_type3A_47, %cond3A_48 : i32
    scf.if %cond3A_49 {
      "tpu.region"() ({
        %run_scoped3A_109 = tpu.sem_alloc : memref<!tpu.dma_semaphore, #tpu.memory_space<semaphore_mem>>
        tpu.enqueue_dma source(%arg4 : memref<2x128xi32, #tpu.memory_space<hbm>>) target(%arg8 : memref<2x128xi32, #tpu.memory_space<vmem>>) target_semaphore(%run_scoped3A_109 : memref<!tpu.dma_semaphore, #tpu.memory_space<semaphore_mem>>)
        tpu.wait_dma2 semaphore(%run_scoped3A_109 : memref<!tpu.dma_semaphore, #tpu.memory_space<semaphore_mem>>) src(%arg4 : memref<2x128xi32, #tpu.memory_space<hbm>>) dst(%arg8 : memref<2x128xi32, #tpu.memory_space<vmem>>)
        tpu.yield
      }) : () -> ()
      %run_scoped3A_108 = arith.constant 1 : i32
      "tpu.region"() ({
        %run_scoped3A_109 = tpu.sem_alloc : memref<!tpu.dma_semaphore, #tpu.memory_space<semaphore_mem>>
        %dma_start3A = arith.constant 0 : i32
        %dma_start3A_110 = tpu.memref_slice %arg8[%run_scoped3A_108, %dma_start3A] : memref<2x128xi32, #tpu.memory_space<vmem>> -> memref<1x128xi32, #tpu.memory_space<vmem>>
        %dma_start3A_111 = tpu.memref_squeeze %dma_start3A_110 : memref<1x128xi32, #tpu.memory_space<vmem>> -> memref<128xi32, #tpu.memory_space<vmem>>
        %dma_start3A_112 = arith.constant 0 : i32
        %dma_start3A_113 = tpu.memref_slice %arg12[%dma_start3A_112] : memref<65536xf32, #tpu.memory_space<vmem_shared>> -> memref<65536xf32, #tpu.memory_space<vmem_shared>>
        tpu.enqueue_indirect_dma source(%arg9 : memref<128xf32, #tpu.memory_space<vmem>>) target(%dma_start3A_113 : memref<65536xf32, #tpu.memory_space<vmem_shared>>) offsets(%dma_start3A_111 : memref<128xi32, #tpu.memory_space<vmem>>) semaphore(%run_scoped3A_109 : memref<!tpu.dma_semaphore, #tpu.memory_space<semaphore_mem>>) {add = true}
        %dma_wait3A = arith.constant 0 : i32
        %dma_wait3A_114 = tpu.memref_slice %arg8[%run_scoped3A_108, %dma_wait3A] : memref<2x128xi32, #tpu.memory_space<vmem>> -> memref<1x128xi32, #tpu.memory_space<vmem>>
        %dma_wait3A_115 = tpu.memref_squeeze %dma_wait3A_114 : memref<1x128xi32, #tpu.memory_space<vmem>> -> memref<128xi32, #tpu.memory_space<vmem>>
        %dma_wait3A_116 = arith.constant 0 : i32
        %dma_wait3A_117 = tpu.memref_slice %arg12[%dma_wait3A_116] : memref<65536xf32, #tpu.memory_space<vmem_shared>> -> memref<65536xf32, #tpu.memory_space<vmem_shared>>
        tpu.wait_indirect_dma semaphore(%run_scoped3A_109 : memref<!tpu.dma_semaphore, #tpu.memory_space<semaphore_mem>>) src(%arg9 : memref<128xf32, #tpu.memory_space<vmem>>) dst(%dma_wait3A_117 : memref<65536xf32, #tpu.memory_space<vmem_shared>>)
        tpu.yield
      }) : () -> ()
    } else {
    }
    "tpu.region"() ({
      %run_scoped3A_108 = tpu.sem_alloc : memref<!tpu.dma_semaphore, #tpu.memory_space<semaphore_mem>>
      %dma_start3A = arith.constant 0 : i32
      %dma_start3A_109 = tpu.memref_slice %arg3[%dma_start3A, %add3A] : memref<2x500000xi32, #tpu.memory_space<hbm>> -> memref<2x15616xi32, #tpu.memory_space<hbm>>
      %dma_start3A_110 = arith.constant 0 : i32
      %dma_start3A_111 = tpu.memref_slice %arg3[%dma_start3A_110, %add3A] : memref<2x500000xi32, #tpu.memory_space<hbm>> -> memref<2x15616xi32, #tpu.memory_space<hbm>>
      tpu.enqueue_dma source(%dma_start3A_111 : memref<2x15616xi32, #tpu.memory_space<hbm>>) target(%arg7 : memref<2x15616xi32, #tpu.memory_space<vmem>>) target_semaphore(%run_scoped3A_108 : memref<!tpu.dma_semaphore, #tpu.memory_space<semaphore_mem>>)
      %dma_wait3A = arith.constant 0 : i32
      %dma_wait3A_112 = tpu.memref_slice %arg3[%dma_wait3A, %add3A] : memref<2x500000xi32, #tpu.memory_space<hbm>> -> memref<2x15616xi32, #tpu.memory_space<hbm>>
      %dma_wait3A_113 = arith.constant 0 : i32
      %dma_wait3A_114 = tpu.memref_slice %arg3[%dma_wait3A_113, %add3A] : memref<2x500000xi32, #tpu.memory_space<hbm>> -> memref<2x15616xi32, #tpu.memory_space<hbm>>
      tpu.wait_dma2 semaphore(%run_scoped3A_108 : memref<!tpu.dma_semaphore, #tpu.memory_space<semaphore_mem>>) src(%dma_wait3A_114 : memref<2x15616xi32, #tpu.memory_space<hbm>>) dst(%arg7 : memref<2x15616xi32, #tpu.memory_space<vmem>>)
      tpu.yield
    }) : () -> ()
    %scan3A_50 = arith.constant 0 : i32
    %scan3A_51 = arith.constant 7 : i32
    %scan3A_52 = arith.addi %scan3A_50, %scan3A_51 : i32
    %scan3A_53 = arith.constant 1 : i32
    scf.for %scan3A_108 = %scan3A_50 to %scan3A_52 step %scan3A_53  : i32 {
      %mul3A_109 = arith.constant 16 : i32
      %mul3A_110 = arith.muli %scan3A_108, %mul3A_109 : i32
      %add3A_111 = arith.constant 0 : i32
      %add3A_112 = arith.addi %mul3A_110, %add3A_111 : i32
      %mul3A_113 = arith.constant 128 : i32
      %mul3A_114 = arith.muli %add3A_112, %mul3A_113 : i32
      %dma_start3A = arith.constant 1 : i32
      %dma_start3A_115 = tpu.memref_slice %arg7[%dma_start3A, %mul3A_114] : memref<2x15616xi32, #tpu.memory_space<vmem>> -> memref<1x128xi32, #tpu.memory_space<vmem>>
      %dma_start3A_116 = tpu.memref_squeeze %dma_start3A_115 : memref<1x128xi32, #tpu.memory_space<vmem>> -> memref<128xi32, #tpu.memory_space<vmem>>
      %dma_start3A_117 = arith.constant 0 : i32
      %dma_start3A_118 = tpu.memref_slice %arg13[%dma_start3A_117] : memref<65536xf32, #tpu.memory_space<vmem_shared>> -> memref<65536xf32, #tpu.memory_space<vmem_shared>>
      tpu.enqueue_indirect_dma source(%arg9 : memref<128xf32, #tpu.memory_space<vmem>>) target(%dma_start3A_118 : memref<65536xf32, #tpu.memory_space<vmem_shared>>) offsets(%dma_start3A_116 : memref<128xi32, #tpu.memory_space<vmem>>) semaphore(%arg11 : memref<!tpu.dma_semaphore, #tpu.memory_space<semaphore_mem>>) {add = true}
      %mul3A_119 = arith.constant 16 : i32
      %mul3A_120 = arith.muli %scan3A_108, %mul3A_119 : i32
      %add3A_121 = arith.constant 1 : i32
      %add3A_122 = arith.addi %mul3A_120, %add3A_121 : i32
      %mul3A_123 = arith.constant 128 : i32
      %mul3A_124 = arith.muli %add3A_122, %mul3A_123 : i32
      %dma_start3A_125 = arith.constant 1 : i32
      %dma_start3A_126 = tpu.memref_slice %arg7[%dma_start3A_125, %mul3A_124] : memref<2x15616xi32, #tpu.memory_space<vmem>> -> memref<1x128xi32, #tpu.memory_space<vmem>>
      %dma_start3A_127 = tpu.memref_squeeze %dma_start3A_126 : memref<1x128xi32, #tpu.memory_space<vmem>> -> memref<128xi32, #tpu.memory_space<vmem>>
      %dma_start3A_128 = arith.constant 0 : i32
      %dma_start3A_129 = tpu.memref_slice %arg13[%dma_start3A_128] : memref<65536xf32, #tpu.memory_space<vmem_shared>> -> memref<65536xf32, #tpu.memory_space<vmem_shared>>
      tpu.enqueue_indirect_dma source(%arg9 : memref<128xf32, #tpu.memory_space<vmem>>) target(%dma_start3A_129 : memref<65536xf32, #tpu.memory_space<vmem_shared>>) offsets(%dma_start3A_127 : memref<128xi32, #tpu.memory_space<vmem>>) semaphore(%arg11 : memref<!tpu.dma_semaphore, #tpu.memory_space<semaphore_mem>>) {add = true}
      %mul3A_130 = arith.constant 16 : i32
      %mul3A_131 = arith.muli %scan3A_108, %mul3A_130 : i32
      %add3A_132 = arith.constant 2 : i32
      %add3A_133 = arith.addi %mul3A_131, %add3A_132 : i32
      %mul3A_134 = arith.constant 128 : i32
      %mul3A_135 = arith.muli %add3A_133, %mul3A_134 : i32
      %dma_start3A_136 = arith.constant 1 : i32
      %dma_start3A_137 = tpu.memref_slice %arg7[%dma_start3A_136, %mul3A_135] : memref<2x15616xi32, #tpu.memory_space<vmem>> -> memref<1x128xi32, #tpu.memory_space<vmem>>
      %dma_start3A_138 = tpu.memref_squeeze %dma_start3A_137 : memref<1x128xi32, #tpu.memory_space<vmem>> -> memref<128xi32, #tpu.memory_space<vmem>>
      %dma_start3A_139 = arith.constant 0 : i32
      %dma_start3A_140 = tpu.memref_slice %arg13[%dma_start3A_139] : memref<65536xf32, #tpu.memory_space<vmem_shared>> -> memref<65536xf32, #tpu.memory_space<vmem_shared>>
      tpu.enqueue_indirect_dma source(%arg9 : memref<128xf32, #tpu.memory_space<vmem>>) target(%dma_start3A_140 : memref<65536xf32, #tpu.memory_space<vmem_shared>>) offsets(%dma_start3A_138 : memref<128xi32, #tpu.memory_space<vmem>>) semaphore(%arg11 : memref<!tpu.dma_semaphore, #tpu.memory_space<semaphore_mem>>) {add = true}
      %mul3A_141 = arith.constant 16 : i32
      %mul3A_142 = arith.muli %scan3A_108, %mul3A_141 : i32
      %add3A_143 = arith.constant 3 : i32
      %add3A_144 = arith.addi %mul3A_142, %add3A_143 : i32
      %mul3A_145 = arith.constant 128 : i32
      %mul3A_146 = arith.muli %add3A_144, %mul3A_145 : i32
      %dma_start3A_147 = arith.constant 1 : i32
      %dma_start3A_148 = tpu.memref_slice %arg7[%dma_start3A_147, %mul3A_146] : memref<2x15616xi32, #tpu.memory_space<vmem>> -> memref<1x128xi32, #tpu.memory_space<vmem>>
      %dma_start3A_149 = tpu.memref_squeeze %dma_start3A_148 : memref<1x128xi32, #tpu.memory_space<vmem>> -> memref<128xi32, #tpu.memory_space<vmem>>
      %dma_start3A_150 = arith.constant 0 : i32
      %dma_start3A_151 = tpu.memref_slice %arg13[%dma_start3A_150] : memref<65536xf32, #tpu.memory_space<vmem_shared>> -> memref<65536xf32, #tpu.memory_space<vmem_shared>>
      tpu.enqueue_indirect_dma source(%arg9 : memref<128xf32, #tpu.memory_space<vmem>>) target(%dma_start3A_151 : memref<65536xf32, #tpu.memory_space<vmem_shared>>) offsets(%dma_start3A_149 : memref<128xi32, #tpu.memory_space<vmem>>) semaphore(%arg11 : memref<!tpu.dma_semaphore, #tpu.memory_space<semaphore_mem>>) {add = true}
      %mul3A_152 = arith.constant 16 : i32
      %mul3A_153 = arith.muli %scan3A_108, %mul3A_152 : i32
      %add3A_154 = arith.constant 4 : i32
      %add3A_155 = arith.addi %mul3A_153, %add3A_154 : i32
      %mul3A_156 = arith.constant 128 : i32
      %mul3A_157 = arith.muli %add3A_155, %mul3A_156 : i32
      %dma_start3A_158 = arith.constant 1 : i32
      %dma_start3A_159 = tpu.memref_slice %arg7[%dma_start3A_158, %mul3A_157] : memref<2x15616xi32, #tpu.memory_space<vmem>> -> memref<1x128xi32, #tpu.memory_space<vmem>>
      %dma_start3A_160 = tpu.memref_squeeze %dma_start3A_159 : memref<1x128xi32, #tpu.memory_space<vmem>> -> memref<128xi32, #tpu.memory_space<vmem>>
      %dma_start3A_161 = arith.constant 0 : i32
      %dma_start3A_162 = tpu.memref_slice %arg13[%dma_start3A_161] : memref<65536xf32, #tpu.memory_space<vmem_shared>> -> memref<65536xf32, #tpu.memory_space<vmem_shared>>
      tpu.enqueue_indirect_dma source(%arg9 : memref<128xf32, #tpu.memory_space<vmem>>) target(%dma_start3A_162 : memref<65536xf32, #tpu.memory_space<vmem_shared>>) offsets(%dma_start3A_160 : memref<128xi32, #tpu.memory_space<vmem>>) semaphore(%arg11 : memref<!tpu.dma_semaphore, #tpu.memory_space<semaphore_mem>>) {add = true}
      %mul3A_163 = arith.constant 16 : i32
      %mul3A_164 = arith.muli %scan3A_108, %mul3A_163 : i32
      %add3A_165 = arith.constant 5 : i32
      %add3A_166 = arith.addi %mul3A_164, %add3A_165 : i32
      %mul3A_167 = arith.constant 128 : i32
      %mul3A_168 = arith.muli %add3A_166, %mul3A_167 : i32
      %dma_start3A_169 = arith.constant 1 : i32
      %dma_start3A_170 = tpu.memref_slice %arg7[%dma_start3A_169, %mul3A_168] : memref<2x15616xi32, #tpu.memory_space<vmem>> -> memref<1x128xi32, #tpu.memory_space<vmem>>
      %dma_start3A_171 = tpu.memref_squeeze %dma_start3A_170 : memref<1x128xi32, #tpu.memory_space<vmem>> -> memref<128xi32, #tpu.memory_space<vmem>>
      %dma_start3A_172 = arith.constant 0 : i32
      %dma_start3A_173 = tpu.memref_slice %arg13[%dma_start3A_172] : memref<65536xf32, #tpu.memory_space<vmem_shared>> -> memref<65536xf32, #tpu.memory_space<vmem_shared>>
      tpu.enqueue_indirect_dma source(%arg9 : memref<128xf32, #tpu.memory_space<vmem>>) target(%dma_start3A_173 : memref<65536xf32, #tpu.memory_space<vmem_shared>>) offsets(%dma_start3A_171 : memref<128xi32, #tpu.memory_space<vmem>>) semaphore(%arg11 : memref<!tpu.dma_semaphore, #tpu.memory_space<semaphore_mem>>) {add = true}
      %mul3A_174 = arith.constant 16 : i32
      %mul3A_175 = arith.muli %scan3A_108, %mul3A_174 : i32
      %add3A_176 = arith.constant 6 : i32
      %add3A_177 = arith.addi %mul3A_175, %add3A_176 : i32
      %mul3A_178 = arith.constant 128 : i32
      %mul3A_179 = arith.muli %add3A_177, %mul3A_178 : i32
      %dma_start3A_180 = arith.constant 1 : i32
      %dma_start3A_181 = tpu.memref_slice %arg7[%dma_start3A_180, %mul3A_179] : memref<2x15616xi32, #tpu.memory_space<vmem>> -> memref<1x128xi32, #tpu.memory_space<vmem>>
      %dma_start3A_182 = tpu.memref_squeeze %dma_start3A_181 : memref<1x128xi32, #tpu.memory_space<vmem>> -> memref<128xi32, #tpu.memory_space<vmem>>
      %dma_start3A_183 = arith.constant 0 : i32
      %dma_start3A_184 = tpu.memref_slice %arg13[%dma_start3A_183] : memref<65536xf32, #tpu.memory_space<vmem_shared>> -> memref<65536xf32, #tpu.memory_space<vmem_shared>>
      tpu.enqueue_indirect_dma source(%arg9 : memref<128xf32, #tpu.memory_space<vmem>>) target(%dma_start3A_184 : memref<65536xf32, #tpu.memory_space<vmem_shared>>) offsets(%dma_start3A_182 : memref<128xi32, #tpu.memory_space<vmem>>) semaphore(%arg11 : memref<!tpu.dma_semaphore, #tpu.memory_space<semaphore_mem>>) {add = true}
      %mul3A_185 = arith.constant 16 : i32
      %mul3A_186 = arith.muli %scan3A_108, %mul3A_185 : i32
      %add3A_187 = arith.constant 7 : i32
      %add3A_188 = arith.addi %mul3A_186, %add3A_187 : i32
      %mul3A_189 = arith.constant 128 : i32
      %mul3A_190 = arith.muli %add3A_188, %mul3A_189 : i32
      %dma_start3A_191 = arith.constant 1 : i32
      %dma_start3A_192 = tpu.memref_slice %arg7[%dma_start3A_191, %mul3A_190] : memref<2x15616xi32, #tpu.memory_space<vmem>> -> memref<1x128xi32, #tpu.memory_space<vmem>>
      %dma_start3A_193 = tpu.memref_squeeze %dma_start3A_192 : memref<1x128xi32, #tpu.memory_space<vmem>> -> memref<128xi32, #tpu.memory_space<vmem>>
      %dma_start3A_194 = arith.constant 0 : i32
      %dma_start3A_195 = tpu.memref_slice %arg13[%dma_start3A_194] : memref<65536xf32, #tpu.memory_space<vmem_shared>> -> memref<65536xf32, #tpu.memory_space<vmem_shared>>
      tpu.enqueue_indirect_dma source(%arg9 : memref<128xf32, #tpu.memory_space<vmem>>) target(%dma_start3A_195 : memref<65536xf32, #tpu.memory_space<vmem_shared>>) offsets(%dma_start3A_193 : memref<128xi32, #tpu.memory_space<vmem>>) semaphore(%arg11 : memref<!tpu.dma_semaphore, #tpu.memory_space<semaphore_mem>>) {add = true}
      %mul3A_196 = arith.constant 16 : i32
      %mul3A_197 = arith.muli %scan3A_108, %mul3A_196 : i32
      %add3A_198 = arith.constant 8 : i32
      %add3A_199 = arith.addi %mul3A_197, %add3A_198 : i32
      %mul3A_200 = arith.constant 128 : i32
      %mul3A_201 = arith.muli %add3A_199, %mul3A_200 : i32
      %dma_start3A_202 = arith.constant 1 : i32
      %dma_start3A_203 = tpu.memref_slice %arg7[%dma_start3A_202, %mul3A_201] : memref<2x15616xi32, #tpu.memory_space<vmem>> -> memref<1x128xi32, #tpu.memory_space<vmem>>
      %dma_start3A_204 = tpu.memref_squeeze %dma_start3A_203 : memref<1x128xi32, #tpu.memory_space<vmem>> -> memref<128xi32, #tpu.memory_space<vmem>>
      %dma_start3A_205 = arith.constant 0 : i32
      %dma_start3A_206 = tpu.memref_slice %arg13[%dma_start3A_205] : memref<65536xf32, #tpu.memory_space<vmem_shared>> -> memref<65536xf32, #tpu.memory_space<vmem_shared>>
      tpu.enqueue_indirect_dma source(%arg9 : memref<128xf32, #tpu.memory_space<vmem>>) target(%dma_start3A_206 : memref<65536xf32, #tpu.memory_space<vmem_shared>>) offsets(%dma_start3A_204 : memref<128xi32, #tpu.memory_space<vmem>>) semaphore(%arg11 : memref<!tpu.dma_semaphore, #tpu.memory_space<semaphore_mem>>) {add = true}
      %mul3A_207 = arith.constant 16 : i32
      %mul3A_208 = arith.muli %scan3A_108, %mul3A_207 : i32
      %add3A_209 = arith.constant 9 : i32
      %add3A_210 = arith.addi %mul3A_208, %add3A_209 : i32
      %mul3A_211 = arith.constant 128 : i32
      %mul3A_212 = arith.muli %add3A_210, %mul3A_211 : i32
      %dma_start3A_213 = arith.constant 1 : i32
      %dma_start3A_214 = tpu.memref_slice %arg7[%dma_start3A_213, %mul3A_212] : memref<2x15616xi32, #tpu.memory_space<vmem>> -> memref<1x128xi32, #tpu.memory_space<vmem>>
      %dma_start3A_215 = tpu.memref_squeeze %dma_start3A_214 : memref<1x128xi32, #tpu.memory_space<vmem>> -> memref<128xi32, #tpu.memory_space<vmem>>
      %dma_start3A_216 = arith.constant 0 : i32
      %dma_start3A_217 = tpu.memref_slice %arg13[%dma_start3A_216] : memref<65536xf32, #tpu.memory_space<vmem_shared>> -> memref<65536xf32, #tpu.memory_space<vmem_shared>>
      tpu.enqueue_indirect_dma source(%arg9 : memref<128xf32, #tpu.memory_space<vmem>>) target(%dma_start3A_217 : memref<65536xf32, #tpu.memory_space<vmem_shared>>) offsets(%dma_start3A_215 : memref<128xi32, #tpu.memory_space<vmem>>) semaphore(%arg11 : memref<!tpu.dma_semaphore, #tpu.memory_space<semaphore_mem>>) {add = true}
      %mul3A_218 = arith.constant 16 : i32
      %mul3A_219 = arith.muli %scan3A_108, %mul3A_218 : i32
      %add3A_220 = arith.constant 10 : i32
      %add3A_221 = arith.addi %mul3A_219, %add3A_220 : i32
      %mul3A_222 = arith.constant 128 : i32
      %mul3A_223 = arith.muli %add3A_221, %mul3A_222 : i32
      %dma_start3A_224 = arith.constant 1 : i32
      %dma_start3A_225 = tpu.memref_slice %arg7[%dma_start3A_224, %mul3A_223] : memref<2x15616xi32, #tpu.memory_space<vmem>> -> memref<1x128xi32, #tpu.memory_space<vmem>>
      %dma_start3A_226 = tpu.memref_squeeze %dma_start3A_225 : memref<1x128xi32, #tpu.memory_space<vmem>> -> memref<128xi32, #tpu.memory_space<vmem>>
      %dma_start3A_227 = arith.constant 0 : i32
      %dma_start3A_228 = tpu.memref_slice %arg13[%dma_start3A_227] : memref<65536xf32, #tpu.memory_space<vmem_shared>> -> memref<65536xf32, #tpu.memory_space<vmem_shared>>
      tpu.enqueue_indirect_dma source(%arg9 : memref<128xf32, #tpu.memory_space<vmem>>) target(%dma_start3A_228 : memref<65536xf32, #tpu.memory_space<vmem_shared>>) offsets(%dma_start3A_226 : memref<128xi32, #tpu.memory_space<vmem>>) semaphore(%arg11 : memref<!tpu.dma_semaphore, #tpu.memory_space<semaphore_mem>>) {add = true}
      %mul3A_229 = arith.constant 16 : i32
      %mul3A_230 = arith.muli %scan3A_108, %mul3A_229 : i32
      %add3A_231 = arith.constant 11 : i32
      %add3A_232 = arith.addi %mul3A_230, %add3A_231 : i32
      %mul3A_233 = arith.constant 128 : i32
      %mul3A_234 = arith.muli %add3A_232, %mul3A_233 : i32
      %dma_start3A_235 = arith.constant 1 : i32
      %dma_start3A_236 = tpu.memref_slice %arg7[%dma_start3A_235, %mul3A_234] : memref<2x15616xi32, #tpu.memory_space<vmem>> -> memref<1x128xi32, #tpu.memory_space<vmem>>
      %dma_start3A_237 = tpu.memref_squeeze %dma_start3A_236 : memref<1x128xi32, #tpu.memory_space<vmem>> -> memref<128xi32, #tpu.memory_space<vmem>>
      %dma_start3A_238 = arith.constant 0 : i32
      %dma_start3A_239 = tpu.memref_slice %arg13[%dma_start3A_238] : memref<65536xf32, #tpu.memory_space<vmem_shared>> -> memref<65536xf32, #tpu.memory_space<vmem_shared>>
      tpu.enqueue_indirect_dma source(%arg9 : memref<128xf32, #tpu.memory_space<vmem>>) target(%dma_start3A_239 : memref<65536xf32, #tpu.memory_space<vmem_shared>>) offsets(%dma_start3A_237 : memref<128xi32, #tpu.memory_space<vmem>>) semaphore(%arg11 : memref<!tpu.dma_semaphore, #tpu.memory_space<semaphore_mem>>) {add = true}
      %mul3A_240 = arith.constant 16 : i32
      %mul3A_241 = arith.muli %scan3A_108, %mul3A_240 : i32
      %add3A_242 = arith.constant 12 : i32
      %add3A_243 = arith.addi %mul3A_241, %add3A_242 : i32
      %mul3A_244 = arith.constant 128 : i32
      %mul3A_245 = arith.muli %add3A_243, %mul3A_244 : i32
      %dma_start3A_246 = arith.constant 1 : i32
      %dma_start3A_247 = tpu.memref_slice %arg7[%dma_start3A_246, %mul3A_245] : memref<2x15616xi32, #tpu.memory_space<vmem>> -> memref<1x128xi32, #tpu.memory_space<vmem>>
      %dma_start3A_248 = tpu.memref_squeeze %dma_start3A_247 : memref<1x128xi32, #tpu.memory_space<vmem>> -> memref<128xi32, #tpu.memory_space<vmem>>
      %dma_start3A_249 = arith.constant 0 : i32
      %dma_start3A_250 = tpu.memref_slice %arg13[%dma_start3A_249] : memref<65536xf32, #tpu.memory_space<vmem_shared>> -> memref<65536xf32, #tpu.memory_space<vmem_shared>>
      tpu.enqueue_indirect_dma source(%arg9 : memref<128xf32, #tpu.memory_space<vmem>>) target(%dma_start3A_250 : memref<65536xf32, #tpu.memory_space<vmem_shared>>) offsets(%dma_start3A_248 : memref<128xi32, #tpu.memory_space<vmem>>) semaphore(%arg11 : memref<!tpu.dma_semaphore, #tpu.memory_space<semaphore_mem>>) {add = true}
      %mul3A_251 = arith.constant 16 : i32
      %mul3A_252 = arith.muli %scan3A_108, %mul3A_251 : i32
      %add3A_253 = arith.constant 13 : i32
      %add3A_254 = arith.addi %mul3A_252, %add3A_253 : i32
      %mul3A_255 = arith.constant 128 : i32
      %mul3A_256 = arith.muli %add3A_254, %mul3A_255 : i32
      %dma_start3A_257 = arith.constant 1 : i32
      %dma_start3A_258 = tpu.memref_slice %arg7[%dma_start3A_257, %mul3A_256] : memref<2x15616xi32, #tpu.memory_space<vmem>> -> memref<1x128xi32, #tpu.memory_space<vmem>>
      %dma_start3A_259 = tpu.memref_squeeze %dma_start3A_258 : memref<1x128xi32, #tpu.memory_space<vmem>> -> memref<128xi32, #tpu.memory_space<vmem>>
      %dma_start3A_260 = arith.constant 0 : i32
      %dma_start3A_261 = tpu.memref_slice %arg13[%dma_start3A_260] : memref<65536xf32, #tpu.memory_space<vmem_shared>> -> memref<65536xf32, #tpu.memory_space<vmem_shared>>
      tpu.enqueue_indirect_dma source(%arg9 : memref<128xf32, #tpu.memory_space<vmem>>) target(%dma_start3A_261 : memref<65536xf32, #tpu.memory_space<vmem_shared>>) offsets(%dma_start3A_259 : memref<128xi32, #tpu.memory_space<vmem>>) semaphore(%arg11 : memref<!tpu.dma_semaphore, #tpu.memory_space<semaphore_mem>>) {add = true}
      %mul3A_262 = arith.constant 16 : i32
      %mul3A_263 = arith.muli %scan3A_108, %mul3A_262 : i32
      %add3A_264 = arith.constant 14 : i32
      %add3A_265 = arith.addi %mul3A_263, %add3A_264 : i32
      %mul3A_266 = arith.constant 128 : i32
      %mul3A_267 = arith.muli %add3A_265, %mul3A_266 : i32
      %dma_start3A_268 = arith.constant 1 : i32
      %dma_start3A_269 = tpu.memref_slice %arg7[%dma_start3A_268, %mul3A_267] : memref<2x15616xi32, #tpu.memory_space<vmem>> -> memref<1x128xi32, #tpu.memory_space<vmem>>
      %dma_start3A_270 = tpu.memref_squeeze %dma_start3A_269 : memref<1x128xi32, #tpu.memory_space<vmem>> -> memref<128xi32, #tpu.memory_space<vmem>>
      %dma_start3A_271 = arith.constant 0 : i32
      %dma_start3A_272 = tpu.memref_slice %arg13[%dma_start3A_271] : memref<65536xf32, #tpu.memory_space<vmem_shared>> -> memref<65536xf32, #tpu.memory_space<vmem_shared>>
      tpu.enqueue_indirect_dma source(%arg9 : memref<128xf32, #tpu.memory_space<vmem>>) target(%dma_start3A_272 : memref<65536xf32, #tpu.memory_space<vmem_shared>>) offsets(%dma_start3A_270 : memref<128xi32, #tpu.memory_space<vmem>>) semaphore(%arg11 : memref<!tpu.dma_semaphore, #tpu.memory_space<semaphore_mem>>) {add = true}
      %mul3A_273 = arith.constant 16 : i32
      %mul3A_274 = arith.muli %scan3A_108, %mul3A_273 : i32
      %add3A_275 = arith.constant 15 : i32
      %add3A_276 = arith.addi %mul3A_274, %add3A_275 : i32
      %mul3A_277 = arith.constant 128 : i32
      %mul3A_278 = arith.muli %add3A_276, %mul3A_277 : i32
      %dma_start3A_279 = arith.constant 1 : i32
      %dma_start3A_280 = tpu.memref_slice %arg7[%dma_start3A_279, %mul3A_278] : memref<2x15616xi32, #tpu.memory_space<vmem>> -> memref<1x128xi32, #tpu.memory_space<vmem>>
      %dma_start3A_281 = tpu.memref_squeeze %dma_start3A_280 : memref<1x128xi32, #tpu.memory_space<vmem>> -> memref<128xi32, #tpu.memory_space<vmem>>
      %dma_start3A_282 = arith.constant 0 : i32
      %dma_start3A_283 = tpu.memref_slice %arg13[%dma_start3A_282] : memref<65536xf32, #tpu.memory_space<vmem_shared>> -> memref<65536xf32, #tpu.memory_space<vmem_shared>>
      tpu.enqueue_indirect_dma source(%arg9 : memref<128xf32, #tpu.memory_space<vmem>>) target(%dma_start3A_283 : memref<65536xf32, #tpu.memory_space<vmem_shared>>) offsets(%dma_start3A_281 : memref<128xi32, #tpu.memory_space<vmem>>) semaphore(%arg11 : memref<!tpu.dma_semaphore, #tpu.memory_space<semaphore_mem>>) {add = true}
      %dma_wait3A = arith.constant 1 : i32
      %dma_wait3A_284 = tpu.memref_slice %arg7[%dma_wait3A, %mul3A_114] : memref<2x15616xi32, #tpu.memory_space<vmem>> -> memref<1x128xi32, #tpu.memory_space<vmem>>
      %dma_wait3A_285 = tpu.memref_squeeze %dma_wait3A_284 : memref<1x128xi32, #tpu.memory_space<vmem>> -> memref<128xi32, #tpu.memory_space<vmem>>
      %dma_wait3A_286 = arith.constant 0 : i32
      %dma_wait3A_287 = tpu.memref_slice %arg13[%dma_wait3A_286] : memref<65536xf32, #tpu.memory_space<vmem_shared>> -> memref<65536xf32, #tpu.memory_space<vmem_shared>>
      tpu.wait_indirect_dma semaphore(%arg11 : memref<!tpu.dma_semaphore, #tpu.memory_space<semaphore_mem>>) src(%arg9 : memref<128xf32, #tpu.memory_space<vmem>>) dst(%dma_wait3A_287 : memref<65536xf32, #tpu.memory_space<vmem_shared>>)
      %dma_wait3A_288 = arith.constant 1 : i32
      %dma_wait3A_289 = tpu.memref_slice %arg7[%dma_wait3A_288, %mul3A_124] : memref<2x15616xi32, #tpu.memory_space<vmem>> -> memref<1x128xi32, #tpu.memory_space<vmem>>
      %dma_wait3A_290 = tpu.memref_squeeze %dma_wait3A_289 : memref<1x128xi32, #tpu.memory_space<vmem>> -> memref<128xi32, #tpu.memory_space<vmem>>
      %dma_wait3A_291 = arith.constant 0 : i32
      %dma_wait3A_292 = tpu.memref_slice %arg13[%dma_wait3A_291] : memref<65536xf32, #tpu.memory_space<vmem_shared>> -> memref<65536xf32, #tpu.memory_space<vmem_shared>>
      tpu.wait_indirect_dma semaphore(%arg11 : memref<!tpu.dma_semaphore, #tpu.memory_space<semaphore_mem>>) src(%arg9 : memref<128xf32, #tpu.memory_space<vmem>>) dst(%dma_wait3A_292 : memref<65536xf32, #tpu.memory_space<vmem_shared>>)
      %dma_wait3A_293 = arith.constant 1 : i32
      %dma_wait3A_294 = tpu.memref_slice %arg7[%dma_wait3A_293, %mul3A_135] : memref<2x15616xi32, #tpu.memory_space<vmem>> -> memref<1x128xi32, #tpu.memory_space<vmem>>
      %dma_wait3A_295 = tpu.memref_squeeze %dma_wait3A_294 : memref<1x128xi32, #tpu.memory_space<vmem>> -> memref<128xi32, #tpu.memory_space<vmem>>
      %dma_wait3A_296 = arith.constant 0 : i32
      %dma_wait3A_297 = tpu.memref_slice %arg13[%dma_wait3A_296] : memref<65536xf32, #tpu.memory_space<vmem_shared>> -> memref<65536xf32, #tpu.memory_space<vmem_shared>>
      tpu.wait_indirect_dma semaphore(%arg11 : memref<!tpu.dma_semaphore, #tpu.memory_space<semaphore_mem>>) src(%arg9 : memref<128xf32, #tpu.memory_space<vmem>>) dst(%dma_wait3A_297 : memref<65536xf32, #tpu.memory_space<vmem_shared>>)
      %dma_wait3A_298 = arith.constant 1 : i32
      %dma_wait3A_299 = tpu.memref_slice %arg7[%dma_wait3A_298, %mul3A_146] : memref<2x15616xi32, #tpu.memory_space<vmem>> -> memref<1x128xi32, #tpu.memory_space<vmem>>
      %dma_wait3A_300 = tpu.memref_squeeze %dma_wait3A_299 : memref<1x128xi32, #tpu.memory_space<vmem>> -> memref<128xi32, #tpu.memory_space<vmem>>
      %dma_wait3A_301 = arith.constant 0 : i32
      %dma_wait3A_302 = tpu.memref_slice %arg13[%dma_wait3A_301] : memref<65536xf32, #tpu.memory_space<vmem_shared>> -> memref<65536xf32, #tpu.memory_space<vmem_shared>>
      tpu.wait_indirect_dma semaphore(%arg11 : memref<!tpu.dma_semaphore, #tpu.memory_space<semaphore_mem>>) src(%arg9 : memref<128xf32, #tpu.memory_space<vmem>>) dst(%dma_wait3A_302 : memref<65536xf32, #tpu.memory_space<vmem_shared>>)
      %dma_wait3A_303 = arith.constant 1 : i32
      %dma_wait3A_304 = tpu.memref_slice %arg7[%dma_wait3A_303, %mul3A_157] : memref<2x15616xi32, #tpu.memory_space<vmem>> -> memref<1x128xi32, #tpu.memory_space<vmem>>
      %dma_wait3A_305 = tpu.memref_squeeze %dma_wait3A_304 : memref<1x128xi32, #tpu.memory_space<vmem>> -> memref<128xi32, #tpu.memory_space<vmem>>
      %dma_wait3A_306 = arith.constant 0 : i32
      %dma_wait3A_307 = tpu.memref_slice %arg13[%dma_wait3A_306] : memref<65536xf32, #tpu.memory_space<vmem_shared>> -> memref<65536xf32, #tpu.memory_space<vmem_shared>>
      tpu.wait_indirect_dma semaphore(%arg11 : memref<!tpu.dma_semaphore, #tpu.memory_space<semaphore_mem>>) src(%arg9 : memref<128xf32, #tpu.memory_space<vmem>>) dst(%dma_wait3A_307 : memref<65536xf32, #tpu.memory_space<vmem_shared>>)
      %dma_wait3A_308 = arith.constant 1 : i32
      %dma_wait3A_309 = tpu.memref_slice %arg7[%dma_wait3A_308, %mul3A_168] : memref<2x15616xi32, #tpu.memory_space<vmem>> -> memref<1x128xi32, #tpu.memory_space<vmem>>
      %dma_wait3A_310 = tpu.memref_squeeze %dma_wait3A_309 : memref<1x128xi32, #tpu.memory_space<vmem>> -> memref<128xi32, #tpu.memory_space<vmem>>
      %dma_wait3A_311 = arith.constant 0 : i32
      %dma_wait3A_312 = tpu.memref_slice %arg13[%dma_wait3A_311] : memref<65536xf32, #tpu.memory_space<vmem_shared>> -> memref<65536xf32, #tpu.memory_space<vmem_shared>>
      tpu.wait_indirect_dma semaphore(%arg11 : memref<!tpu.dma_semaphore, #tpu.memory_space<semaphore_mem>>) src(%arg9 : memref<128xf32, #tpu.memory_space<vmem>>) dst(%dma_wait3A_312 : memref<65536xf32, #tpu.memory_space<vmem_shared>>)
      %dma_wait3A_313 = arith.constant 1 : i32
      %dma_wait3A_314 = tpu.memref_slice %arg7[%dma_wait3A_313, %mul3A_179] : memref<2x15616xi32, #tpu.memory_space<vmem>> -> memref<1x128xi32, #tpu.memory_space<vmem>>
      %dma_wait3A_315 = tpu.memref_squeeze %dma_wait3A_314 : memref<1x128xi32, #tpu.memory_space<vmem>> -> memref<128xi32, #tpu.memory_space<vmem>>
      %dma_wait3A_316 = arith.constant 0 : i32
      %dma_wait3A_317 = tpu.memref_slice %arg13[%dma_wait3A_316] : memref<65536xf32, #tpu.memory_space<vmem_shared>> -> memref<65536xf32, #tpu.memory_space<vmem_shared>>
      tpu.wait_indirect_dma semaphore(%arg11 : memref<!tpu.dma_semaphore, #tpu.memory_space<semaphore_mem>>) src(%arg9 : memref<128xf32, #tpu.memory_space<vmem>>) dst(%dma_wait3A_317 : memref<65536xf32, #tpu.memory_space<vmem_shared>>)
      %dma_wait3A_318 = arith.constant 1 : i32
      %dma_wait3A_319 = tpu.memref_slice %arg7[%dma_wait3A_318, %mul3A_190] : memref<2x15616xi32, #tpu.memory_space<vmem>> -> memref<1x128xi32, #tpu.memory_space<vmem>>
      %dma_wait3A_320 = tpu.memref_squeeze %dma_wait3A_319 : memref<1x128xi32, #tpu.memory_space<vmem>> -> memref<128xi32, #tpu.memory_space<vmem>>
      %dma_wait3A_321 = arith.constant 0 : i32
      %dma_wait3A_322 = tpu.memref_slice %arg13[%dma_wait3A_321] : memref<65536xf32, #tpu.memory_space<vmem_shared>> -> memref<65536xf32, #tpu.memory_space<vmem_shared>>
      tpu.wait_indirect_dma semaphore(%arg11 : memref<!tpu.dma_semaphore, #tpu.memory_space<semaphore_mem>>) src(%arg9 : memref<128xf32, #tpu.memory_space<vmem>>) dst(%dma_wait3A_322 : memref<65536xf32, #tpu.memory_space<vmem_shared>>)
      %dma_wait3A_323 = arith.constant 1 : i32
      %dma_wait3A_324 = tpu.memref_slice %arg7[%dma_wait3A_323, %mul3A_201] : memref<2x15616xi32, #tpu.memory_space<vmem>> -> memref<1x128xi32, #tpu.memory_space<vmem>>
      %dma_wait3A_325 = tpu.memref_squeeze %dma_wait3A_324 : memref<1x128xi32, #tpu.memory_space<vmem>> -> memref<128xi32, #tpu.memory_space<vmem>>
      %dma_wait3A_326 = arith.constant 0 : i32
      %dma_wait3A_327 = tpu.memref_slice %arg13[%dma_wait3A_326] : memref<65536xf32, #tpu.memory_space<vmem_shared>> -> memref<65536xf32, #tpu.memory_space<vmem_shared>>
      tpu.wait_indirect_dma semaphore(%arg11 : memref<!tpu.dma_semaphore, #tpu.memory_space<semaphore_mem>>) src(%arg9 : memref<128xf32, #tpu.memory_space<vmem>>) dst(%dma_wait3A_327 : memref<65536xf32, #tpu.memory_space<vmem_shared>>)
      %dma_wait3A_328 = arith.constant 1 : i32
      %dma_wait3A_329 = tpu.memref_slice %arg7[%dma_wait3A_328, %mul3A_212] : memref<2x15616xi32, #tpu.memory_space<vmem>> -> memref<1x128xi32, #tpu.memory_space<vmem>>
      %dma_wait3A_330 = tpu.memref_squeeze %dma_wait3A_329 : memref<1x128xi32, #tpu.memory_space<vmem>> -> memref<128xi32, #tpu.memory_space<vmem>>
      %dma_wait3A_331 = arith.constant 0 : i32
      %dma_wait3A_332 = tpu.memref_slice %arg13[%dma_wait3A_331] : memref<65536xf32, #tpu.memory_space<vmem_shared>> -> memref<65536xf32, #tpu.memory_space<vmem_shared>>
      tpu.wait_indirect_dma semaphore(%arg11 : memref<!tpu.dma_semaphore, #tpu.memory_space<semaphore_mem>>) src(%arg9 : memref<128xf32, #tpu.memory_space<vmem>>) dst(%dma_wait3A_332 : memref<65536xf32, #tpu.memory_space<vmem_shared>>)
      %dma_wait3A_333 = arith.constant 1 : i32
      %dma_wait3A_334 = tpu.memref_slice %arg7[%dma_wait3A_333, %mul3A_223] : memref<2x15616xi32, #tpu.memory_space<vmem>> -> memref<1x128xi32, #tpu.memory_space<vmem>>
      %dma_wait3A_335 = tpu.memref_squeeze %dma_wait3A_334 : memref<1x128xi32, #tpu.memory_space<vmem>> -> memref<128xi32, #tpu.memory_space<vmem>>
      %dma_wait3A_336 = arith.constant 0 : i32
      %dma_wait3A_337 = tpu.memref_slice %arg13[%dma_wait3A_336] : memref<65536xf32, #tpu.memory_space<vmem_shared>> -> memref<65536xf32, #tpu.memory_space<vmem_shared>>
      tpu.wait_indirect_dma semaphore(%arg11 : memref<!tpu.dma_semaphore, #tpu.memory_space<semaphore_mem>>) src(%arg9 : memref<128xf32, #tpu.memory_space<vmem>>) dst(%dma_wait3A_337 : memref<65536xf32, #tpu.memory_space<vmem_shared>>)
      %dma_wait3A_338 = arith.constant 1 : i32
      %dma_wait3A_339 = tpu.memref_slice %arg7[%dma_wait3A_338, %mul3A_234] : memref<2x15616xi32, #tpu.memory_space<vmem>> -> memref<1x128xi32, #tpu.memory_space<vmem>>
      %dma_wait3A_340 = tpu.memref_squeeze %dma_wait3A_339 : memref<1x128xi32, #tpu.memory_space<vmem>> -> memref<128xi32, #tpu.memory_space<vmem>>
      %dma_wait3A_341 = arith.constant 0 : i32
      %dma_wait3A_342 = tpu.memref_slice %arg13[%dma_wait3A_341] : memref<65536xf32, #tpu.memory_space<vmem_shared>> -> memref<65536xf32, #tpu.memory_space<vmem_shared>>
      tpu.wait_indirect_dma semaphore(%arg11 : memref<!tpu.dma_semaphore, #tpu.memory_space<semaphore_mem>>) src(%arg9 : memref<128xf32, #tpu.memory_space<vmem>>) dst(%dma_wait3A_342 : memref<65536xf32, #tpu.memory_space<vmem_shared>>)
      %dma_wait3A_343 = arith.constant 1 : i32
      %dma_wait3A_344 = tpu.memref_slice %arg7[%dma_wait3A_343, %mul3A_245] : memref<2x15616xi32, #tpu.memory_space<vmem>> -> memref<1x128xi32, #tpu.memory_space<vmem>>
      %dma_wait3A_345 = tpu.memref_squeeze %dma_wait3A_344 : memref<1x128xi32, #tpu.memory_space<vmem>> -> memref<128xi32, #tpu.memory_space<vmem>>
      %dma_wait3A_346 = arith.constant 0 : i32
      %dma_wait3A_347 = tpu.memref_slice %arg13[%dma_wait3A_346] : memref<65536xf32, #tpu.memory_space<vmem_shared>> -> memref<65536xf32, #tpu.memory_space<vmem_shared>>
      tpu.wait_indirect_dma semaphore(%arg11 : memref<!tpu.dma_semaphore, #tpu.memory_space<semaphore_mem>>) src(%arg9 : memref<128xf32, #tpu.memory_space<vmem>>) dst(%dma_wait3A_347 : memref<65536xf32, #tpu.memory_space<vmem_shared>>)
      %dma_wait3A_348 = arith.constant 1 : i32
      %dma_wait3A_349 = tpu.memref_slice %arg7[%dma_wait3A_348, %mul3A_256] : memref<2x15616xi32, #tpu.memory_space<vmem>> -> memref<1x128xi32, #tpu.memory_space<vmem>>
      %dma_wait3A_350 = tpu.memref_squeeze %dma_wait3A_349 : memref<1x128xi32, #tpu.memory_space<vmem>> -> memref<128xi32, #tpu.memory_space<vmem>>
      %dma_wait3A_351 = arith.constant 0 : i32
      %dma_wait3A_352 = tpu.memref_slice %arg13[%dma_wait3A_351] : memref<65536xf32, #tpu.memory_space<vmem_shared>> -> memref<65536xf32, #tpu.memory_space<vmem_shared>>
      tpu.wait_indirect_dma semaphore(%arg11 : memref<!tpu.dma_semaphore, #tpu.memory_space<semaphore_mem>>) src(%arg9 : memref<128xf32, #tpu.memory_space<vmem>>) dst(%dma_wait3A_352 : memref<65536xf32, #tpu.memory_space<vmem_shared>>)
      %dma_wait3A_353 = arith.constant 1 : i32
      %dma_wait3A_354 = tpu.memref_slice %arg7[%dma_wait3A_353, %mul3A_267] : memref<2x15616xi32, #tpu.memory_space<vmem>> -> memref<1x128xi32, #tpu.memory_space<vmem>>
      %dma_wait3A_355 = tpu.memref_squeeze %dma_wait3A_354 : memref<1x128xi32, #tpu.memory_space<vmem>> -> memref<128xi32, #tpu.memory_space<vmem>>
      %dma_wait3A_356 = arith.constant 0 : i32
      %dma_wait3A_357 = tpu.memref_slice %arg13[%dma_wait3A_356] : memref<65536xf32, #tpu.memory_space<vmem_shared>> -> memref<65536xf32, #tpu.memory_space<vmem_shared>>
      tpu.wait_indirect_dma semaphore(%arg11 : memref<!tpu.dma_semaphore, #tpu.memory_space<semaphore_mem>>) src(%arg9 : memref<128xf32, #tpu.memory_space<vmem>>) dst(%dma_wait3A_357 : memref<65536xf32, #tpu.memory_space<vmem_shared>>)
      %dma_wait3A_358 = arith.constant 1 : i32
      %dma_wait3A_359 = tpu.memref_slice %arg7[%dma_wait3A_358, %mul3A_278] : memref<2x15616xi32, #tpu.memory_space<vmem>> -> memref<1x128xi32, #tpu.memory_space<vmem>>
      %dma_wait3A_360 = tpu.memref_squeeze %dma_wait3A_359 : memref<1x128xi32, #tpu.memory_space<vmem>> -> memref<128xi32, #tpu.memory_space<vmem>>
      %dma_wait3A_361 = arith.constant 0 : i32
      %dma_wait3A_362 = tpu.memref_slice %arg13[%dma_wait3A_361] : memref<65536xf32, #tpu.memory_space<vmem_shared>> -> memref<65536xf32, #tpu.memory_space<vmem_shared>>
      tpu.wait_indirect_dma semaphore(%arg11 : memref<!tpu.dma_semaphore, #tpu.memory_space<semaphore_mem>>) src(%arg9 : memref<128xf32, #tpu.memory_space<vmem>>) dst(%dma_wait3A_362 : memref<65536xf32, #tpu.memory_space<vmem_shared>>)
    }
    %scan3A_54 = arith.constant 7 : i32
    %run_scoped3A_55 = arith.constant 1 : i32
    "tpu.region"() ({
      %run_scoped3A_108 = tpu.sem_alloc : memref<!tpu.dma_semaphore, #tpu.memory_space<semaphore_mem>>
      %dma_start3A = arith.constant 14336 : i32
      %dma_start3A_109 = tpu.memref_slice %arg7[%run_scoped3A_55, %dma_start3A] : memref<2x15616xi32, #tpu.memory_space<vmem>> -> memref<1x128xi32, #tpu.memory_space<vmem>>
      %dma_start3A_110 = tpu.memref_squeeze %dma_start3A_109 : memref<1x128xi32, #tpu.memory_space<vmem>> -> memref<128xi32, #tpu.memory_space<vmem>>
      %dma_start3A_111 = arith.constant 0 : i32
      %dma_start3A_112 = tpu.memref_slice %arg13[%dma_start3A_111] : memref<65536xf32, #tpu.memory_space<vmem_shared>> -> memref<65536xf32, #tpu.memory_space<vmem_shared>>
      tpu.enqueue_indirect_dma source(%arg9 : memref<128xf32, #tpu.memory_space<vmem>>) target(%dma_start3A_112 : memref<65536xf32, #tpu.memory_space<vmem_shared>>) offsets(%dma_start3A_110 : memref<128xi32, #tpu.memory_space<vmem>>) semaphore(%run_scoped3A_108 : memref<!tpu.dma_semaphore, #tpu.memory_space<semaphore_mem>>) {add = true}
      %dma_wait3A = arith.constant 14336 : i32
      %dma_wait3A_113 = tpu.memref_slice %arg7[%run_scoped3A_55, %dma_wait3A] : memref<2x15616xi32, #tpu.memory_space<vmem>> -> memref<1x128xi32, #tpu.memory_space<vmem>>
      %dma_wait3A_114 = tpu.memref_squeeze %dma_wait3A_113 : memref<1x128xi32, #tpu.memory_space<vmem>> -> memref<128xi32, #tpu.memory_space<vmem>>
      %dma_wait3A_115 = arith.constant 0 : i32
      %dma_wait3A_116 = tpu.memref_slice %arg13[%dma_wait3A_115] : memref<65536xf32, #tpu.memory_space<vmem_shared>> -> memref<65536xf32, #tpu.memory_space<vmem_shared>>
      tpu.wait_indirect_dma semaphore(%run_scoped3A_108 : memref<!tpu.dma_semaphore, #tpu.memory_space<semaphore_mem>>) src(%arg9 : memref<128xf32, #tpu.memory_space<vmem>>) dst(%dma_wait3A_116 : memref<65536xf32, #tpu.memory_space<vmem_shared>>)
      tpu.yield
    }) : () -> ()
    %run_scoped3A_56 = arith.constant 1 : i32
    "tpu.region"() ({
      %run_scoped3A_108 = tpu.sem_alloc : memref<!tpu.dma_semaphore, #tpu.memory_space<semaphore_mem>>
      %dma_start3A = arith.constant 14464 : i32
      %dma_start3A_109 = tpu.memref_slice %arg7[%run_scoped3A_56, %dma_start3A] : memref<2x15616xi32, #tpu.memory_space<vmem>> -> memref<1x128xi32, #tpu.memory_space<vmem>>
      %dma_start3A_110 = tpu.memref_squeeze %dma_start3A_109 : memref<1x128xi32, #tpu.memory_space<vmem>> -> memref<128xi32, #tpu.memory_space<vmem>>
      %dma_start3A_111 = arith.constant 0 : i32
      %dma_start3A_112 = tpu.memref_slice %arg13[%dma_start3A_111] : memref<65536xf32, #tpu.memory_space<vmem_shared>> -> memref<65536xf32, #tpu.memory_space<vmem_shared>>
      tpu.enqueue_indirect_dma source(%arg9 : memref<128xf32, #tpu.memory_space<vmem>>) target(%dma_start3A_112 : memref<65536xf32, #tpu.memory_space<vmem_shared>>) offsets(%dma_start3A_110 : memref<128xi32, #tpu.memory_space<vmem>>) semaphore(%run_scoped3A_108 : memref<!tpu.dma_semaphore, #tpu.memory_space<semaphore_mem>>) {add = true}
      %dma_wait3A = arith.constant 14464 : i32
      %dma_wait3A_113 = tpu.memref_slice %arg7[%run_scoped3A_56, %dma_wait3A] : memref<2x15616xi32, #tpu.memory_space<vmem>> -> memref<1x128xi32, #tpu.memory_space<vmem>>
      %dma_wait3A_114 = tpu.memref_squeeze %dma_wait3A_113 : memref<1x128xi32, #tpu.memory_space<vmem>> -> memref<128xi32, #tpu.memory_space<vmem>>
      %dma_wait3A_115 = arith.constant 0 : i32
      %dma_wait3A_116 = tpu.memref_slice %arg13[%dma_wait3A_115] : memref<65536xf32, #tpu.memory_space<vmem_shared>> -> memref<65536xf32, #tpu.memory_space<vmem_shared>>
      tpu.wait_indirect_dma semaphore(%run_scoped3A_108 : memref<!tpu.dma_semaphore, #tpu.memory_space<semaphore_mem>>) src(%arg9 : memref<128xf32, #tpu.memory_space<vmem>>) dst(%dma_wait3A_116 : memref<65536xf32, #tpu.memory_space<vmem_shared>>)
      tpu.yield
    }) : () -> ()
    %run_scoped3A_57 = arith.constant 1 : i32
    "tpu.region"() ({
      %run_scoped3A_108 = tpu.sem_alloc : memref<!tpu.dma_semaphore, #tpu.memory_space<semaphore_mem>>
      %dma_start3A = arith.constant 14592 : i32
      %dma_start3A_109 = tpu.memref_slice %arg7[%run_scoped3A_57, %dma_start3A] : memref<2x15616xi32, #tpu.memory_space<vmem>> -> memref<1x128xi32, #tpu.memory_space<vmem>>
      %dma_start3A_110 = tpu.memref_squeeze %dma_start3A_109 : memref<1x128xi32, #tpu.memory_space<vmem>> -> memref<128xi32, #tpu.memory_space<vmem>>
      %dma_start3A_111 = arith.constant 0 : i32
      %dma_start3A_112 = tpu.memref_slice %arg13[%dma_start3A_111] : memref<65536xf32, #tpu.memory_space<vmem_shared>> -> memref<65536xf32, #tpu.memory_space<vmem_shared>>
      tpu.enqueue_indirect_dma source(%arg9 : memref<128xf32, #tpu.memory_space<vmem>>) target(%dma_start3A_112 : memref<65536xf32, #tpu.memory_space<vmem_shared>>) offsets(%dma_start3A_110 : memref<128xi32, #tpu.memory_space<vmem>>) semaphore(%run_scoped3A_108 : memref<!tpu.dma_semaphore, #tpu.memory_space<semaphore_mem>>) {add = true}
      %dma_wait3A = arith.constant 14592 : i32
      %dma_wait3A_113 = tpu.memref_slice %arg7[%run_scoped3A_57, %dma_wait3A] : memref<2x15616xi32, #tpu.memory_space<vmem>> -> memref<1x128xi32, #tpu.memory_space<vmem>>
      %dma_wait3A_114 = tpu.memref_squeeze %dma_wait3A_113 : memref<1x128xi32, #tpu.memory_space<vmem>> -> memref<128xi32, #tpu.memory_space<vmem>>
      %dma_wait3A_115 = arith.constant 0 : i32
      %dma_wait3A_116 = tpu.memref_slice %arg13[%dma_wait3A_115] : memref<65536xf32, #tpu.memory_space<vmem_shared>> -> memref<65536xf32, #tpu.memory_space<vmem_shared>>
      tpu.wait_indirect_dma semaphore(%run_scoped3A_108 : memref<!tpu.dma_semaphore, #tpu.memory_space<semaphore_mem>>) src(%arg9 : memref<128xf32, #tpu.memory_space<vmem>>) dst(%dma_wait3A_116 : memref<65536xf32, #tpu.memory_space<vmem_shared>>)
      tpu.yield
    }) : () -> ()
    %run_scoped3A_58 = arith.constant 1 : i32
    "tpu.region"() ({
      %run_scoped3A_108 = tpu.sem_alloc : memref<!tpu.dma_semaphore, #tpu.memory_space<semaphore_mem>>
      %dma_start3A = arith.constant 14720 : i32
      %dma_start3A_109 = tpu.memref_slice %arg7[%run_scoped3A_58, %dma_start3A] : memref<2x15616xi32, #tpu.memory_space<vmem>> -> memref<1x128xi32, #tpu.memory_space<vmem>>
      %dma_start3A_110 = tpu.memref_squeeze %dma_start3A_109 : memref<1x128xi32, #tpu.memory_space<vmem>> -> memref<128xi32, #tpu.memory_space<vmem>>
      %dma_start3A_111 = arith.constant 0 : i32
      %dma_start3A_112 = tpu.memref_slice %arg13[%dma_start3A_111] : memref<65536xf32, #tpu.memory_space<vmem_shared>> -> memref<65536xf32, #tpu.memory_space<vmem_shared>>
      tpu.enqueue_indirect_dma source(%arg9 : memref<128xf32, #tpu.memory_space<vmem>>) target(%dma_start3A_112 : memref<65536xf32, #tpu.memory_space<vmem_shared>>) offsets(%dma_start3A_110 : memref<128xi32, #tpu.memory_space<vmem>>) semaphore(%run_scoped3A_108 : memref<!tpu.dma_semaphore, #tpu.memory_space<semaphore_mem>>) {add = true}
      %dma_wait3A = arith.constant 14720 : i32
      %dma_wait3A_113 = tpu.memref_slice %arg7[%run_scoped3A_58, %dma_wait3A] : memref<2x15616xi32, #tpu.memory_space<vmem>> -> memref<1x128xi32, #tpu.memory_space<vmem>>
      %dma_wait3A_114 = tpu.memref_squeeze %dma_wait3A_113 : memref<1x128xi32, #tpu.memory_space<vmem>> -> memref<128xi32, #tpu.memory_space<vmem>>
      %dma_wait3A_115 = arith.constant 0 : i32
      %dma_wait3A_116 = tpu.memref_slice %arg13[%dma_wait3A_115] : memref<65536xf32, #tpu.memory_space<vmem_shared>> -> memref<65536xf32, #tpu.memory_space<vmem_shared>>
      tpu.wait_indirect_dma semaphore(%run_scoped3A_108 : memref<!tpu.dma_semaphore, #tpu.memory_space<semaphore_mem>>) src(%arg9 : memref<128xf32, #tpu.memory_space<vmem>>) dst(%dma_wait3A_116 : memref<65536xf32, #tpu.memory_space<vmem_shared>>)
      tpu.yield
    }) : () -> ()
    %run_scoped3A_59 = arith.constant 1 : i32
    "tpu.region"() ({
      %run_scoped3A_108 = tpu.sem_alloc : memref<!tpu.dma_semaphore, #tpu.memory_space<semaphore_mem>>
      %dma_start3A = arith.constant 14848 : i32
      %dma_start3A_109 = tpu.memref_slice %arg7[%run_scoped3A_59, %dma_start3A] : memref<2x15616xi32, #tpu.memory_space<vmem>> -> memref<1x128xi32, #tpu.memory_space<vmem>>
      %dma_start3A_110 = tpu.memref_squeeze %dma_start3A_109 : memref<1x128xi32, #tpu.memory_space<vmem>> -> memref<128xi32, #tpu.memory_space<vmem>>
      %dma_start3A_111 = arith.constant 0 : i32
      %dma_start3A_112 = tpu.memref_slice %arg13[%dma_start3A_111] : memref<65536xf32, #tpu.memory_space<vmem_shared>> -> memref<65536xf32, #tpu.memory_space<vmem_shared>>
      tpu.enqueue_indirect_dma source(%arg9 : memref<128xf32, #tpu.memory_space<vmem>>) target(%dma_start3A_112 : memref<65536xf32, #tpu.memory_space<vmem_shared>>) offsets(%dma_start3A_110 : memref<128xi32, #tpu.memory_space<vmem>>) semaphore(%run_scoped3A_108 : memref<!tpu.dma_semaphore, #tpu.memory_space<semaphore_mem>>) {add = true}
      %dma_wait3A = arith.constant 14848 : i32
      %dma_wait3A_113 = tpu.memref_slice %arg7[%run_scoped3A_59, %dma_wait3A] : memref<2x15616xi32, #tpu.memory_space<vmem>> -> memref<1x128xi32, #tpu.memory_space<vmem>>
      %dma_wait3A_114 = tpu.memref_squeeze %dma_wait3A_113 : memref<1x128xi32, #tpu.memory_space<vmem>> -> memref<128xi32, #tpu.memory_space<vmem>>
      %dma_wait3A_115 = arith.constant 0 : i32
      %dma_wait3A_116 = tpu.memref_slice %arg13[%dma_wait3A_115] : memref<65536xf32, #tpu.memory_space<vmem_shared>> -> memref<65536xf32, #tpu.memory_space<vmem_shared>>
      tpu.wait_indirect_dma semaphore(%run_scoped3A_108 : memref<!tpu.dma_semaphore, #tpu.memory_space<semaphore_mem>>) src(%arg9 : memref<128xf32, #tpu.memory_space<vmem>>) dst(%dma_wait3A_116 : memref<65536xf32, #tpu.memory_space<vmem_shared>>)
      tpu.yield
    }) : () -> ()
    %run_scoped3A_60 = arith.constant 1 : i32
    "tpu.region"() ({
      %run_scoped3A_108 = tpu.sem_alloc : memref<!tpu.dma_semaphore, #tpu.memory_space<semaphore_mem>>
      %dma_start3A = arith.constant 14976 : i32
      %dma_start3A_109 = tpu.memref_slice %arg7[%run_scoped3A_60, %dma_start3A] : memref<2x15616xi32, #tpu.memory_space<vmem>> -> memref<1x128xi32, #tpu.memory_space<vmem>>
      %dma_start3A_110 = tpu.memref_squeeze %dma_start3A_109 : memref<1x128xi32, #tpu.memory_space<vmem>> -> memref<128xi32, #tpu.memory_space<vmem>>
      %dma_start3A_111 = arith.constant 0 : i32
      %dma_start3A_112 = tpu.memref_slice %arg13[%dma_start3A_111] : memref<65536xf32, #tpu.memory_space<vmem_shared>> -> memref<65536xf32, #tpu.memory_space<vmem_shared>>
      tpu.enqueue_indirect_dma source(%arg9 : memref<128xf32, #tpu.memory_space<vmem>>) target(%dma_start3A_112 : memref<65536xf32, #tpu.memory_space<vmem_shared>>) offsets(%dma_start3A_110 : memref<128xi32, #tpu.memory_space<vmem>>) semaphore(%run_scoped3A_108 : memref<!tpu.dma_semaphore, #tpu.memory_space<semaphore_mem>>) {add = true}
      %dma_wait3A = arith.constant 14976 : i32
      %dma_wait3A_113 = tpu.memref_slice %arg7[%run_scoped3A_60, %dma_wait3A] : memref<2x15616xi32, #tpu.memory_space<vmem>> -> memref<1x128xi32, #tpu.memory_space<vmem>>
      %dma_wait3A_114 = tpu.memref_squeeze %dma_wait3A_113 : memref<1x128xi32, #tpu.memory_space<vmem>> -> memref<128xi32, #tpu.memory_space<vmem>>
      %dma_wait3A_115 = arith.constant 0 : i32
      %dma_wait3A_116 = tpu.memref_slice %arg13[%dma_wait3A_115] : memref<65536xf32, #tpu.memory_space<vmem_shared>> -> memref<65536xf32, #tpu.memory_space<vmem_shared>>
      tpu.wait_indirect_dma semaphore(%run_scoped3A_108 : memref<!tpu.dma_semaphore, #tpu.memory_space<semaphore_mem>>) src(%arg9 : memref<128xf32, #tpu.memory_space<vmem>>) dst(%dma_wait3A_116 : memref<65536xf32, #tpu.memory_space<vmem_shared>>)
      tpu.yield
    }) : () -> ()
    %run_scoped3A_61 = arith.constant 1 : i32
    "tpu.region"() ({
      %run_scoped3A_108 = tpu.sem_alloc : memref<!tpu.dma_semaphore, #tpu.memory_space<semaphore_mem>>
      %dma_start3A = arith.constant 15104 : i32
      %dma_start3A_109 = tpu.memref_slice %arg7[%run_scoped3A_61, %dma_start3A] : memref<2x15616xi32, #tpu.memory_space<vmem>> -> memref<1x128xi32, #tpu.memory_space<vmem>>
      %dma_start3A_110 = tpu.memref_squeeze %dma_start3A_109 : memref<1x128xi32, #tpu.memory_space<vmem>> -> memref<128xi32, #tpu.memory_space<vmem>>
      %dma_start3A_111 = arith.constant 0 : i32
      %dma_start3A_112 = tpu.memref_slice %arg13[%dma_start3A_111] : memref<65536xf32, #tpu.memory_space<vmem_shared>> -> memref<65536xf32, #tpu.memory_space<vmem_shared>>
      tpu.enqueue_indirect_dma source(%arg9 : memref<128xf32, #tpu.memory_space<vmem>>) target(%dma_start3A_112 : memref<65536xf32, #tpu.memory_space<vmem_shared>>) offsets(%dma_start3A_110 : memref<128xi32, #tpu.memory_space<vmem>>) semaphore(%run_scoped3A_108 : memref<!tpu.dma_semaphore, #tpu.memory_space<semaphore_mem>>) {add = true}
      %dma_wait3A = arith.constant 15104 : i32
      %dma_wait3A_113 = tpu.memref_slice %arg7[%run_scoped3A_61, %dma_wait3A] : memref<2x15616xi32, #tpu.memory_space<vmem>> -> memref<1x128xi32, #tpu.memory_space<vmem>>
      %dma_wait3A_114 = tpu.memref_squeeze %dma_wait3A_113 : memref<1x128xi32, #tpu.memory_space<vmem>> -> memref<128xi32, #tpu.memory_space<vmem>>
      %dma_wait3A_115 = arith.constant 0 : i32
      %dma_wait3A_116 = tpu.memref_slice %arg13[%dma_wait3A_115] : memref<65536xf32, #tpu.memory_space<vmem_shared>> -> memref<65536xf32, #tpu.memory_space<vmem_shared>>
      tpu.wait_indirect_dma semaphore(%run_scoped3A_108 : memref<!tpu.dma_semaphore, #tpu.memory_space<semaphore_mem>>) src(%arg9 : memref<128xf32, #tpu.memory_space<vmem>>) dst(%dma_wait3A_116 : memref<65536xf32, #tpu.memory_space<vmem_shared>>)
      tpu.yield
    }) : () -> ()
    %run_scoped3A_62 = arith.constant 1 : i32
    "tpu.region"() ({
      %run_scoped3A_108 = tpu.sem_alloc : memref<!tpu.dma_semaphore, #tpu.memory_space<semaphore_mem>>
      %dma_start3A = arith.constant 15232 : i32
      %dma_start3A_109 = tpu.memref_slice %arg7[%run_scoped3A_62, %dma_start3A] : memref<2x15616xi32, #tpu.memory_space<vmem>> -> memref<1x128xi32, #tpu.memory_space<vmem>>
      %dma_start3A_110 = tpu.memref_squeeze %dma_start3A_109 : memref<1x128xi32, #tpu.memory_space<vmem>> -> memref<128xi32, #tpu.memory_space<vmem>>
      %dma_start3A_111 = arith.constant 0 : i32
      %dma_start3A_112 = tpu.memref_slice %arg13[%dma_start3A_111] : memref<65536xf32, #tpu.memory_space<vmem_shared>> -> memref<65536xf32, #tpu.memory_space<vmem_shared>>
      tpu.enqueue_indirect_dma source(%arg9 : memref<128xf32, #tpu.memory_space<vmem>>) target(%dma_start3A_112 : memref<65536xf32, #tpu.memory_space<vmem_shared>>) offsets(%dma_start3A_110 : memref<128xi32, #tpu.memory_space<vmem>>) semaphore(%run_scoped3A_108 : memref<!tpu.dma_semaphore, #tpu.memory_space<semaphore_mem>>) {add = true}
      %dma_wait3A = arith.constant 15232 : i32
      %dma_wait3A_113 = tpu.memref_slice %arg7[%run_scoped3A_62, %dma_wait3A] : memref<2x15616xi32, #tpu.memory_space<vmem>> -> memref<1x128xi32, #tpu.memory_space<vmem>>
      %dma_wait3A_114 = tpu.memref_squeeze %dma_wait3A_113 : memref<1x128xi32, #tpu.memory_space<vmem>> -> memref<128xi32, #tpu.memory_space<vmem>>
      %dma_wait3A_115 = arith.constant 0 : i32
      %dma_wait3A_116 = tpu.memref_slice %arg13[%dma_wait3A_115] : memref<65536xf32, #tpu.memory_space<vmem_shared>> -> memref<65536xf32, #tpu.memory_space<vmem_shared>>
      tpu.wait_indirect_dma semaphore(%run_scoped3A_108 : memref<!tpu.dma_semaphore, #tpu.memory_space<semaphore_mem>>) src(%arg9 : memref<128xf32, #tpu.memory_space<vmem>>) dst(%dma_wait3A_116 : memref<65536xf32, #tpu.memory_space<vmem_shared>>)
      tpu.yield
    }) : () -> ()
    %run_scoped3A_63 = arith.constant 1 : i32
    "tpu.region"() ({
      %run_scoped3A_108 = tpu.sem_alloc : memref<!tpu.dma_semaphore, #tpu.memory_space<semaphore_mem>>
      %dma_start3A = arith.constant 15360 : i32
      %dma_start3A_109 = tpu.memref_slice %arg7[%run_scoped3A_63, %dma_start3A] : memref<2x15616xi32, #tpu.memory_space<vmem>> -> memref<1x128xi32, #tpu.memory_space<vmem>>
      %dma_start3A_110 = tpu.memref_squeeze %dma_start3A_109 : memref<1x128xi32, #tpu.memory_space<vmem>> -> memref<128xi32, #tpu.memory_space<vmem>>
      %dma_start3A_111 = arith.constant 0 : i32
      %dma_start3A_112 = tpu.memref_slice %arg13[%dma_start3A_111] : memref<65536xf32, #tpu.memory_space<vmem_shared>> -> memref<65536xf32, #tpu.memory_space<vmem_shared>>
      tpu.enqueue_indirect_dma source(%arg9 : memref<128xf32, #tpu.memory_space<vmem>>) target(%dma_start3A_112 : memref<65536xf32, #tpu.memory_space<vmem_shared>>) offsets(%dma_start3A_110 : memref<128xi32, #tpu.memory_space<vmem>>) semaphore(%run_scoped3A_108 : memref<!tpu.dma_semaphore, #tpu.memory_space<semaphore_mem>>) {add = true}
      %dma_wait3A = arith.constant 15360 : i32
      %dma_wait3A_113 = tpu.memref_slice %arg7[%run_scoped3A_63, %dma_wait3A] : memref<2x15616xi32, #tpu.memory_space<vmem>> -> memref<1x128xi32, #tpu.memory_space<vmem>>
      %dma_wait3A_114 = tpu.memref_squeeze %dma_wait3A_113 : memref<1x128xi32, #tpu.memory_space<vmem>> -> memref<128xi32, #tpu.memory_space<vmem>>
      %dma_wait3A_115 = arith.constant 0 : i32
      %dma_wait3A_116 = tpu.memref_slice %arg13[%dma_wait3A_115] : memref<65536xf32, #tpu.memory_space<vmem_shared>> -> memref<65536xf32, #tpu.memory_space<vmem_shared>>
      tpu.wait_indirect_dma semaphore(%run_scoped3A_108 : memref<!tpu.dma_semaphore, #tpu.memory_space<semaphore_mem>>) src(%arg9 : memref<128xf32, #tpu.memory_space<vmem>>) dst(%dma_wait3A_116 : memref<65536xf32, #tpu.memory_space<vmem_shared>>)
      tpu.yield
    }) : () -> ()
    %run_scoped3A_64 = arith.constant 1 : i32
    "tpu.region"() ({
      %run_scoped3A_108 = tpu.sem_alloc : memref<!tpu.dma_semaphore, #tpu.memory_space<semaphore_mem>>
      %dma_start3A = arith.constant 15488 : i32
      %dma_start3A_109 = tpu.memref_slice %arg7[%run_scoped3A_64, %dma_start3A] : memref<2x15616xi32, #tpu.memory_space<vmem>> -> memref<1x128xi32, #tpu.memory_space<vmem>>
      %dma_start3A_110 = tpu.memref_squeeze %dma_start3A_109 : memref<1x128xi32, #tpu.memory_space<vmem>> -> memref<128xi32, #tpu.memory_space<vmem>>
      %dma_start3A_111 = arith.constant 0 : i32
      %dma_start3A_112 = tpu.memref_slice %arg13[%dma_start3A_111] : memref<65536xf32, #tpu.memory_space<vmem_shared>> -> memref<65536xf32, #tpu.memory_space<vmem_shared>>
      tpu.enqueue_indirect_dma source(%arg9 : memref<128xf32, #tpu.memory_space<vmem>>) target(%dma_start3A_112 : memref<65536xf32, #tpu.memory_space<vmem_shared>>) offsets(%dma_start3A_110 : memref<128xi32, #tpu.memory_space<vmem>>) semaphore(%run_scoped3A_108 : memref<!tpu.dma_semaphore, #tpu.memory_space<semaphore_mem>>) {add = true}
      %dma_wait3A = arith.constant 15488 : i32
      %dma_wait3A_113 = tpu.memref_slice %arg7[%run_scoped3A_64, %dma_wait3A] : memref<2x15616xi32, #tpu.memory_space<vmem>> -> memref<1x128xi32, #tpu.memory_space<vmem>>
      %dma_wait3A_114 = tpu.memref_squeeze %dma_wait3A_113 : memref<1x128xi32, #tpu.memory_space<vmem>> -> memref<128xi32, #tpu.memory_space<vmem>>
      %dma_wait3A_115 = arith.constant 0 : i32
      %dma_wait3A_116 = tpu.memref_slice %arg13[%dma_wait3A_115] : memref<65536xf32, #tpu.memory_space<vmem_shared>> -> memref<65536xf32, #tpu.memory_space<vmem_shared>>
      tpu.wait_indirect_dma semaphore(%run_scoped3A_108 : memref<!tpu.dma_semaphore, #tpu.memory_space<semaphore_mem>>) src(%arg9 : memref<128xf32, #tpu.memory_space<vmem>>) dst(%dma_wait3A_116 : memref<65536xf32, #tpu.memory_space<vmem_shared>>)
      tpu.yield
    }) : () -> ()
    %eq3A_65 = arith.constant 0 : i32
    %eq3A_66 = arith.cmpi eq, %arg0, %eq3A_65 : i32
    %eq3A_67 = arith.constant 0 : i32
    %eq3A_68 = arith.cmpi eq, %arg1, %eq3A_67 : i32
    %and3A_69 = arith.andi %eq3A_66, %eq3A_68 : i1
    %convert_element_type3A_70 = arith.extui %and3A_69 : i1 to i32
    %cond3A_71 = arith.constant 0 : i32
    %cond3A_72 = arith.cmpi ne, %convert_element_type3A_70, %cond3A_71 : i32
    scf.if %cond3A_72 {
      "tpu.region"() ({
        %run_scoped3A_109 = tpu.sem_alloc : memref<!tpu.dma_semaphore, #tpu.memory_space<semaphore_mem>>
        %dma_start3A = arith.constant 0 : i32
        %dma_start3A_110 = arith.constant 249856 : i32
        %dma_start3A_111 = tpu.memref_slice %arg3[%dma_start3A, %dma_start3A_110] : memref<2x500000xi32, #tpu.memory_space<hbm>> -> memref<2x128xi32, #tpu.memory_space<hbm>>
        %dma_start3A_112 = arith.constant 0 : i32
        %dma_start3A_113 = arith.constant 249856 : i32
        %dma_start3A_114 = tpu.memref_slice %arg3[%dma_start3A_112, %dma_start3A_113] : memref<2x500000xi32, #tpu.memory_space<hbm>> -> memref<2x128xi32, #tpu.memory_space<hbm>>
        tpu.enqueue_dma source(%dma_start3A_114 : memref<2x128xi32, #tpu.memory_space<hbm>>) target(%arg8 : memref<2x128xi32, #tpu.memory_space<vmem>>) target_semaphore(%run_scoped3A_109 : memref<!tpu.dma_semaphore, #tpu.memory_space<semaphore_mem>>)
        %dma_wait3A = arith.constant 0 : i32
        %dma_wait3A_115 = arith.constant 249856 : i32
        %dma_wait3A_116 = tpu.memref_slice %arg3[%dma_wait3A, %dma_wait3A_115] : memref<2x500000xi32, #tpu.memory_space<hbm>> -> memref<2x128xi32, #tpu.memory_space<hbm>>
        %dma_wait3A_117 = arith.constant 0 : i32
        %dma_wait3A_118 = arith.constant 249856 : i32
        %dma_wait3A_119 = tpu.memref_slice %arg3[%dma_wait3A_117, %dma_wait3A_118] : memref<2x500000xi32, #tpu.memory_space<hbm>> -> memref<2x128xi32, #tpu.memory_space<hbm>>
        tpu.wait_dma2 semaphore(%run_scoped3A_109 : memref<!tpu.dma_semaphore, #tpu.memory_space<semaphore_mem>>) src(%dma_wait3A_119 : memref<2x128xi32, #tpu.memory_space<hbm>>) dst(%arg8 : memref<2x128xi32, #tpu.memory_space<vmem>>)
        tpu.yield
      }) : () -> ()
      %run_scoped3A_108 = arith.constant 1 : i32
      "tpu.region"() ({
        %run_scoped3A_109 = tpu.sem_alloc : memref<!tpu.dma_semaphore, #tpu.memory_space<semaphore_mem>>
        %dma_start3A = arith.constant 0 : i32
        %dma_start3A_110 = tpu.memref_slice %arg8[%run_scoped3A_108, %dma_start3A] : memref<2x128xi32, #tpu.memory_space<vmem>> -> memref<1x128xi32, #tpu.memory_space<vmem>>
        %dma_start3A_111 = tpu.memref_squeeze %dma_start3A_110 : memref<1x128xi32, #tpu.memory_space<vmem>> -> memref<128xi32, #tpu.memory_space<vmem>>
        %dma_start3A_112 = arith.constant 0 : i32
        %dma_start3A_113 = tpu.memref_slice %arg13[%dma_start3A_112] : memref<65536xf32, #tpu.memory_space<vmem_shared>> -> memref<65536xf32, #tpu.memory_space<vmem_shared>>
        tpu.enqueue_indirect_dma source(%arg9 : memref<128xf32, #tpu.memory_space<vmem>>) target(%dma_start3A_113 : memref<65536xf32, #tpu.memory_space<vmem_shared>>) offsets(%dma_start3A_111 : memref<128xi32, #tpu.memory_space<vmem>>) semaphore(%run_scoped3A_109 : memref<!tpu.dma_semaphore, #tpu.memory_space<semaphore_mem>>) {add = true}
        %dma_wait3A = arith.constant 0 : i32
        %dma_wait3A_114 = tpu.memref_slice %arg8[%run_scoped3A_108, %dma_wait3A] : memref<2x128xi32, #tpu.memory_space<vmem>> -> memref<1x128xi32, #tpu.memory_space<vmem>>
        %dma_wait3A_115 = tpu.memref_squeeze %dma_wait3A_114 : memref<1x128xi32, #tpu.memory_space<vmem>> -> memref<128xi32, #tpu.memory_space<vmem>>
        %dma_wait3A_116 = arith.constant 0 : i32
        %dma_wait3A_117 = tpu.memref_slice %arg13[%dma_wait3A_116] : memref<65536xf32, #tpu.memory_space<vmem_shared>> -> memref<65536xf32, #tpu.memory_space<vmem_shared>>
        tpu.wait_indirect_dma semaphore(%run_scoped3A_109 : memref<!tpu.dma_semaphore, #tpu.memory_space<semaphore_mem>>) src(%arg9 : memref<128xf32, #tpu.memory_space<vmem>>) dst(%dma_wait3A_117 : memref<65536xf32, #tpu.memory_space<vmem_shared>>)
        tpu.yield
      }) : () -> ()
    } else {
    }
    %eq3A_73 = arith.constant 1 : i32
    %eq3A_74 = arith.cmpi eq, %arg0, %eq3A_73 : i32
    %eq3A_75 = arith.constant 0 : i32
    %eq3A_76 = arith.cmpi eq, %arg1, %eq3A_75 : i32
    %and3A_77 = arith.andi %eq3A_74, %eq3A_76 : i1
    %convert_element_type3A_78 = arith.extui %and3A_77 : i1 to i32
    %cond3A_79 = arith.constant 0 : i32
    %cond3A_80 = arith.cmpi ne, %convert_element_type3A_78, %cond3A_79 : i32
    scf.if %cond3A_80 {
      "tpu.region"() ({
        %run_scoped3A_109 = tpu.sem_alloc : memref<!tpu.dma_semaphore, #tpu.memory_space<semaphore_mem>>
        %dma_start3A = arith.constant 0 : i32
        %dma_start3A_110 = arith.constant 499840 : i32
        %dma_start3A_111 = tpu.memref_slice %arg3[%dma_start3A, %dma_start3A_110] : memref<2x500000xi32, #tpu.memory_space<hbm>> -> memref<2x128xi32, #tpu.memory_space<hbm>>
        %dma_start3A_112 = arith.constant 0 : i32
        %dma_start3A_113 = arith.constant 499840 : i32
        %dma_start3A_114 = tpu.memref_slice %arg3[%dma_start3A_112, %dma_start3A_113] : memref<2x500000xi32, #tpu.memory_space<hbm>> -> memref<2x128xi32, #tpu.memory_space<hbm>>
        tpu.enqueue_dma source(%dma_start3A_114 : memref<2x128xi32, #tpu.memory_space<hbm>>) target(%arg8 : memref<2x128xi32, #tpu.memory_space<vmem>>) target_semaphore(%run_scoped3A_109 : memref<!tpu.dma_semaphore, #tpu.memory_space<semaphore_mem>>)
        %dma_wait3A = arith.constant 0 : i32
        %dma_wait3A_115 = arith.constant 499840 : i32
        %dma_wait3A_116 = tpu.memref_slice %arg3[%dma_wait3A, %dma_wait3A_115] : memref<2x500000xi32, #tpu.memory_space<hbm>> -> memref<2x128xi32, #tpu.memory_space<hbm>>
        %dma_wait3A_117 = arith.constant 0 : i32
        %dma_wait3A_118 = arith.constant 499840 : i32
        %dma_wait3A_119 = tpu.memref_slice %arg3[%dma_wait3A_117, %dma_wait3A_118] : memref<2x500000xi32, #tpu.memory_space<hbm>> -> memref<2x128xi32, #tpu.memory_space<hbm>>
        tpu.wait_dma2 semaphore(%run_scoped3A_109 : memref<!tpu.dma_semaphore, #tpu.memory_space<semaphore_mem>>) src(%dma_wait3A_119 : memref<2x128xi32, #tpu.memory_space<hbm>>) dst(%arg8 : memref<2x128xi32, #tpu.memory_space<vmem>>)
        tpu.yield
      }) : () -> ()
      %run_scoped3A_108 = arith.constant 1 : i32
      "tpu.region"() ({
        %run_scoped3A_109 = tpu.sem_alloc : memref<!tpu.dma_semaphore, #tpu.memory_space<semaphore_mem>>
        %dma_start3A = arith.constant 0 : i32
        %dma_start3A_110 = tpu.memref_slice %arg8[%run_scoped3A_108, %dma_start3A] : memref<2x128xi32, #tpu.memory_space<vmem>> -> memref<1x128xi32, #tpu.memory_space<vmem>>
        %dma_start3A_111 = tpu.memref_squeeze %dma_start3A_110 : memref<1x128xi32, #tpu.memory_space<vmem>> -> memref<128xi32, #tpu.memory_space<vmem>>
        %dma_start3A_112 = arith.constant 0 : i32
        %dma_start3A_113 = tpu.memref_slice %arg13[%dma_start3A_112] : memref<65536xf32, #tpu.memory_space<vmem_shared>> -> memref<65536xf32, #tpu.memory_space<vmem_shared>>
        tpu.enqueue_indirect_dma source(%arg9 : memref<128xf32, #tpu.memory_space<vmem>>) target(%dma_start3A_113 : memref<65536xf32, #tpu.memory_space<vmem_shared>>) offsets(%dma_start3A_111 : memref<128xi32, #tpu.memory_space<vmem>>) semaphore(%run_scoped3A_109 : memref<!tpu.dma_semaphore, #tpu.memory_space<semaphore_mem>>) {add = true}
        %dma_wait3A = arith.constant 0 : i32
        %dma_wait3A_114 = tpu.memref_slice %arg8[%run_scoped3A_108, %dma_wait3A] : memref<2x128xi32, #tpu.memory_space<vmem>> -> memref<1x128xi32, #tpu.memory_space<vmem>>
        %dma_wait3A_115 = tpu.memref_squeeze %dma_wait3A_114 : memref<1x128xi32, #tpu.memory_space<vmem>> -> memref<128xi32, #tpu.memory_space<vmem>>
        %dma_wait3A_116 = arith.constant 0 : i32
        %dma_wait3A_117 = tpu.memref_slice %arg13[%dma_wait3A_116] : memref<65536xf32, #tpu.memory_space<vmem_shared>> -> memref<65536xf32, #tpu.memory_space<vmem_shared>>
        tpu.wait_indirect_dma semaphore(%run_scoped3A_109 : memref<!tpu.dma_semaphore, #tpu.memory_space<semaphore_mem>>) src(%arg9 : memref<128xf32, #tpu.memory_space<vmem>>) dst(%dma_wait3A_117 : memref<65536xf32, #tpu.memory_space<vmem_shared>>)
        tpu.yield
      }) : () -> ()
    } else {
    }
    %eq3A_81 = arith.constant 1 : i32
    %eq3A_82 = arith.cmpi eq, %arg0, %eq3A_81 : i32
    %eq3A_83 = arith.constant 1 : i32
    %eq3A_84 = arith.cmpi eq, %arg1, %eq3A_83 : i32
    %and3A_85 = arith.andi %eq3A_82, %eq3A_84 : i1
    %convert_element_type3A_86 = arith.extui %and3A_85 : i1 to i32
    %cond3A_87 = arith.constant 0 : i32
    %cond3A_88 = arith.cmpi ne, %convert_element_type3A_86, %cond3A_87 : i32
    scf.if %cond3A_88 {
      "tpu.region"() ({
        %run_scoped3A_109 = tpu.sem_alloc : memref<!tpu.dma_semaphore, #tpu.memory_space<semaphore_mem>>
        tpu.enqueue_dma source(%arg5 : memref<2x128xi32, #tpu.memory_space<hbm>>) target(%arg8 : memref<2x128xi32, #tpu.memory_space<vmem>>) target_semaphore(%run_scoped3A_109 : memref<!tpu.dma_semaphore, #tpu.memory_space<semaphore_mem>>)
        tpu.wait_dma2 semaphore(%run_scoped3A_109 : memref<!tpu.dma_semaphore, #tpu.memory_space<semaphore_mem>>) src(%arg5 : memref<2x128xi32, #tpu.memory_space<hbm>>) dst(%arg8 : memref<2x128xi32, #tpu.memory_space<vmem>>)
        tpu.yield
      }) : () -> ()
      %run_scoped3A_108 = arith.constant 1 : i32
      "tpu.region"() ({
        %run_scoped3A_109 = tpu.sem_alloc : memref<!tpu.dma_semaphore, #tpu.memory_space<semaphore_mem>>
        %dma_start3A = arith.constant 0 : i32
        %dma_start3A_110 = tpu.memref_slice %arg8[%run_scoped3A_108, %dma_start3A] : memref<2x128xi32, #tpu.memory_space<vmem>> -> memref<1x128xi32, #tpu.memory_space<vmem>>
        %dma_start3A_111 = tpu.memref_squeeze %dma_start3A_110 : memref<1x128xi32, #tpu.memory_space<vmem>> -> memref<128xi32, #tpu.memory_space<vmem>>
        %dma_start3A_112 = arith.constant 0 : i32
        %dma_start3A_113 = tpu.memref_slice %arg13[%dma_start3A_112] : memref<65536xf32, #tpu.memory_space<vmem_shared>> -> memref<65536xf32, #tpu.memory_space<vmem_shared>>
        tpu.enqueue_indirect_dma source(%arg9 : memref<128xf32, #tpu.memory_space<vmem>>) target(%dma_start3A_113 : memref<65536xf32, #tpu.memory_space<vmem_shared>>) offsets(%dma_start3A_111 : memref<128xi32, #tpu.memory_space<vmem>>) semaphore(%run_scoped3A_109 : memref<!tpu.dma_semaphore, #tpu.memory_space<semaphore_mem>>) {add = true}
        %dma_wait3A = arith.constant 0 : i32
        %dma_wait3A_114 = tpu.memref_slice %arg8[%run_scoped3A_108, %dma_wait3A] : memref<2x128xi32, #tpu.memory_space<vmem>> -> memref<1x128xi32, #tpu.memory_space<vmem>>
        %dma_wait3A_115 = tpu.memref_squeeze %dma_wait3A_114 : memref<1x128xi32, #tpu.memory_space<vmem>> -> memref<128xi32, #tpu.memory_space<vmem>>
        %dma_wait3A_116 = arith.constant 0 : i32
        %dma_wait3A_117 = tpu.memref_slice %arg13[%dma_wait3A_116] : memref<65536xf32, #tpu.memory_space<vmem_shared>> -> memref<65536xf32, #tpu.memory_space<vmem_shared>>
        tpu.wait_indirect_dma semaphore(%run_scoped3A_109 : memref<!tpu.dma_semaphore, #tpu.memory_space<semaphore_mem>>) src(%arg9 : memref<128xf32, #tpu.memory_space<vmem>>) dst(%dma_wait3A_117 : memref<65536xf32, #tpu.memory_space<vmem_shared>>)
        tpu.yield
      }) : () -> ()
    } else {
    }
    %barrier3A_89 = arith.constant 0 : index
    tpu.barrier barrier_id(%barrier3A_89)
    %mul3A_90 = arith.constant 4096 : i32
    %mul3A_91 = arith.muli %arg1, %mul3A_90 : i32
    "tpu.region"() ({
      %run_scoped3A_108 = tpu.sem_alloc : memref<!tpu.dma_semaphore, #tpu.memory_space<semaphore_mem>>
      %dma_start3A = tpu.memref_slice %arg12[%mul3A_91] : memref<65536xf32, #tpu.memory_space<vmem_shared>> -> memref<4096xf32, #tpu.memory_space<vmem_shared>>
      %dma_start3A_109 = tpu.memref_slice %arg12[%mul3A_91] : memref<65536xf32, #tpu.memory_space<vmem_shared>> -> memref<4096xf32, #tpu.memory_space<vmem_shared>>
      tpu.enqueue_dma source(%dma_start3A_109 : memref<4096xf32, #tpu.memory_space<vmem_shared>>) target(%arg10 : memref<4096xf32, #tpu.memory_space<vmem>>) target_semaphore(%run_scoped3A_108 : memref<!tpu.dma_semaphore, #tpu.memory_space<semaphore_mem>>)
      %dma_wait3A = tpu.memref_slice %arg12[%mul3A_91] : memref<65536xf32, #tpu.memory_space<vmem_shared>> -> memref<4096xf32, #tpu.memory_space<vmem_shared>>
      %dma_wait3A_110 = tpu.memref_slice %arg12[%mul3A_91] : memref<65536xf32, #tpu.memory_space<vmem_shared>> -> memref<4096xf32, #tpu.memory_space<vmem_shared>>
      tpu.wait_dma2 semaphore(%run_scoped3A_108 : memref<!tpu.dma_semaphore, #tpu.memory_space<semaphore_mem>>) src(%dma_wait3A_110 : memref<4096xf32, #tpu.memory_space<vmem_shared>>) dst(%arg10 : memref<4096xf32, #tpu.memory_space<vmem>>)
      tpu.yield
    }) : () -> ()
    %add3A_92 = arith.constant 0 : i32
    %add3A_93 = arith.addi %add3A_92, %arg0 : i32
    %mul3A_94 = arith.constant 65536 : i32
    %mul3A_95 = arith.muli %add3A_93, %mul3A_94 : i32
    %mul3A_96 = arith.constant 4096 : i32
    %mul3A_97 = arith.muli %arg1, %mul3A_96 : i32
    %add3A_98 = arith.addi %mul3A_95, %mul3A_97 : i32
    "tpu.region"() ({
      %run_scoped3A_108 = tpu.sem_alloc : memref<!tpu.dma_semaphore, #tpu.memory_space<semaphore_mem>>
      %dma_start3A = tpu.memref_slice %arg6[%add3A_98] : memref<262144xf32, #tpu.memory_space<hbm>> -> memref<4096xf32, #tpu.memory_space<hbm>>
      %dma_start3A_109 = tpu.memref_slice %arg6[%add3A_98] : memref<262144xf32, #tpu.memory_space<hbm>> -> memref<4096xf32, #tpu.memory_space<hbm>>
      tpu.enqueue_dma source(%arg10 : memref<4096xf32, #tpu.memory_space<vmem>>) target(%dma_start3A_109 : memref<4096xf32, #tpu.memory_space<hbm>>) target_semaphore(%run_scoped3A_108 : memref<!tpu.dma_semaphore, #tpu.memory_space<semaphore_mem>>)
      %dma_wait3A = tpu.memref_slice %arg6[%add3A_98] : memref<262144xf32, #tpu.memory_space<hbm>> -> memref<4096xf32, #tpu.memory_space<hbm>>
      %dma_wait3A_110 = tpu.memref_slice %arg6[%add3A_98] : memref<262144xf32, #tpu.memory_space<hbm>> -> memref<4096xf32, #tpu.memory_space<hbm>>
      tpu.wait_dma2 semaphore(%run_scoped3A_108 : memref<!tpu.dma_semaphore, #tpu.memory_space<semaphore_mem>>) src(%arg10 : memref<4096xf32, #tpu.memory_space<vmem>>) dst(%dma_wait3A_110 : memref<4096xf32, #tpu.memory_space<hbm>>)
      tpu.yield
    }) : () -> ()
    %mul3A_99 = arith.constant 4096 : i32
    %mul3A_100 = arith.muli %arg1, %mul3A_99 : i32
    "tpu.region"() ({
      %run_scoped3A_108 = tpu.sem_alloc : memref<!tpu.dma_semaphore, #tpu.memory_space<semaphore_mem>>
      %dma_start3A = tpu.memref_slice %arg13[%mul3A_100] : memref<65536xf32, #tpu.memory_space<vmem_shared>> -> memref<4096xf32, #tpu.memory_space<vmem_shared>>
      %dma_start3A_109 = tpu.memref_slice %arg13[%mul3A_100] : memref<65536xf32, #tpu.memory_space<vmem_shared>> -> memref<4096xf32, #tpu.memory_space<vmem_shared>>
      tpu.enqueue_dma source(%dma_start3A_109 : memref<4096xf32, #tpu.memory_space<vmem_shared>>) target(%arg10 : memref<4096xf32, #tpu.memory_space<vmem>>) target_semaphore(%run_scoped3A_108 : memref<!tpu.dma_semaphore, #tpu.memory_space<semaphore_mem>>)
      %dma_wait3A = tpu.memref_slice %arg13[%mul3A_100] : memref<65536xf32, #tpu.memory_space<vmem_shared>> -> memref<4096xf32, #tpu.memory_space<vmem_shared>>
      %dma_wait3A_110 = tpu.memref_slice %arg13[%mul3A_100] : memref<65536xf32, #tpu.memory_space<vmem_shared>> -> memref<4096xf32, #tpu.memory_space<vmem_shared>>
      tpu.wait_dma2 semaphore(%run_scoped3A_108 : memref<!tpu.dma_semaphore, #tpu.memory_space<semaphore_mem>>) src(%dma_wait3A_110 : memref<4096xf32, #tpu.memory_space<vmem_shared>>) dst(%arg10 : memref<4096xf32, #tpu.memory_space<vmem>>)
      tpu.yield
    }) : () -> ()
    %add3A_101 = arith.constant 2 : i32
    %add3A_102 = arith.addi %add3A_101, %arg0 : i32
    %mul3A_103 = arith.constant 65536 : i32
    %mul3A_104 = arith.muli %add3A_102, %mul3A_103 : i32
    %mul3A_105 = arith.constant 4096 : i32
    %mul3A_106 = arith.muli %arg1, %mul3A_105 : i32
    %add3A_107 = arith.addi %mul3A_104, %mul3A_106 : i32
    "tpu.region"() ({
      %run_scoped3A_108 = tpu.sem_alloc : memref<!tpu.dma_semaphore, #tpu.memory_space<semaphore_mem>>
      %dma_start3A = tpu.memref_slice %arg6[%add3A_107] : memref<262144xf32, #tpu.memory_space<hbm>> -> memref<4096xf32, #tpu.memory_space<hbm>>
      %dma_start3A_109 = tpu.memref_slice %arg6[%add3A_107] : memref<262144xf32, #tpu.memory_space<hbm>> -> memref<4096xf32, #tpu.memory_space<hbm>>
      tpu.enqueue_dma source(%arg10 : memref<4096xf32, #tpu.memory_space<vmem>>) target(%dma_start3A_109 : memref<4096xf32, #tpu.memory_space<hbm>>) target_semaphore(%run_scoped3A_108 : memref<!tpu.dma_semaphore, #tpu.memory_space<semaphore_mem>>)
      %dma_wait3A = tpu.memref_slice %arg6[%add3A_107] : memref<262144xf32, #tpu.memory_space<hbm>> -> memref<4096xf32, #tpu.memory_space<hbm>>
      %dma_wait3A_110 = tpu.memref_slice %arg6[%add3A_107] : memref<262144xf32, #tpu.memory_space<hbm>> -> memref<4096xf32, #tpu.memory_space<hbm>>
      tpu.wait_dma2 semaphore(%run_scoped3A_108 : memref<!tpu.dma_semaphore, #tpu.memory_space<semaphore_mem>>) src(%arg10 : memref<4096xf32, #tpu.memory_space<vmem>>) dst(%dma_wait3A_110 : memref<4096xf32, #tpu.memory_space<hbm>>)
      tpu.yield
    }) : () -> ()
    return
  }
}

module attributes {stable_mosaic.version = 14 : i64} {
  func.func @_tc1_body(%arg0: i32, %arg1: memref<8192x128xf32, #tpu.memory_space<vmem>>, %arg2: memref<128x128xf32, #tpu.memory_space<vmem>>, %arg3: memref<1x128xf32, #tpu.memory_space<vmem>>, %arg4: memref<128x128xf32, #tpu.memory_space<vmem>>, %arg5: memref<1x128xf32, #tpu.memory_space<vmem>>, %arg6: memref<1x128xf32, #tpu.memory_space<vmem>>, %arg7: memref<128x16xf32, #tpu.memory_space<vmem>>, %arg8: memref<8192xf32, #tpu.memory_space<vmem>>, %arg9: memref<8192xf32, #tpu.memory_space<vmem>>, %arg10: memref<8192xf32, #tpu.memory_space<vmem>>, %arg11: memref<8192xf32, #tpu.memory_space<vmem>>, %arg12: memref<16x8192xf32, #tpu.memory_space<vmem>>, %arg13: memref<8x128xf32, #tpu.memory_space<vmem>>) attributes {dimension_semantics = [#tpu.dimension_semantics<arbitrary>], iteration_bounds = array<i64: 7>, scalar_prefetch = 0 : i64, scratch_operands = 0 : i64, tpu.core_type = #tpu.core_type<tc>, window_params = [{transform_indices = @transform_0, window_bounds = array<i64: 8192, 128>}, {pipeline_mode = #tpu.pipeline_mode<synchronous>, transform_indices = @transform_1, window_bounds = array<i64: 128, 128>}, {pipeline_mode = #tpu.pipeline_mode<synchronous>, transform_indices = @transform_2, window_bounds = array<i64: 1, 128>}, {pipeline_mode = #tpu.pipeline_mode<synchronous>, transform_indices = @transform_3, window_bounds = array<i64: 128, 128>}, {pipeline_mode = #tpu.pipeline_mode<synchronous>, transform_indices = @transform_4, window_bounds = array<i64: 1, 128>}, {pipeline_mode = #tpu.pipeline_mode<synchronous>, transform_indices = @transform_5, window_bounds = array<i64: 1, 128>}, {pipeline_mode = #tpu.pipeline_mode<synchronous>, transform_indices = @transform_6, window_bounds = array<i64: 128, 16>}, {transform_indices = @transform_7, window_bounds = array<i64: 8192>}, {transform_indices = @transform_8, window_bounds = array<i64: 8192>}, {transform_indices = @transform_9, window_bounds = array<i64: 8192>}, {transform_indices = @transform_10, window_bounds = array<i64: 8192>}, {transform_indices = @transform_11, window_bounds = array<i64: 16, 8192>}, {pipeline_mode = #tpu.pipeline_mode<synchronous>, transform_indices = @transform_12, window_bounds = array<i64: 8, 128>}]} {
    %get3A = arith.constant 0 : index
    %get3A_0 = arith.constant 0 : index
    %get3A_1 = vector.load %arg1[%get3A, %get3A_0] : memref<8192x128xf32, #tpu.memory_space<vmem>>, vector<8192x128xf32>
    %get3A_2 = arith.constant 0 : index
    %get3A_3 = arith.constant 0 : index
    %get3A_4 = vector.load %arg2[%get3A_2, %get3A_3] : memref<128x128xf32, #tpu.memory_space<vmem>>, vector<128x128xf32>
    %dot_general3A = arith.constant dense<0.000000e+00> : vector<8192x128xf32>
    %dot_general3A_5 = tpu.matmul %get3A_1, %get3A_4, %dot_general3A {dimension_numbers = #tpu.dot_dimension_numbers<[1], [0], [0], [1], [0, 0, 1, 1], [], []>, transpose_lhs_hint = false} : vector<8192x128xf32>, vector<128x128xf32>, vector<8192x128xf32> -> vector<8192x128xf32>
    %get3A_6 = arith.constant 0 : index
    %get3A_7 = arith.constant 0 : index
    %get3A_8 = vector.load %arg3[%get3A_6, %get3A_7] : memref<1x128xf32, #tpu.memory_space<vmem>>, vector<1x128xf32>
    %add3A = vector.broadcast %get3A_8 : vector<1x128xf32> to vector<8192x128xf32>
    %add3A_9 = arith.addf %dot_general3A_5, %add3A : vector<8192x128xf32>
    %max3A = arith.constant 0.000000e+00 : f32
    %max3A_10 = vector.broadcast %max3A : f32 to vector<8192x128xf32>
    %max3A_11 = arith.maximumf %add3A_9, %max3A_10 : vector<8192x128xf32>
    %get3A_12 = arith.constant 0 : index
    %get3A_13 = arith.constant 0 : index
    %get3A_14 = vector.load %arg7[%get3A_12, %get3A_13] : memref<128x16xf32, #tpu.memory_space<vmem>>, vector<128x16xf32>
    %dot_general3A_15 = arith.constant dense<0.000000e+00> : vector<16x8192xf32>
    %dot_general3A_16 = tpu.matmul %get3A_14, %max3A_11, %dot_general3A_15 {dimension_numbers = #tpu.dot_dimension_numbers<[0], [1], [1], [0], [0, 1, 1, 0], [], []>, transpose_lhs_hint = false} : vector<128x16xf32>, vector<8192x128xf32>, vector<16x8192xf32> -> vector<16x8192xf32>
    %swap3A = arith.constant 0 : index
    %swap3A_17 = arith.constant 0 : index
    %swap3A_18 = vector.load %arg12[%swap3A, %swap3A_17] : memref<16x8192xf32, #tpu.memory_space<vmem>>, vector<16x8192xf32>
    tpu.vector_store %arg12[%swap3A, %swap3A_17], %dot_general3A_16 {strides = array<i32>} : memref<16x8192xf32, #tpu.memory_space<vmem>>, vector<16x8192xf32>,
    %get3A_19 = arith.constant 0 : index
    %get3A_20 = arith.constant 0 : index
    %get3A_21 = vector.load %arg4[%get3A_19, %get3A_20] : memref<128x128xf32, #tpu.memory_space<vmem>>, vector<128x128xf32>
    %dot_general3A_22 = arith.constant dense<0.000000e+00> : vector<8192x128xf32>
    %dot_general3A_23 = tpu.matmul %max3A_11, %get3A_21, %dot_general3A_22 {dimension_numbers = #tpu.dot_dimension_numbers<[1], [0], [0], [1], [0, 0, 1, 1], [], []>, transpose_lhs_hint = false} : vector<8192x128xf32>, vector<128x128xf32>, vector<8192x128xf32> -> vector<8192x128xf32>
    %get3A_24 = arith.constant 0 : index
    %get3A_25 = arith.constant 0 : index
    %get3A_26 = vector.load %arg5[%get3A_24, %get3A_25] : memref<1x128xf32, #tpu.memory_space<vmem>>, vector<1x128xf32>
    %add3A_27 = vector.broadcast %get3A_26 : vector<1x128xf32> to vector<8192x128xf32>
    %add3A_28 = arith.addf %dot_general3A_23, %add3A_27 : vector<8192x128xf32>
    %tanh3A = math.tanh %add3A_28 : vector<8192x128xf32>
    %iota3A = tpu.iota {dimensions = array<i32: 0>} : vector<8192x128xi32>
    %mul3A = arith.constant 8192 : i32
    %mul3A_29 = arith.muli %arg0, %mul3A : i32
    %add3A_30 = vector.broadcast %mul3A_29 : i32 to vector<8192x128xi32>
    %add3A_31 = arith.addi %iota3A, %add3A_30 : vector<8192x128xi32>
    %lt3A = arith.constant 50000 : i32
    %lt3A_32 = vector.broadcast %lt3A : i32 to vector<8192x128xi32>
    %lt3A_33 = arith.cmpi slt, %add3A_31, %lt3A_32 : vector<8192x128xi32>
    %jit3A = arith.constant 0.000000e+00 : f32
    %broadcast_in_dim3A = vector.broadcast %jit3A : f32 to vector<8192x128xf32>
    %select_n3A = arith.select %lt3A_33, %tanh3A, %broadcast_in_dim3A : vector<8192x128xi1>, vector<8192x128xf32>
    %iota3A_34 = tpu.iota {dimensions = array<i32: 1>} : vector<1x8192xi32>
    %mul3A_35 = arith.constant 8192 : i32
    %mul3A_36 = arith.muli %arg0, %mul3A_35 : i32
    %add3A_37 = vector.broadcast %mul3A_36 : i32 to vector<1x8192xi32>
    %add3A_38 = arith.addi %iota3A_34, %add3A_37 : vector<1x8192xi32>
    %lt3A_39 = arith.constant 50000 : i32
    %lt3A_40 = vector.broadcast %lt3A_39 : i32 to vector<1x8192xi32>
    %lt3A_41 = arith.cmpi slt, %add3A_38, %lt3A_40 : vector<1x8192xi32>
    %get3A_42 = arith.constant 0 : index
    %get3A_43 = vector.load %arg8[%get3A_42] : memref<8192xf32, #tpu.memory_space<vmem>>, vector<8192xf32>
    %get3A_44 = arith.constant 0 : index
    %get3A_45 = vector.load %arg9[%get3A_44] : memref<8192xf32, #tpu.memory_space<vmem>>, vector<8192xf32>
    %add3A_46 = arith.addf %get3A_43, %get3A_45 : vector<8192xf32>
    %reshape3A = vector.shape_cast %add3A_46 : vector<8192xf32> to vector<1x8192xf32>
    %get3A_47 = arith.constant 0 : index
    %get3A_48 = vector.load %arg10[%get3A_47] : memref<8192xf32, #tpu.memory_space<vmem>>, vector<8192xf32>
    %get3A_49 = arith.constant 0 : index
    %get3A_50 = vector.load %arg11[%get3A_49] : memref<8192xf32, #tpu.memory_space<vmem>>, vector<8192xf32>
    %add3A_51 = arith.addf %get3A_48, %get3A_50 : vector<8192xf32>
    %reshape3A_52 = vector.shape_cast %add3A_51 : vector<8192xf32> to vector<1x8192xf32>
    %gt3A = arith.constant 0.000000e+00 : f32
    %gt3A_53 = vector.broadcast %gt3A : f32 to vector<1x8192xf32>
    %gt3A_54 = arith.cmpf ogt, %reshape3A, %gt3A_53 : vector<1x8192xf32>
    %and3A = arith.andi %gt3A_54, %lt3A_41 : vector<1x8192xi1>
    %convert_element_type3A = arith.extui %and3A : vector<1x8192xi1> to vector<1x8192xi32>
    %convert_element_type3A_55 = arith.sitofp %convert_element_type3A : vector<1x8192xi32> to vector<1x8192xf32>
    %gt3A_56 = arith.constant 0.000000e+00 : f32
    %gt3A_57 = vector.broadcast %gt3A_56 : f32 to vector<1x8192xf32>
    %gt3A_58 = arith.cmpf ogt, %reshape3A_52, %gt3A_57 : vector<1x8192xf32>
    %and3A_59 = arith.andi %gt3A_58, %lt3A_41 : vector<1x8192xi1>
    %convert_element_type3A_60 = arith.extui %and3A_59 : vector<1x8192xi1> to vector<1x8192xi32>
    %convert_element_type3A_61 = arith.sitofp %convert_element_type3A_60 : vector<1x8192xi32> to vector<1x8192xf32>
    %dot_general3A_62 = arith.constant dense<0.000000e+00> : vector<1x128xf32>
    %dot_general3A_63 = tpu.matmul %convert_element_type3A_55, %select_n3A, %dot_general3A_62 {dimension_numbers = #tpu.dot_dimension_numbers<[1], [0], [0], [1], [0, 0, 1, 1], [], []>, transpose_lhs_hint = false} : vector<1x8192xf32>, vector<8192x128xf32>, vector<1x128xf32> -> vector<1x128xf32>
    %dot_general3A_64 = arith.constant dense<0.000000e+00> : vector<1x128xf32>
    %dot_general3A_65 = tpu.matmul %convert_element_type3A_61, %select_n3A, %dot_general3A_64 {dimension_numbers = #tpu.dot_dimension_numbers<[1], [0], [0], [1], [0, 0, 1, 1], [], []>, transpose_lhs_hint = false} : vector<1x8192xf32>, vector<8192x128xf32>, vector<1x128xf32> -> vector<1x128xf32>
    %reduce_sum3A = vector.shape_cast %convert_element_type3A_55 : vector<1x8192xf32> to vector<1x1x8192xf32>
    %reduce_sum3A_66 = arith.constant dense<0.000000e+00> : vector<1xf32>
    %reduce_sum3A_67 = vector.multi_reduction <add>, %reduce_sum3A, %reduce_sum3A_66 [1, 2] : vector<1x1x8192xf32> to vector<1xf32>
    %reduce_sum3A_68 = vector.shape_cast %reduce_sum3A_67 : vector<1xf32> to vector<1x1x1xf32>
    %reduce_sum3A_69 = vector.extract %reduce_sum3A_68[0, 0, 0] : f32 from vector<1x1x1xf32>
    %broadcast_in_dim3A_70 = vector.broadcast %reduce_sum3A_69 : f32 to vector<1x128xf32>
    %reduce_sum3A_71 = vector.shape_cast %convert_element_type3A_61 : vector<1x8192xf32> to vector<1x1x8192xf32>
    %reduce_sum3A_72 = arith.constant dense<0.000000e+00> : vector<1xf32>
    %reduce_sum3A_73 = vector.multi_reduction <add>, %reduce_sum3A_71, %reduce_sum3A_72 [1, 2] : vector<1x1x8192xf32> to vector<1xf32>
    %reduce_sum3A_74 = vector.shape_cast %reduce_sum3A_73 : vector<1xf32> to vector<1x1x1xf32>
    %reduce_sum3A_75 = vector.extract %reduce_sum3A_74[0, 0, 0] : f32 from vector<1x1x1xf32>
    %broadcast_in_dim3A_76 = vector.broadcast %reduce_sum3A_75 : f32 to vector<1x128xf32>
    %broadcast_in_dim3A_77 = arith.constant 0.000000e+00 : f32
    %broadcast_in_dim3A_78 = vector.broadcast %broadcast_in_dim3A_77 : f32 to vector<4x128xf32>
    %concatenate3A = tpu.concatenate %dot_general3A_63, %dot_general3A_65, %broadcast_in_dim3A_70, %broadcast_in_dim3A_76, %broadcast_in_dim3A_78 in 0 : vector<1x128xf32>, vector<1x128xf32>, vector<1x128xf32>, vector<1x128xf32>, vector<4x128xf32> -> vector<8x128xf32>
    %eq3A = arith.constant 0 : i32
    %eq3A_79 = arith.cmpi eq, %arg0, %eq3A : i32
    %convert_element_type3A_80 = arith.extui %eq3A_79 : i1 to i32
    %cond3A = arith.constant 0 : i32
    %cond3A_81 = arith.cmpi ne, %convert_element_type3A_80, %cond3A : i32
    scf.if %cond3A_81 {
      %swap3A_92 = arith.constant 0 : index
      %swap3A_93 = arith.constant 0 : index
      %swap3A_94 = vector.load %arg13[%swap3A_92, %swap3A_93] : memref<8x128xf32, #tpu.memory_space<vmem>>, vector<8x128xf32>
      tpu.vector_store %arg13[%swap3A_92, %swap3A_93], %concatenate3A {strides = array<i32>} : memref<8x128xf32, #tpu.memory_space<vmem>>, vector<8x128xf32>,
    } else {
    }
    %gt3A_82 = arith.constant 0 : i32
    %gt3A_83 = arith.cmpi sgt, %arg0, %gt3A_82 : i32
    %convert_element_type3A_84 = arith.extui %gt3A_83 : i1 to i32
    %cond3A_85 = arith.constant 0 : i32
    %cond3A_86 = arith.cmpi ne, %convert_element_type3A_84, %cond3A_85 : i32
    scf.if %cond3A_86 {
      %get3A_92 = arith.constant 0 : index
      %get3A_93 = arith.constant 0 : index
      %get3A_94 = vector.load %arg13[%get3A_92, %get3A_93] : memref<8x128xf32, #tpu.memory_space<vmem>>, vector<8x128xf32>
      %add3A_95 = arith.addf %get3A_94, %concatenate3A : vector<8x128xf32>
      %swap3A_96 = arith.constant 0 : index
      %swap3A_97 = arith.constant 0 : index
      %swap3A_98 = vector.load %arg13[%swap3A_96, %swap3A_97] : memref<8x128xf32, #tpu.memory_space<vmem>>, vector<8x128xf32>
      tpu.vector_store %arg13[%swap3A_96, %swap3A_97], %add3A_95 {strides = array<i32>} : memref<8x128xf32, #tpu.memory_space<vmem>>, vector<8x128xf32>,
    } else {
    }
    %eq3A_87 = arith.constant 6 : i32
    %eq3A_88 = arith.cmpi eq, %arg0, %eq3A_87 : i32
    %convert_element_type3A_89 = arith.extui %eq3A_88 : i1 to i32
    %cond3A_90 = arith.constant 0 : i32
    %cond3A_91 = arith.cmpi ne, %convert_element_type3A_89, %cond3A_90 : i32
    scf.if %cond3A_91 {
      %get3A_92 = arith.constant 0 : index
      %get3A_93 = arith.constant 0 : index
      %get3A_94 = vector.load %arg5[%get3A_92, %get3A_93] : memref<1x128xf32, #tpu.memory_space<vmem>>, vector<1x128xf32>
      %tanh3A_95 = math.tanh %get3A_94 : vector<1x128xf32>
      %get3A_96 = arith.constant 0 : index
      %get3A_97 = arith.constant 0 : index
      %get3A_98 = vector.load %arg6[%get3A_96, %get3A_97] : memref<1x128xf32, #tpu.memory_space<vmem>>, vector<1x128xf32>
      %get3A_99 = arith.constant 0 : index
      %get3A_100 = arith.constant 0 : index
      %get3A_101 = vector.load %arg13[%get3A_99, %get3A_100] : memref<8x128xf32, #tpu.memory_space<vmem>>, vector<1x128xf32>
      %get3A_102 = arith.constant 2 : index
      %get3A_103 = arith.constant 0 : index
      %get3A_104 = vector.load %arg13[%get3A_102, %get3A_103] : memref<8x128xf32, #tpu.memory_space<vmem>>, vector<1x1xf32>
      %get3A_105 = vector.extract %get3A_104[0, 0] : f32 from vector<1x1xf32>
      %sub3A = arith.constant 5.000000e+04 : f32
      %sub3A_106 = arith.subf %sub3A, %get3A_105 : f32
      %mul3A_107 = vector.broadcast %sub3A_106 : f32 to vector<1x128xf32>
      %mul3A_108 = arith.mulf %mul3A_107, %tanh3A_95 : vector<1x128xf32>
      %add3A_109 = arith.addf %get3A_101, %mul3A_108 : vector<1x128xf32>
      %div3A = arith.constant 5.000000e+04 : f32
      %div3A_110 = vector.broadcast %div3A : f32 to vector<1x128xf32>
      %div3A_111 = arith.divf %add3A_109, %div3A_110 : vector<1x128xf32>
      %get3A_112 = arith.constant 1 : index
      %get3A_113 = arith.constant 0 : index
      %get3A_114 = vector.load %arg13[%get3A_112, %get3A_113] : memref<8x128xf32, #tpu.memory_space<vmem>>, vector<1x128xf32>
      %get3A_115 = arith.constant 3 : index
      %get3A_116 = arith.constant 0 : index
      %get3A_117 = vector.load %arg13[%get3A_115, %get3A_116] : memref<8x128xf32, #tpu.memory_space<vmem>>, vector<1x1xf32>
      %get3A_118 = vector.extract %get3A_117[0, 0] : f32 from vector<1x1xf32>
      %sub3A_119 = arith.constant 5.000000e+04 : f32
      %sub3A_120 = arith.subf %sub3A_119, %get3A_118 : f32
      %mul3A_121 = vector.broadcast %sub3A_120 : f32 to vector<1x128xf32>
      %mul3A_122 = arith.mulf %mul3A_121, %tanh3A_95 : vector<1x128xf32>
      %add3A_123 = arith.addf %get3A_114, %mul3A_122 : vector<1x128xf32>
      %div3A_124 = arith.constant 5.000000e+04 : f32
      %div3A_125 = vector.broadcast %div3A_124 : f32 to vector<1x128xf32>
      %div3A_126 = arith.divf %add3A_123, %div3A_125 : vector<1x128xf32>
      %mul3A_127 = arith.mulf %get3A_98, %div3A_111 : vector<1x128xf32>
      %reduce_sum3A_128 = vector.shape_cast %mul3A_127 : vector<1x128xf32> to vector<1x1x128xf32>
      %reduce_sum3A_129 = arith.constant dense<0.000000e+00> : vector<1xf32>
      %reduce_sum3A_130 = vector.multi_reduction <add>, %reduce_sum3A_128, %reduce_sum3A_129 [1, 2] : vector<1x1x128xf32> to vector<1xf32>
      %reduce_sum3A_131 = vector.shape_cast %reduce_sum3A_130 : vector<1xf32> to vector<1x1x1xf32>
      %reduce_sum3A_132 = vector.extract %reduce_sum3A_131[0, 0, 0] : f32 from vector<1x1x1xf32>
      %mul3A_133 = arith.mulf %get3A_98, %div3A_126 : vector<1x128xf32>
      %reduce_sum3A_134 = vector.shape_cast %mul3A_133 : vector<1x128xf32> to vector<1x1x128xf32>
      %reduce_sum3A_135 = arith.constant dense<0.000000e+00> : vector<1xf32>
      %reduce_sum3A_136 = vector.multi_reduction <add>, %reduce_sum3A_134, %reduce_sum3A_135 [1, 2] : vector<1x1x128xf32> to vector<1xf32>
      %reduce_sum3A_137 = vector.shape_cast %reduce_sum3A_136 : vector<1xf32> to vector<1x1x1xf32>
      %reduce_sum3A_138 = vector.extract %reduce_sum3A_137[0, 0, 0] : f32 from vector<1x1x1xf32>
      %max3A_139 = arith.maximumf %reduce_sum3A_132, %reduce_sum3A_138 : f32
      %sub3A_140 = arith.subf %reduce_sum3A_132, %max3A_139 : f32
      %exp3A = math.exp %sub3A_140 : f32
      %sub3A_141 = arith.subf %reduce_sum3A_138, %max3A_139 : f32
      %exp3A_142 = math.exp %sub3A_141 : f32
      %add3A_143 = arith.addf %exp3A, %exp3A_142 : f32
      %div3A_144 = arith.divf %exp3A, %add3A_143 : f32
      %broadcast_in_dim3A_145 = vector.broadcast %div3A_144 : f32 to vector<1x128xf32>
      %swap3A_146 = arith.constant 4 : index
      %swap3A_147 = arith.constant 0 : index
      %swap3A_148 = vector.load %arg13[%swap3A_146, %swap3A_147] : memref<8x128xf32, #tpu.memory_space<vmem>>, vector<1x128xf32>
      tpu.vector_store %arg13[%swap3A_146, %swap3A_147], %broadcast_in_dim3A_145 {strides = array<i32>} : memref<8x128xf32, #tpu.memory_space<vmem>>, vector<1x128xf32>,
      %add3A_149 = arith.addf %exp3A, %exp3A_142 : f32
      %div3A_150 = arith.divf %exp3A_142, %add3A_149 : f32
      %broadcast_in_dim3A_151 = vector.broadcast %div3A_150 : f32 to vector<1x128xf32>
      %swap3A_152 = arith.constant 5 : index
      %swap3A_153 = arith.constant 0 : index
      %swap3A_154 = vector.load %arg13[%swap3A_152, %swap3A_153] : memref<8x128xf32, #tpu.memory_space<vmem>>, vector<1x128xf32>
      tpu.vector_store %arg13[%swap3A_152, %swap3A_153], %broadcast_in_dim3A_151 {strides = array<i32>} : memref<8x128xf32, #tpu.memory_space<vmem>>, vector<1x128xf32>,
    } else {
    }
    return
  }
  func.func @transform_0(%arg0: i32) -> (i32, i32) {
    %c0_i32 = arith.constant 0 : i32
    %c0_i32_0 = arith.constant 0 : i32
    return %arg0, %c0_i32 : i32, i32
  }
  func.func @transform_1(%arg0: i32) -> (i32, i32) {
    %c0_i32 = arith.constant 0 : i32
    %c0_i32_0 = arith.constant 0 : i32
    %c0_i32_1 = arith.constant 0 : i32
    return %c0_i32, %c0_i32_0 : i32, i32
  }
  func.func @transform_2(%arg0: i32) -> (i32, i32) {
    %c0_i32 = arith.constant 0 : i32
    %c0_i32_0 = arith.constant 0 : i32
    %c0_i32_1 = arith.constant 0 : i32
    return %c0_i32, %c0_i32_0 : i32, i32
  }
  func.func @transform_3(%arg0: i32) -> (i32, i32) {
    %c0_i32 = arith.constant 0 : i32
    %c0_i32_0 = arith.constant 0 : i32
    %c0_i32_1 = arith.constant 0 : i32
    return %c0_i32, %c0_i32_0 : i32, i32
  }
  func.func @transform_4(%arg0: i32) -> (i32, i32) {
    %c0_i32 = arith.constant 0 : i32
    %c0_i32_0 = arith.constant 0 : i32
    %c0_i32_1 = arith.constant 0 : i32
    return %c0_i32, %c0_i32_0 : i32, i32
  }
  func.func @transform_5(%arg0: i32) -> (i32, i32) {
    %c0_i32 = arith.constant 0 : i32
    %c0_i32_0 = arith.constant 0 : i32
    %c0_i32_1 = arith.constant 0 : i32
    return %c0_i32, %c0_i32_0 : i32, i32
  }
  func.func @transform_6(%arg0: i32) -> (i32, i32) {
    %c0_i32 = arith.constant 0 : i32
    %c0_i32_0 = arith.constant 0 : i32
    %c0_i32_1 = arith.constant 0 : i32
    return %c0_i32, %c0_i32_0 : i32, i32
  }
  func.func @transform_7(%arg0: i32) -> i32 {
    %c0_i32 = arith.constant 0 : i32
    return %arg0 : i32
  }
  func.func @transform_8(%arg0: i32) -> i32 {
    %add3A = arith.constant 8 : i32
    %add3A_0 = arith.addi %arg0, %add3A : i32
    %c0_i32 = arith.constant 0 : i32
    return %add3A_0 : i32
  }
  func.func @transform_9(%arg0: i32) -> i32 {
    %add3A = arith.constant 16 : i32
    %add3A_0 = arith.addi %arg0, %add3A : i32
    %c0_i32 = arith.constant 0 : i32
    return %add3A_0 : i32
  }
  func.func @transform_10(%arg0: i32) -> i32 {
    %add3A = arith.constant 24 : i32
    %add3A_0 = arith.addi %arg0, %add3A : i32
    %c0_i32 = arith.constant 0 : i32
    return %add3A_0 : i32
  }
  func.func @transform_11(%arg0: i32) -> (i32, i32) {
    %c0_i32 = arith.constant 0 : i32
    %c0_i32_0 = arith.constant 0 : i32
    return %c0_i32, %arg0 : i32, i32
  }
  func.func @transform_12(%arg0: i32) -> (i32, i32) {
    %c0_i32 = arith.constant 0 : i32
    %c0_i32_0 = arith.constant 0 : i32
    %c0_i32_1 = arith.constant 0 : i32
    return %c0_i32, %c0_i32_0 : i32, i32
  }
}

module attributes {stable_mosaic.version = 14 : i64} {
  func.func @_tc2_body(%arg0: i32, %arg1: memref<16x16384xf32, #tpu.memory_space<vmem>>, %arg2: memref<16384xf32, #tpu.memory_space<vmem>>, %arg3: memref<16384xf32, #tpu.memory_space<vmem>>, %arg4: memref<16384xf32, #tpu.memory_space<vmem>>, %arg5: memref<16384xf32, #tpu.memory_space<vmem>>, %arg6: memref<8x128xf32, #tpu.memory_space<vmem>>, %arg7: memref<16x1xf32, #tpu.memory_space<vmem>>, %arg8: memref<16x16384xf32, #tpu.memory_space<vmem>>) attributes {dimension_semantics = [#tpu.dimension_semantics<arbitrary>], iteration_bounds = array<i64: 4>, scalar_prefetch = 0 : i64, scratch_operands = 0 : i64, tpu.core_type = #tpu.core_type<tc>, window_params = [{transform_indices = @transform_0, window_bounds = array<i64: 16, 16384>}, {transform_indices = @transform_1, window_bounds = array<i64: 16384>}, {transform_indices = @transform_2, window_bounds = array<i64: 16384>}, {transform_indices = @transform_3, window_bounds = array<i64: 16384>}, {transform_indices = @transform_4, window_bounds = array<i64: 16384>}, {pipeline_mode = #tpu.pipeline_mode<synchronous>, transform_indices = @transform_5, window_bounds = array<i64: 8, 128>}, {pipeline_mode = #tpu.pipeline_mode<synchronous>, transform_indices = @transform_6, window_bounds = array<i64: 16, 1>}, {transform_indices = @transform_7, window_bounds = array<i64: 16, 16384>}]} {
    %get3A = arith.constant 4 : index
    %get3A_0 = arith.constant 0 : index
    %get3A_1 = vector.load %arg6[%get3A, %get3A_0] : memref<8x128xf32, #tpu.memory_space<vmem>>, vector<1x1xf32>
    %get3A_2 = vector.extract %get3A_1[0, 0] : f32 from vector<1x1xf32>
    %get3A_3 = arith.constant 5 : index
    %get3A_4 = arith.constant 0 : index
    %get3A_5 = vector.load %arg6[%get3A_3, %get3A_4] : memref<8x128xf32, #tpu.memory_space<vmem>>, vector<1x1xf32>
    %get3A_6 = vector.extract %get3A_5[0, 0] : f32 from vector<1x1xf32>
    %get3A_7 = arith.constant 0 : index
    %get3A_8 = vector.load %arg2[%get3A_7] : memref<16384xf32, #tpu.memory_space<vmem>>, vector<16384xf32>
    %get3A_9 = arith.constant 0 : index
    %get3A_10 = vector.load %arg3[%get3A_9] : memref<16384xf32, #tpu.memory_space<vmem>>, vector<16384xf32>
    %add3A = arith.addf %get3A_8, %get3A_10 : vector<16384xf32>
    %reshape3A = vector.shape_cast %add3A : vector<16384xf32> to vector<1x16384xf32>
    %get3A_11 = arith.constant 0 : index
    %get3A_12 = vector.load %arg4[%get3A_11] : memref<16384xf32, #tpu.memory_space<vmem>>, vector<16384xf32>
    %get3A_13 = arith.constant 0 : index
    %get3A_14 = vector.load %arg5[%get3A_13] : memref<16384xf32, #tpu.memory_space<vmem>>, vector<16384xf32>
    %add3A_15 = arith.addf %get3A_12, %get3A_14 : vector<16384xf32>
    %reshape3A_16 = vector.shape_cast %add3A_15 : vector<16384xf32> to vector<1x16384xf32>
    %gt3A = arith.constant 0.000000e+00 : f32
    %gt3A_17 = vector.broadcast %gt3A : f32 to vector<1x16384xf32>
    %gt3A_18 = arith.cmpf ogt, %reshape3A, %gt3A_17 : vector<1x16384xf32>
    %convert_element_type3A = arith.extui %gt3A_18 : vector<1x16384xi1> to vector<1x16384xi32>
    %convert_element_type3A_19 = arith.sitofp %convert_element_type3A : vector<1x16384xi32> to vector<1x16384xf32>
    %gt3A_20 = arith.constant 0.000000e+00 : f32
    %gt3A_21 = vector.broadcast %gt3A_20 : f32 to vector<1x16384xf32>
    %gt3A_22 = arith.cmpf ogt, %reshape3A_16, %gt3A_21 : vector<1x16384xf32>
    %convert_element_type3A_23 = arith.extui %gt3A_22 : vector<1x16384xi1> to vector<1x16384xi32>
    %convert_element_type3A_24 = arith.sitofp %convert_element_type3A_23 : vector<1x16384xi32> to vector<1x16384xf32>
    %mul3A = vector.broadcast %get3A_2 : f32 to vector<1x16384xf32>
    %mul3A_25 = arith.mulf %mul3A, %convert_element_type3A_19 : vector<1x16384xf32>
    %mul3A_26 = vector.broadcast %get3A_6 : f32 to vector<1x16384xf32>
    %mul3A_27 = arith.mulf %mul3A_26, %convert_element_type3A_24 : vector<1x16384xf32>
    %add3A_28 = arith.addf %mul3A_25, %mul3A_27 : vector<1x16384xf32>
    %get3A_29 = arith.constant 0 : index
    %get3A_30 = arith.constant 0 : index
    %get3A_31 = vector.load %arg1[%get3A_29, %get3A_30] : memref<16x16384xf32, #tpu.memory_space<vmem>>, vector<16x16384xf32>
    %mul3A_32 = vector.broadcast %add3A_28 : vector<1x16384xf32> to vector<16x16384xf32>
    %mul3A_33 = arith.mulf %get3A_31, %mul3A_32 : vector<16x16384xf32>
    %get3A_34 = arith.constant 0 : index
    %get3A_35 = arith.constant 0 : index
    %get3A_36 = vector.load %arg7[%get3A_34, %get3A_35] : memref<16x1xf32, #tpu.memory_space<vmem>>, vector<16x1xf32>
    %add3A_37 = vector.broadcast %get3A_36 : vector<16x1xf32> to vector<16x16384xf32>
    %add3A_38 = arith.addf %mul3A_33, %add3A_37 : vector<16x16384xf32>
    %swap3A = arith.constant 0 : index
    %swap3A_39 = arith.constant 0 : index
    %swap3A_40 = vector.load %arg8[%swap3A, %swap3A_39] : memref<16x16384xf32, #tpu.memory_space<vmem>>, vector<16x16384xf32>
    tpu.vector_store %arg8[%swap3A, %swap3A_39], %add3A_38 {strides = array<i32>} : memref<16x16384xf32, #tpu.memory_space<vmem>>, vector<16x16384xf32>,
    return
  }
  func.func @transform_0(%arg0: i32) -> (i32, i32) {
    %c0_i32 = arith.constant 0 : i32
    %c0_i32_0 = arith.constant 0 : i32
    return %c0_i32, %arg0 : i32, i32
  }
  func.func @transform_1(%arg0: i32) -> i32 {
    %c0_i32 = arith.constant 0 : i32
    return %arg0 : i32
  }
  func.func @transform_2(%arg0: i32) -> i32 {
    %add3A = arith.constant 4 : i32
    %add3A_0 = arith.addi %arg0, %add3A : i32
    %c0_i32 = arith.constant 0 : i32
    return %add3A_0 : i32
  }
  func.func @transform_3(%arg0: i32) -> i32 {
    %add3A = arith.constant 8 : i32
    %add3A_0 = arith.addi %arg0, %add3A : i32
    %c0_i32 = arith.constant 0 : i32
    return %add3A_0 : i32
  }
  func.func @transform_4(%arg0: i32) -> i32 {
    %add3A = arith.constant 12 : i32
    %add3A_0 = arith.addi %arg0, %add3A : i32
    %c0_i32 = arith.constant 0 : i32
    return %add3A_0 : i32
  }
  func.func @transform_5(%arg0: i32) -> (i32, i32) {
    %c0_i32 = arith.constant 0 : i32
    %c0_i32_0 = arith.constant 0 : i32
    %c0_i32_1 = arith.constant 0 : i32
    return %c0_i32, %c0_i32_0 : i32, i32
  }
  func.func @transform_6(%arg0: i32) -> (i32, i32) {
    %c0_i32 = arith.constant 0 : i32
    %c0_i32_0 = arith.constant 0 : i32
    %c0_i32_1 = arith.constant 0 : i32
    return %c0_i32, %c0_i32_0 : i32, i32
  }
  func.func @transform_7(%arg0: i32) -> (i32, i32) {
    %c0_i32 = arith.constant 0 : i32
    %c0_i32_0 = arith.constant 0 : i32
    return %c0_i32, %arg0 : i32, i32
  }
}

</mosaic_0001>

<sc_bundles>
// kernel: _run.5.cloned.1.call-start
scs
__scs_entry_jumppad:
0x0: {  	(pc) =	sbr.rel $0x88, $3  }
0x1: {  	(tag) =	ssettag $0x0;
	lr =	simm.s32 $0x1  }
0x2: {  	[smem:$0x3F97] =	sst lr;
	_ =	strace $0xD0000000  }
0x3: {  	_ = 	snop  }
0x4: {  	_ = 	snop  }
0x5: {  	_ = 	snop  }
0x6: {  	_ = 	snop  }
0x7: {  	_ = 	snop  }
__scs_overlays_trampoline_lowered:
0x8: {  	[smem:$0x3FA6] =	sst s0  }
0x9: {  	[smem:$0x3FA7] =	sst s1  }
0xa: {  	[smem:$0x3FA8] =	sst s2  }
0xb: {  	[smem:$0x3FA9] =	sst s3  }
0xc: {  	[smem:$0x3FAA] =	sst s4  }
0xd: {  	[smem:$0x3FAB] =	sst s5  }
0xe: {  	[smem:$0x3FAC] =	sst s6  }
0xf: {  	[smem:$0x3FAD] =	sst s7  }
0x10: {  	[smem:$0x3FAE] =	sst s8  }
0x11: {  	[smem:$0x3FAF] =	sst s9;
	s0 =	simm.s32 @!p0 $0x0  }
0x12: {  	s1 =	sld [smem:$0x3F95];
	s0 =	simm.s32 @p0 $0x1  }
0x13: {  	[smem:$0x3FB0] =	sst s0;
	s0 =	simm.s32 @!p1 $0x0  }
0x14: {  	s2 =	sld [smem:$0x3F94];
	s0 =	simm.s32 @p1 $0x1  }
0x15: {  	[smem:$0x3FB1] =	sst s0;
	s0 =	simm.s32 @!p2 $0x0  }
0x16: {  	s3 =	sld [smem:$0x3FDB];
	s0 =	simm.s32 @p2 $0x1  }
0x17: {  	s4 =	simm.s32 $0x1BF5;
	[smem:$0x3FB3] =	sst s0  }
0x18: {  	s0 =	sld [smem:$0x3F96];
	_ =	swait.ge [sflag:s4], $0x0  }
0x19: {  	s7 =	sld [smem:$0x3F97]  }
0x1a: {  	s8 =	sadd.s32 $0xFFFFE003, lr  }
0x1b: {  	s9 =	sadd.s32 $0xFFFFFEF7, lr;
	s5 =	simm.s32 $0xFFFFFFFF;
	p2 =	slt.u32 s8, $0xFFFFF086  }
0x1c: {  	p1 =	slt.u32 s9, $0xF7A;
	s5 =	simm.s32 @!p2 $0x0  }
0x1d: {  	s5 =	simm.s32 @p1 $0x1;
	p0 =	seq.s32 s7, s2  }
0x1e: {  	s7 =	smul.u32 @!p0 $0xF7A, s2;
	p2 =	seq.s32 @!p0 s5, $0x0  }
0x1f: {  	s9 =	smul.u32 $0xF7A, s1;
	s8 =	simm.s32 @!p0 $0x1BF5;
	p2 =	por !p2, p0  }
0x20: {  	[sflag:s8] =	ssyncset.s32 @!p0 $0xFFFFF086;
	s6 =	sadd.s32 @!p0 s3, s7;
	s7 =	simm.s32 @!p0 $0x108  }
0x21: {  	s3 =	sadd.s32 s3, s9;
	s6 =	sadd.s32 @!p0 $0x88, s6;
	s7 =	simm.s32 @p2 $0x1082  }
0x22: {  	[simem:s7], [sflag:s8] =	dma.local @!p0 [hbm:s6], $0xF7A  }
0x23: {  	s9 =	sor.u32 $0xD0000000, s2;
	s6 =	simm.s32 $0x108;
	_ =	swait.ge @!p0 [sflag:s8], $0x0  }
0x24: {  	s3 =	sadd.s32 $0x88, s3;
	s6 =	simm.s32 @!p1 $0x1082;
	[sflag:s4] =	ssyncset.s32 $0xFFFFF086  }
0x25: {  	[simem:s6], [sflag:s4] =	dma.local [hbm:s3], $0xF7A  }
0x26: {  	[smem:$0x3F97] =	sst s1;
	(tag) =	ssettag s2;
	_ =	strace s9  }
0x27: {  	s1 =	sld [smem:$0x3FA7]  }
0x28: {  	s2 =	sld [smem:$0x3FA8]  }
0x29: {  	s4 =	sld [smem:$0x3FAA]  }
0x2a: {  	p0 =	seq.s32 s5, $0x0;
	s5 =	sld [smem:$0x3FAB]  }
0x2b: {  	s6 =	sld [smem:$0x3FAC]  }
0x2c: {  	s7 =	sld [smem:$0x3FAD]  }
0x2d: {  	s3 =	simm.s32 $0x108;
	s8 =	sld [smem:$0x3FAE]  }
0x2e: {  	s3 =	simm.s32 @!p0 $0x1082;
	s9 =	sld [smem:$0x3FAF]  }
0x2f: {  	lr =	sadd.s32 s0, s3;
	s0 =	sld [smem:$0x3FA6]  }
0x30: {  	s3 =	sld [smem:$0x3FA9]  }
0x31: {  	[smem:$0x3FB2] =	sst s10  }
0x32: {  	s10 =	sld [smem:$0x3FB0];
	_ =	sdelay $0x3  }
0x33: {  	p0 =	seq.s32 s10, $0x1;
	s10 =	sld [smem:$0x3FB2];
	_ =	sdelay $0x3  }
0x34: {  	[smem:$0x3FB2] =	sst s10  }
0x35: {  	s10 =	sld [smem:$0x3FB1];
	_ =	sdelay $0x3  }
0x36: {  	p1 =	seq.s32 s10, $0x1;
	s10 =	sld [smem:$0x3FB2];
	_ =	sdelay $0x3  }
0x37: {  	[smem:$0x3FB2] =	sst s10  }
0x38: {  	s10 =	sld [smem:$0x3FB3]  }
0x39: {  	_ = 	snop;
	(pc) =	sbr.ind lr, $3  }
0x3a: {  	_ = 	snop  }
0x3b: {  	_ = 	snop  }
0x3c: {  	p2 =	seq.s32 s10, $0x1;
	s10 =	sld [smem:$0x3FB2]  }
0x3d: {  	_ =	shalt  }
0x3e: {  	_ =	shalt  }
0x3f: {  	_ =	shalt  }
0x40: {  	_ =	shalt  }
0x41: {  	_ =	shalt  }
0x42: {  	_ =	shalt  }
0x43: {  	_ =	shalt  }
0x44: {  	_ =	shalt  }
0x45: {  	_ =	shalt  }
0x46: {  	_ =	shalt  }
0x47: {  	_ =	shalt  }
0x48: {  	_ =	shalt  }
0x49: {  	_ =	shalt  }
0x4a: {  	_ =	shalt  }
0x4b: {  	_ =	shalt  }
0x4c: {  	_ =	shalt  }
0x4d: {  	_ =	shalt  }
0x4e: {  	_ =	shalt  }
0x4f: {  	_ =	shalt  }
0x50: {  	_ =	shalt  }
0x51: {  	_ =	shalt  }
0x52: {  	_ =	shalt  }
0x53: {  	_ =	shalt  }
0x54: {  	_ =	shalt  }
0x55: {  	_ =	shalt  }
0x56: {  	_ =	shalt  }
0x57: {  	_ =	shalt  }
0x58: {  	_ =	shalt  }
0x59: {  	_ =	shalt  }
0x5a: {  	_ =	shalt  }
0x5b: {  	_ =	shalt  }
0x5c: {  	_ =	shalt  }
0x5d: {  	_ =	shalt  }
0x5e: {  	_ =	shalt  }
0x5f: {  	_ =	shalt  }
0x60: {  	_ =	shalt  }
0x61: {  	_ =	shalt  }
0x62: {  	_ =	shalt  }
0x63: {  	_ =	shalt  }
0x64: {  	_ =	shalt  }
0x65: {  	_ =	shalt  }
0x66: {  	_ =	shalt  }
0x67: {  	_ =	shalt  }
0x68: {  	_ =	shalt  }
0x69: {  	_ =	shalt  }
0x6a: {  	_ =	shalt  }
0x6b: {  	_ =	shalt  }
0x6c: {  	_ =	shalt  }
0x6d: {  	_ =	shalt  }
0x6e: {  	_ =	shalt  }
0x6f: {  	_ =	shalt  }
0x70: {  	_ =	shalt  }
0x71: {  	_ =	shalt  }
0x72: {  	_ =	shalt  }
0x73: {  	_ =	shalt  }
0x74: {  	_ =	shalt  }
0x75: {  	_ =	shalt  }
0x76: {  	_ =	shalt  }
0x77: {  	_ =	shalt  }
0x78: {  	_ =	shalt  }
0x79: {  	_ =	shalt  }
0x7a: {  	_ =	shalt  }
0x7b: {  	_ =	shalt  }
0x7c: {  	_ =	shalt  }
0x7d: {  	_ =	shalt  }
0x7e: {  	_ =	shalt  }
0x7f: {  	_ =	shalt  }
0x80: {  	_ =	shalt  }
0x81: {  	_ =	shalt  }
0x82: {  	_ =	shalt  }
0x83: {  	_ =	shalt  }
0x84: {  	_ =	shalt  }
0x85: {  	_ =	shalt  }
0x86: {  	_ =	shalt  }
0x87: {  	_ =	shalt  }
.Lfunc_end0:
.L_simem_size_0:
called_computation_lowered:
.L_overlay_start_0:
0x88: {  	s2 =	sld [smem:$0x3FD9]  }
0x89: {  	s3 =	sld [smem:$0x3FFE];
	_ =	sdelay $0x1  }
0x8a: {  	s1 =	srdreg.scid  }
0x8b: {  	s0 =	sand.u32 $0x1, s1  }
0x8c: {  	s17 =	sshll.u32 s0, $0xA;
	s2 =	sadd.s32 s3, s2  }
0x8d: {  	s2 =	sadd.s32 s2, s17  }
0x8e: {  	[smem:$0x3FBE] =	sst s2  }
0x8f: {  	_ = 	snop  }
0x90: {  	s2 =	sld [smem:$0x3FC8]  }
0x91: {  	s18 =	sld [smem:$0x3FC7]  }
0x92: {  	s4 =	sld [smem:$0x3FD0];
	(tm) =	ssettm $0x1  }
0x93: {  	s5 =	sld [smem:$0x3FFB];
	_ =	sdelay $0x3  }
0x94: {  	_ =	strace s5  }
0x95: {  	s5 =	sld [smem:$0x3FFC];
	_ =	sdelay $0x3  }
0x96: {  	_ =	strace s5  }
0x97: {  	s5 =	sld [smem:$0x3FFD];
	_ =	sdelay $0x3  }
0x98: {  	_ =	strace s5  }
0x99: {  	_ =	strace $0x8FFFFFFF  }
0x9a: {  	s19 =	sld [smem:$0x3FDB];
	_ =	sdelay $0x1  }
0x9b: {  	s6 =	simm.s32 $_scs_section_size  }
0x9c: {  	s7 =	simm.s32 $_size__tile_overlayer_lowered;
	s8 =	simm.s32 $_tile_overlayer_lowered  }
0x9d: {  	s22 =	simm.s32 $0x1BFF;
	s21 =	sshll.u32 s8, $0x1;
	s5 =	sadd.s32 s6, s19  }
0x9e: {  	s9 =	simm.s32 $0x0;
	s20 =	sshll.u32 s7, $0x1;
	s7 =	sadd.s32 s21, s5  }
0x9f: {  	[timem:s9], [sflag:s22] =	dma.local [hbm:s7], s20  }
0xa0: {  	_ =	swait.ge [sflag:s22], s20  }
0xa1: {  	s6 =	ssub.s32 $0x0, s20;
	[sflag:s22] =	ssyncset.done $0x0  }
0xa2: {  	[sflag:s22] =	ssyncadd.s32 s6;
	_ =	sdelay $0x1  }
0xa3: {  	s23 =	simm.s32 $0x1B8B  }
0xa4: {  	_ =	swait.ge [sflag:s23], $0x1  }
0xa5: {  	[sflag:s23] =	ssyncset.done $0x0  }
0xa6: {  	s25 =	simm.s32 $0x1B8E;
	s24 =	sld [smem:$0x3FFE];
	[sflag:s23] =	ssyncadd.s32 $0xFFFFFFFF  }
0xa7: {  	s26 =	simm.s32 $execute0_lowered;
	[smem:$0x3FD2] =	sst s25  }
0xa8: {  	s7 =	sshll.u32 s26, $0x1;
	_ =	strace $0x80000046;
	[dreg:$0x1] =	wrdreg $0xFFFFFFFF  }
0xa9: {  	s28 =	simm.s32 $_size_execute0_lowered;
	s5 =	sadd.s32 s5, s7;
	[dreg:$0x0] =	wrdreg $0x0  }
0xaa: {  	s7 =	sshll.u32 s28, $0x1;
	[dreg:$0x2] =	wrdreg s5  }
0xab: {  	[dreg:$0x3] =	wrdreg s7  }
0xac: {  	[dreg:$0x4] =	wrdreg $0xC0  }
0xad: {  	_ =	task [dreg:s9], $0x5FFFF  }
0xae: {  	[dreg:$0x1] =	wrdreg $0xFFFFFFFF  }
0xaf: {  	[dreg:$0x0] =	wrdreg $0x60  }
0xb0: {  	[dreg:$0x2] =	wrdreg s2  }
0xb1: {  	[dreg:$0x3] =	wrdreg s18  }
0xb2: {  	[dreg:$0x4] =	wrdreg s24  }
0xb3: {  	[dreg:$0x5] =	wrdreg s4  }
0xb4: {  	[dreg:$0x6] =	wrdreg $0x8B800  }
0xb5: {  	[dreg:$0x7] =	wrdreg $0x9B800  }
0xb6: {  	[dreg:$0x8] =	wrdreg $0x9  }
0xb7: {  	_ =	task.clear_ibuf [dreg:s9], $0x9FFFF;
	_ =	strace $0x90000046  }
0xb8: {  	s29 =	simm.s32 $0x9;
	_ =	strace $0x80000048  }
0xb9: {  	_ =	swait.ge [sflag:s29], $0x1  }
0xba: {  	[sflag:s29] =	ssyncadd.s32 $0xFFFFFFFF  }
0xbb: {  	_ =	strace $0x90000048  }
0xbc: {  	_ =	sfence  }
0xbd: {  	s30 =	sld [smem:$0x0];
	_ =	sdelay $0x2  }
0xbe: {  	s31 =	sshll.u32 s1, $0xD;
	s1 =	sshrl.u32 s1, $0x2  }
0xbf: {  	s3 =	sand.u32 $0x4000, s31;
	s1 =	sadd.s32 s1, s30  }
0xc0: {  	s0 =	sor.u32 s3, s0;
	s1 =	sshll.u32 s1, $0x11  }
0xc1: {  	s0 =	sor.u32 s1, s0  }
0xc2: {  	s0 =	sadd.s32 $0x8F2B, s0  }
0xc3: {  	[sflag:s0] =	ssyncadd.remote.s32 $0x1  }
0xc4: {  	_ =	sfence.sel $0xFFFF  }
0xc5: {  	[dreg:$0x0] =	wrdreg $0xFFFFFFFF;
	(pc) =	sbr.abs _section_cstart, $3  }
0xc6: {  	[dreg:$0x1] =	wrdreg $0xFFFFFFFF  }
0xc7: {  	_ =	task.clear_ibuf [dreg:s9], $0x2FFFF;
	_ =	strace $0x9FFFFFFF  }
0xc8: {  	(tm) =	ssettm $0x7FFFFFFF  }
0xc9: {  	_ =	shalt  }
tec
execute0_lowered:
.L_overlay_start_1:
0x0: {  	(tag) =	ssettag $0x1  }
0x1: {  	s0 =	rddreg [dreg:$0x0]  }
0x2: {  	s4 =	rddreg [dreg:$0x1]  }
0x3: {  	s5 =	rddreg [dreg:$0x2]  }
0x4: {  	s6 =	rddreg [dreg:$0x3]  }
0x5: {  	s1 =	rddreg [dreg:$0x4]  }
0x6: {  	s2 =	rddreg [dreg:$0x5]  }
0x7: {  	s3 =	simm.s32 $0x0;
	s7 =	srdreg.scid;
	s12 =	stileid.u32  }
0x8: {  	s17 =	simm.s32 $0x7B80;
	s18 =	simm.s32 $0x2;
	s19 =	simm.s32 $0x80  }
0x9: {  	s20 =	simm.s32 $0x7B00;
	s21 =	simm.s32 $0x1;
	s28 =	simm.s32 $0x7580  }
0xa: {  	s29 =	simm.s32 $0x7680;
	s30 =	simm.s32 $0x7780;
	s31 =	simm.s32 $0x7880  }
0xb: {  	[smem:$0x7FF] =	sst s3;
	s9 =	sand.u32 $0x1, s7;
	s8 =	smul.u32 $0x3D00, s12  }
0xc: {  	s25 =	sadd.s32 $0x1C00, s5;
	s5 =	sadd.s32 $0x1A00, s5;
	s11 =	sshll.u32 s12, $0xC  }
0xd: {  	p0 =	seq.s32 s12, $0x0;
	s26 =	sadd.s32 $0xF400, s0;
	p3 =	seq.s32 s12, $0x1  }
0xe: {  	s14 =	sadd.s32 $0x1E820, s4;
	s7 =	smul.u32 $0x3D080, s9;
	_ =	strace $0x80000047  }
0xf: {  	[dreg:$0x8] =	wrdreg s5;
	s23 =	ssub.s32 $0x2, s9;
	s22 =	sor.u32 s12, s9  }
0x10: {  	[dreg:$0xa] =	wrdreg s26;
	p2 =	seq.s32 s9, $0x1;
	s9 =	sshll.u32 s9, $0x10  }
0x11: {  	s12 =	sadd.s32 $0xF400, s4;
	s26 =	simm.s32 $0x7480;
	s10 =	sshrl.u32 s23, $0x1  }
0x12: {  	p0 =	por !p0, !p2;
	p2 =	por !p3, !p2;
	s9 =	sor.u32 s11, s9  }
0x13: {  	s8 =	sadd.s32 s8, s7;
	s5 =	ssub.s32 s23, s10;
	s7 =	sadd.s32 s11, s1  }
0x14: {  	p1 =	por !p0, !p0;
	p3 =	por !p2, !p2;
	s9 =	sshrl.u32 s9, $0x3  }
0x15: {  	p2 =	sne.s32 s22, $0x0;
	s23 =	simm.s32 $0x7180;
	s24 =	sshrl.u32 s8, $0x2  }
0x16: {  	s8 =	sadd.s32 s11, s2;
	s16 =	smax.u32 s5, $0x1;
	p3 =	por p1, p3  }
0x17: {  	s13 =	sadd.s32 s0, s24;
	s0 =	sadd.s32 $0x1E820, s0;
	s11 =	sadd.s32 s4, s24  }
0x18: {  	s24 =	simm.s32 $0x7280;
	s4 =	simm.s32 $0x0;
	[dreg:$0x9] =	wrdreg s13  }
0x19: {  	s13 =	sadd.s32 s6, s9;
	s25 =	smov.u32 @p1 s0;
	s0 =	simm.s32 $0x7980  }
0x1a: {  	v0 =	vimm.f32 $1.000000000e+00;
	v1 =	vimm.f32 $0.0e+00;
	s15 =	sadd.s32 $0x4000, s13;
	[dreg:$0x7] =	wrdreg s25;
	s25 =	simm.s32 $0x7380  }
.LBB2_1:
0x1b: {  	[tilespmem:$0x7B00] =	vst v0  }
0x1c: {  	[tilespmem:$0x7B10] =	vst v0  }
0x1d: {  	[tilespmem:$0x7B20] =	vst v0  }
0x1e: {  	[tilespmem:$0x7B30] =	vst v0  }
0x1f: {  	[tilespmem:$0x7B40] =	vst v0  }
0x20: {  	[tilespmem:$0x7B50] =	vst v0  }
0x21: {  	[tilespmem:$0x7B60] =	vst v0  }
0x22: {  	[tilespmem:$0x7B70] =	vst v0;
	s5 =	simm.s32 $0x40;
	s6 =	simm.s32 $0x0  }
.LBB2_2:
0x23: {  	p4 =	sne.s32 s5, $0x3FC0;
	[tilespmem:s6+$0x7B80] =	vst v1;
	s6 =	smov.u32 s5;
	s5 =	sadd.s32 $0x40, s5  }
.Ltmp0:
0x24: {  	(pc) =	sbr.rel @p4 .LBB2_2-.Ltmp0, $2  }
0x25: {  	_ =	sdelay $0x2  }
0x26: {  	s6 =	sshra.s32 s6, $0x2  }
0x27: {  	[tilespmem:s6+$0x7B80] =	vst v1  }
0x28: {  	[spmem:s7] =	stream.linear.scatter [tilespmem:s17], [sflag:$0x2], $0x1000, $0x38;
	[tilespmem:$0xAB80] =	vst v63  }
0x29: {  	_ =	swait.ge [sflag:s18], $0x1000  }
0x2a: {  	[sflag:s18] =	ssyncset.done $0x0  }
0x2b: {  	[sflag:s18] =	ssyncadd.s32 $0xFFFFF000  }
0x2c: {  	[spmem:s8] =	stream.linear.scatter [tilespmem:s17], [sflag:$0x2], $0x1000, $0x38;
	[tilespmem:$0xAB80] =	vst v63  }
0x2d: {  	_ =	swait.ge [sflag:s18], $0x1000  }
0x2e: {  	[sflag:s18] =	ssyncset.done $0x0  }
0x2f: {  	[sflag:s18] =	ssyncadd.s32 $0xFFFFF000  }
0x30: {  	[bflag:$0x0] =	sbarrier.arrive $0xFFFF  }
0x31: {  	s5 =	simm.s32 $0x0;
	s22 =	rddreg [dreg:$0x9]  }
0x32: {  	[tilespmem:s5], [sflag:$0x2] =	stream.linear.gather [hbm4b:s22+s5], $0x7A00, $0x38;
	[tilespmem:$0xAB80] =	vst v63  }
0x33: {  	_ =	swait.ge [sflag:s18], $0x7A00  }
0x34: {  	[sflag:s18] =	ssyncset.done $0x0  }
0x35: {  	s6 =	simm.s32 $0x80;
	[sflag:s18] =	ssyncadd.s32 $0xFFFF8600  }
0x36: {  	[spmem:s1] =	stream.indirect.scatter.add.f32 [tilespmem:s20], [sflag:$0x1], $0x1, s6, s19, $0xb8;
	[tilespmem:$0xAB80] =	vst v63  }
0x37: {  	s9 =	simm.s32 $0x180  }
0x38: {  	[spmem:s1] =	stream.indirect.scatter.add.f32 [tilespmem:s20], [sflag:$0x1], $0x1, s9, s19, $0xb8;
	[tilespmem:$0xAB80] =	vst v63  }
0x39: {  	s10 =	simm.s32 $0x280  }
0x3a: {  	[spmem:s1] =	stream.indirect.scatter.add.f32 [tilespmem:s20], [sflag:$0x1], $0x1, s10, s19, $0xb8;
	[tilespmem:$0xAB80] =	vst v63  }
0x3b: {  	s22 =	simm.s32 $0x380  }
0x3c: {  	[spmem:s1] =	stream.indirect.scatter.add.f32 [tilespmem:s20], [sflag:$0x1], $0x1, s22, s19, $0xb8;
	[tilespmem:$0xAB80] =	vst v63  }
0x3d: {  	s6 =	simm.s32 $0x480  }
0x3e: {  	[spmem:s1] =	stream.indirect.scatter.add.f32 [tilespmem:s20], [sflag:$0x1], $0x1, s6, s19, $0xb8;
	[tilespmem:$0xAB80] =	vst v63  }
0x3f: {  	s9 =	simm.s32 $0x580  }
0x40: {  	[spmem:s1] =	stream.indirect.scatter.add.f32 [tilespmem:s20], [sflag:$0x1], $0x1, s9, s19, $0xb8;
	[tilespmem:$0xAB80] =	vst v63  }
0x41: {  	s10 =	simm.s32 $0x680  }
0x42: {  	[spmem:s1] =	stream.indirect.scatter.add.f32 [tilespmem:s20], [sflag:$0x1], $0x1, s10, s19, $0xb8;
	[tilespmem:$0xAB80] =	vst v63  }
0x43: {  	s22 =	simm.s32 $0x780  }
0x44: {  	[spmem:s1] =	stream.indirect.scatter.add.f32 [tilespmem:s20], [sflag:$0x1], $0x1, s22, s19, $0xb8;
	[tilespmem:$0xAB80] =	vst v63  }
0x45: {  	s6 =	simm.s32 $0x880  }
0x46: {  	[spmem:s1] =	stream.indirect.scatter.add.f32 [tilespmem:s20], [sflag:$0x1], $0x1, s6, s19, $0xb8;
	[tilespmem:$0xAB80] =	vst v63  }
0x47: {  	s9 =	simm.s32 $0x980  }
0x48: {  	[spmem:s1] =	stream.indirect.scatter.add.f32 [tilespmem:s20], [sflag:$0x1], $0x1, s9, s19, $0xb8;
	[tilespmem:$0xAB80] =	vst v63  }
0x49: {  	s10 =	simm.s32 $0xA80  }
0x4a: {  	[spmem:s1] =	stream.indirect.scatter.add.f32 [tilespmem:s20], [sflag:$0x1], $0x1, s10, s19, $0xb8;
	[tilespmem:$0xAB80] =	vst v63  }
0x4b: {  	s22 =	simm.s32 $0xB80  }
0x4c: {  	[spmem:s1] =	stream.indirect.scatter.add.f32 [tilespmem:s20], [sflag:$0x1], $0x1, s22, s19, $0xb8;
	[tilespmem:$0xAB80] =	vst v63  }
0x4d: {  	s6 =	simm.s32 $0xC80  }
0x4e: {  	[spmem:s1] =	stream.indirect.scatter.add.f32 [tilespmem:s20], [sflag:$0x1], $0x1, s6, s19, $0xb8;
	[tilespmem:$0xAB80] =	vst v63  }
0x4f: {  	s9 =	simm.s32 $0xD80  }
0x50: {  	[spmem:s1] =	stream.indirect.scatter.add.f32 [tilespmem:s20], [sflag:$0x1], $0x1, s9, s19, $0xb8;
	[tilespmem:$0xAB80] =	vst v63  }
0x51: {  	s10 =	simm.s32 $0xE80  }
0x52: {  	[spmem:s1] =	stream.indirect.scatter.add.f32 [tilespmem:s20], [sflag:$0x1], $0x1, s10, s19, $0xb8;
	[tilespmem:$0xAB80] =	vst v63  }
0x53: {  	s22 =	simm.s32 $0xF80  }
0x54: {  	[spmem:s1] =	stream.indirect.scatter.add.f32 [tilespmem:s20], [sflag:$0x1], $0x1, s22, s19, $0xb8;
	[tilespmem:$0xAB80] =	vst v63  }
0x55: {  	_ =	swait.ge [sflag:s21], $0x80  }
0x56: {  	[sflag:s21] =	ssyncset.done $0x0  }
0x57: {  	[sflag:s21] =	ssyncadd.s32 $0xFFFFFF80  }
0x58: {  	_ =	swait.ge [sflag:s21], $0x80  }
0x59: {  	[sflag:s21] =	ssyncset.done $0x0  }
0x5a: {  	[sflag:s21] =	ssyncadd.s32 $0xFFFFFF80  }
0x5b: {  	_ =	swait.ge [sflag:s21], $0x80  }
0x5c: {  	[sflag:s21] =	ssyncset.done $0x0  }
0x5d: {  	[sflag:s21] =	ssyncadd.s32 $0xFFFFFF80  }
0x5e: {  	_ =	swait.ge [sflag:s21], $0x80  }
0x5f: {  	[sflag:s21] =	ssyncset.done $0x0  }
0x60: {  	[sflag:s21] =	ssyncadd.s32 $0xFFFFFF80  }
0x61: {  	_ =	swait.ge [sflag:s21], $0x80  }
0x62: {  	[sflag:s21] =	ssyncset.done $0x0  }
0x63: {  	[sflag:s21] =	ssyncadd.s32 $0xFFFFFF80  }
0x64: {  	_ =	swait.ge [sflag:s21], $0x80  }
0x65: {  	[sflag:s21] =	ssyncset.done $0x0  }
0x66: {  	[sflag:s21] =	ssyncadd.s32 $0xFFFFFF80  }
0x67: {  	_ =	swait.ge [sflag:s21], $0x80  }
0x68: {  	[sflag:s21] =	ssyncset.done $0x0  }
0x69: {  	[sflag:s21] =	ssyncadd.s32 $0xFFFFFF80  }
0x6a: {  	_ =	swait.ge [sflag:s21], $0x80  }
0x6b: {  	[sflag:s21] =	ssyncset.done $0x0  }
0x6c: {  	[sflag:s21] =	ssyncadd.s32 $0xFFFFFF80  }
0x6d: {  	_ =	swait.ge [sflag:s21], $0x80  }
0x6e: {  	[sflag:s21] =	ssyncset.done $0x0  }
0x6f: {  	[sflag:s21] =	ssyncadd.s32 $0xFFFFFF80  }
0x70: {  	_ =	swait.ge [sflag:s21], $0x80  }
0x71: {  	[sflag:s21] =	ssyncset.done $0x0  }
0x72: {  	[sflag:s21] =	ssyncadd.s32 $0xFFFFFF80  }
0x73: {  	_ =	swait.ge [sflag:s21], $0x80  }
0x74: {  	[sflag:s21] =	ssyncset.done $0x0  }
0x75: {  	[sflag:s21] =	ssyncadd.s32 $0xFFFFFF80  }
0x76: {  	_ =	swait.ge [sflag:s21], $0x80  }
0x77: {  	[sflag:s21] =	ssyncset.done $0x0  }
0x78: {  	[sflag:s21] =	ssyncadd.s32 $0xFFFFFF80  }
0x79: {  	_ =	swait.ge [sflag:s21], $0x80  }
0x7a: {  	[sflag:s21] =	ssyncset.done $0x0  }
0x7b: {  	[sflag:s21] =	ssyncadd.s32 $0xFFFFFF80  }
0x7c: {  	_ =	swait.ge [sflag:s21], $0x80  }
0x7d: {  	[sflag:s21] =	ssyncset.done $0x0  }
0x7e: {  	[sflag:s21] =	ssyncadd.s32 $0xFFFFFF80  }
0x7f: {  	_ =	swait.ge [sflag:s21], $0x80  }
0x80: {  	[sflag:s21] =	ssyncset.done $0x0  }
0x81: {  	[sflag:s21] =	ssyncadd.s32 $0xFFFFFF80  }
0x82: {  	_ =	swait.ge [sflag:s21], $0x80  }
0x83: {  	s5 =	simm.s32 $0x8000;
	s9 =	simm.s32 $0x1000;
	[sflag:s21] =	ssyncset.done $0x0  }
.LBB2_4:
0x84: {  	s22 =	sadd.s32 $0x80, s9  }
0x85: {  	[sflag:s21] =	ssyncadd.s32 $0xFFFFFF80;
	s6 =	smov.u32 s5;
	s10 =	sadd.s32 $0x4000, s5  }
0x86: {  	[spmem:s1] =	stream.indirect.scatter.add.f32 [tilespmem:s20], [sflag:$0x1], $0x1, s22, s19, $0xb8;
	[tilespmem:$0xAB80] =	vst v63  }
0x87: {  	p4 =	sne.s32 s5, $0x18000;
	s5 =	sadd.s32 $0x180, s9  }
0x88: {  	[spmem:s1] =	stream.indirect.scatter.add.f32 [tilespmem:s20], [sflag:$0x1], $0x1, s5, s19, $0xb8;
	[tilespmem:$0xAB80] =	vst v63  }
0x89: {  	s5 =	sadd.s32 $0x280, s9  }
0x8a: {  	[spmem:s1] =	stream.indirect.scatter.add.f32 [tilespmem:s20], [sflag:$0x1], $0x1, s5, s19, $0xb8;
	[tilespmem:$0xAB80] =	vst v63  }
0x8b: {  	s5 =	sadd.s32 $0x380, s9  }
0x8c: {  	[spmem:s1] =	stream.indirect.scatter.add.f32 [tilespmem:s20], [sflag:$0x1], $0x1, s5, s19, $0xb8;
	[tilespmem:$0xAB80] =	vst v63  }
0x8d: {  	s5 =	sadd.s32 $0x480, s9  }
0x8e: {  	[spmem:s1] =	stream.indirect.scatter.add.f32 [tilespmem:s20], [sflag:$0x1], $0x1, s5, s19, $0xb8;
	[tilespmem:$0xAB80] =	vst v63  }
0x8f: {  	s5 =	sadd.s32 $0x580, s9  }
0x90: {  	[spmem:s1] =	stream.indirect.scatter.add.f32 [tilespmem:s20], [sflag:$0x1], $0x1, s5, s19, $0xb8;
	[tilespmem:$0xAB80] =	vst v63  }
0x91: {  	s5 =	sadd.s32 $0x680, s9  }
0x92: {  	[spmem:s1] =	stream.indirect.scatter.add.f32 [tilespmem:s20], [sflag:$0x1], $0x1, s5, s19, $0xb8;
	[tilespmem:$0xAB80] =	vst v63  }
0x93: {  	s5 =	sadd.s32 $0x780, s9  }
0x94: {  	[spmem:s1] =	stream.indirect.scatter.add.f32 [tilespmem:s20], [sflag:$0x1], $0x1, s5, s19, $0xb8;
	[tilespmem:$0xAB80] =	vst v63  }
0x95: {  	s5 =	sadd.s32 $0x880, s9  }
0x96: {  	[spmem:s1] =	stream.indirect.scatter.add.f32 [tilespmem:s20], [sflag:$0x1], $0x1, s5, s19, $0xb8;
	[tilespmem:$0xAB80] =	vst v63  }
0x97: {  	s5 =	sadd.s32 $0x980, s9  }
0x98: {  	[spmem:s1] =	stream.indirect.scatter.add.f32 [tilespmem:s20], [sflag:$0x1], $0x1, s5, s19, $0xb8;
	[tilespmem:$0xAB80] =	vst v63  }
0x99: {  	s5 =	sadd.s32 $0xA80, s9  }
0x9a: {  	[spmem:s1] =	stream.indirect.scatter.add.f32 [tilespmem:s20], [sflag:$0x1], $0x1, s5, s19, $0xb8;
	[tilespmem:$0xAB80] =	vst v63  }
0x9b: {  	s5 =	sadd.s32 $0xB80, s9  }
0x9c: {  	[spmem:s1] =	stream.indirect.scatter.add.f32 [tilespmem:s20], [sflag:$0x1], $0x1, s5, s19, $0xb8;
	[tilespmem:$0xAB80] =	vst v63  }
0x9d: {  	s5 =	sadd.s32 $0xC80, s9  }
0x9e: {  	[spmem:s1] =	stream.indirect.scatter.add.f32 [tilespmem:s20], [sflag:$0x1], $0x1, s5, s19, $0xb8;
	[tilespmem:$0xAB80] =	vst v63  }
0x9f: {  	s5 =	sadd.s32 $0xD80, s9  }
0xa0: {  	[spmem:s1] =	stream.indirect.scatter.add.f32 [tilespmem:s20], [sflag:$0x1], $0x1, s5, s19, $0xb8;
	[tilespmem:$0xAB80] =	vst v63  }
0xa1: {  	s5 =	sadd.s32 $0xE80, s9  }
0xa2: {  	[spmem:s1] =	stream.indirect.scatter.add.f32 [tilespmem:s20], [sflag:$0x1], $0x1, s5, s19, $0xb8;
	[tilespmem:$0xAB80] =	vst v63  }
0xa3: {  	s5 =	sadd.s32 $0xF80, s9  }
0xa4: {  	[spmem:s1] =	stream.indirect.scatter.add.f32 [tilespmem:s20], [sflag:$0x1], $0x1, s5, s19, $0xb8;
	[tilespmem:$0xAB80] =	vst v63  }
0xa5: {  	_ =	swait.ge [sflag:s21], $0x80  }
0xa6: {  	[sflag:s21] =	ssyncset.done $0x0  }
0xa7: {  	[sflag:s21] =	ssyncadd.s32 $0xFFFFFF80  }
0xa8: {  	_ =	swait.ge [sflag:s21], $0x80  }
0xa9: {  	[sflag:s21] =	ssyncset.done $0x0  }
0xaa: {  	[sflag:s21] =	ssyncadd.s32 $0xFFFFFF80  }
0xab: {  	_ =	swait.ge [sflag:s21], $0x80  }
0xac: {  	[sflag:s21] =	ssyncset.done $0x0  }
0xad: {  	[sflag:s21] =	ssyncadd.s32 $0xFFFFFF80  }
0xae: {  	_ =	swait.ge [sflag:s21], $0x80  }
0xaf: {  	[sflag:s21] =	ssyncset.done $0x0  }
0xb0: {  	[sflag:s21] =	ssyncadd.s32 $0xFFFFFF80  }
0xb1: {  	_ =	swait.ge [sflag:s21], $0x80  }
0xb2: {  	[sflag:s21] =	ssyncset.done $0x0  }
0xb3: {  	[sflag:s21] =	ssyncadd.s32 $0xFFFFFF80  }
0xb4: {  	_ =	swait.ge [sflag:s21], $0x80  }
0xb5: {  	[sflag:s21] =	ssyncset.done $0x0  }
0xb6: {  	[sflag:s21] =	ssyncadd.s32 $0xFFFFFF80  }
0xb7: {  	_ =	swait.ge [sflag:s21], $0x80  }
0xb8: {  	[sflag:s21] =	ssyncset.done $0x0  }
0xb9: {  	[sflag:s21] =	ssyncadd.s32 $0xFFFFFF80  }
0xba: {  	_ =	swait.ge [sflag:s21], $0x80  }
0xbb: {  	[sflag:s21] =	ssyncset.done $0x0  }
0xbc: {  	[sflag:s21] =	ssyncadd.s32 $0xFFFFFF80  }
0xbd: {  	_ =	swait.ge [sflag:s21], $0x80  }
0xbe: {  	[sflag:s21] =	ssyncset.done $0x0  }
0xbf: {  	[sflag:s21] =	ssyncadd.s32 $0xFFFFFF80  }
0xc0: {  	_ =	swait.ge [sflag:s21], $0x80  }
0xc1: {  	[sflag:s21] =	ssyncset.done $0x0  }
0xc2: {  	[sflag:s21] =	ssyncadd.s32 $0xFFFFFF80  }
0xc3: {  	_ =	swait.ge [sflag:s21], $0x80  }
0xc4: {  	[sflag:s21] =	ssyncset.done $0x0  }
0xc5: {  	[sflag:s21] =	ssyncadd.s32 $0xFFFFFF80  }
0xc6: {  	_ =	swait.ge [sflag:s21], $0x80  }
0xc7: {  	[sflag:s21] =	ssyncset.done $0x0  }
0xc8: {  	[sflag:s21] =	ssyncadd.s32 $0xFFFFFF80  }
0xc9: {  	_ =	swait.ge [sflag:s21], $0x80  }
0xca: {  	[sflag:s21] =	ssyncset.done $0x0  }
0xcb: {  	[sflag:s21] =	ssyncadd.s32 $0xFFFFFF80  }
0xcc: {  	_ =	swait.ge [sflag:s21], $0x80  }
0xcd: {  	[sflag:s21] =	ssyncset.done $0x0  }
0xce: {  	[sflag:s21] =	ssyncadd.s32 $0xFFFFFF80  }
.Ltmp1:
0xcf: {  	_ =	swait.ge [sflag:s21], $0x80;
	(pc) =	sbr.rel @p4 .LBB2_4-.Ltmp1, $4  }
0xd0: {  	[sflag:s21] =	ssyncset.done $0x0  }
0xd1: {  	[sflag:s21] =	ssyncadd.s32 $0xFFFFFF80  }
0xd2: {  	_ =	swait.ge [sflag:s21], $0x80  }
0xd3: {  	s9 =	sshra.s32 s6, $0x2;
	s5 =	smov.u32 s10;
	[sflag:s21] =	ssyncset.done $0x0  }
0xd4: {  	s5 =	sadd.s32 $0x80, s9;
	[sflag:s21] =	ssyncadd.s32 $0xFFFFFF80  }
0xd5: {  	[spmem:s1] =	stream.indirect.scatter.add.f32 [tilespmem:s20], [sflag:$0x1], $0x1, s5, s19, $0xb8;
	[tilespmem:$0xAB80] =	vst v63  }
0xd6: {  	s22 =	sadd.s32 $0x180, s9  }
0xd7: {  	[spmem:s1] =	stream.indirect.scatter.add.f32 [tilespmem:s20], [sflag:$0x1], $0x1, s22, s19, $0xb8;
	[tilespmem:$0xAB80] =	vst v63  }
0xd8: {  	s6 =	sadd.s32 $0x280, s9  }
0xd9: {  	[spmem:s1] =	stream.indirect.scatter.add.f32 [tilespmem:s20], [sflag:$0x1], $0x1, s6, s19, $0xb8;
	[tilespmem:$0xAB80] =	vst v63  }
0xda: {  	s10 =	sadd.s32 $0x380, s9  }
0xdb: {  	[spmem:s1] =	stream.indirect.scatter.add.f32 [tilespmem:s20], [sflag:$0x1], $0x1, s10, s19, $0xb8;
	[tilespmem:$0xAB80] =	vst v63  }
0xdc: {  	s22 =	sadd.s32 $0x480, s9  }
0xdd: {  	[spmem:s1] =	stream.indirect.scatter.add.f32 [tilespmem:s20], [sflag:$0x1], $0x1, s22, s19, $0xb8;
	[tilespmem:$0xAB80] =	vst v63  }
0xde: {  	s6 =	sadd.s32 $0x580, s9  }
0xdf: {  	[spmem:s1] =	stream.indirect.scatter.add.f32 [tilespmem:s20], [sflag:$0x1], $0x1, s6, s19, $0xb8;
	[tilespmem:$0xAB80] =	vst v63  }
0xe0: {  	s10 =	sadd.s32 $0x680, s9  }
0xe1: {  	[spmem:s1] =	stream.indirect.scatter.add.f32 [tilespmem:s20], [sflag:$0x1], $0x1, s10, s19, $0xb8;
	[tilespmem:$0xAB80] =	vst v63  }
0xe2: {  	s22 =	sadd.s32 $0x780, s9  }
0xe3: {  	[spmem:s1] =	stream.indirect.scatter.add.f32 [tilespmem:s20], [sflag:$0x1], $0x1, s22, s19, $0xb8;
	[tilespmem:$0xAB80] =	vst v63  }
0xe4: {  	s6 =	sadd.s32 $0x880, s9  }
0xe5: {  	[spmem:s1] =	stream.indirect.scatter.add.f32 [tilespmem:s20], [sflag:$0x1], $0x1, s6, s19, $0xb8;
	[tilespmem:$0xAB80] =	vst v63  }
0xe6: {  	s10 =	sadd.s32 $0x980, s9  }
0xe7: {  	[spmem:s1] =	stream.indirect.scatter.add.f32 [tilespmem:s20], [sflag:$0x1], $0x1, s10, s19, $0xb8;
	[tilespmem:$0xAB80] =	vst v63  }
0xe8: {  	s22 =	sadd.s32 $0xA80, s9  }
0xe9: {  	[spmem:s1] =	stream.indirect.scatter.add.f32 [tilespmem:s20], [sflag:$0x1], $0x1, s22, s19, $0xb8;
	[tilespmem:$0xAB80] =	vst v63  }
0xea: {  	s6 =	sadd.s32 $0xB80, s9  }
0xeb: {  	[spmem:s1] =	stream.indirect.scatter.add.f32 [tilespmem:s20], [sflag:$0x1], $0x1, s6, s19, $0xb8;
	[tilespmem:$0xAB80] =	vst v63  }
0xec: {  	s10 =	sadd.s32 $0xC80, s9  }
0xed: {  	[spmem:s1] =	stream.indirect.scatter.add.f32 [tilespmem:s20], [sflag:$0x1], $0x1, s10, s19, $0xb8;
	[tilespmem:$0xAB80] =	vst v63  }
0xee: {  	s22 =	sadd.s32 $0xD80, s9  }
0xef: {  	[spmem:s1] =	stream.indirect.scatter.add.f32 [tilespmem:s20], [sflag:$0x1], $0x1, s22, s19, $0xb8;
	[tilespmem:$0xAB80] =	vst v63  }
0xf0: {  	s6 =	sadd.s32 $0xE80, s9  }
0xf1: {  	[spmem:s1] =	stream.indirect.scatter.add.f32 [tilespmem:s20], [sflag:$0x1], $0x1, s6, s19, $0xb8;
	[tilespmem:$0xAB80] =	vst v63  }
0xf2: {  	s9 =	sadd.s32 $0xF80, s9  }
0xf3: {  	[spmem:s1] =	stream.indirect.scatter.add.f32 [tilespmem:s20], [sflag:$0x1], $0x1, s9, s19, $0xb8;
	[tilespmem:$0xAB80] =	vst v63  }
0xf4: {  	_ =	swait.ge [sflag:s21], $0x80  }
0xf5: {  	[sflag:s21] =	ssyncset.done $0x0  }
0xf6: {  	[sflag:s21] =	ssyncadd.s32 $0xFFFFFF80  }
0xf7: {  	_ =	swait.ge [sflag:s21], $0x80  }
0xf8: {  	[sflag:s21] =	ssyncset.done $0x0  }
0xf9: {  	[sflag:s21] =	ssyncadd.s32 $0xFFFFFF80  }
0xfa: {  	_ =	swait.ge [sflag:s21], $0x80  }
0xfb: {  	[sflag:s21] =	ssyncset.done $0x0  }
0xfc: {  	[sflag:s21] =	ssyncadd.s32 $0xFFFFFF80  }
0xfd: {  	_ =	swait.ge [sflag:s21], $0x80  }
0xfe: {  	[sflag:s21] =	ssyncset.done $0x0  }
0xff: {  	[sflag:s21] =	ssyncadd.s32 $0xFFFFFF80  }
0x100: {  	_ =	swait.ge [sflag:s21], $0x80  }
0x101: {  	[sflag:s21] =	ssyncset.done $0x0  }
0x102: {  	[sflag:s21] =	ssyncadd.s32 $0xFFFFFF80  }
0x103: {  	_ =	swait.ge [sflag:s21], $0x80  }
0x104: {  	[sflag:s21] =	ssyncset.done $0x0  }
0x105: {  	[sflag:s21] =	ssyncadd.s32 $0xFFFFFF80  }
0x106: {  	_ =	swait.ge [sflag:s21], $0x80  }
0x107: {  	[sflag:s21] =	ssyncset.done $0x0  }
0x108: {  	[sflag:s21] =	ssyncadd.s32 $0xFFFFFF80  }
0x109: {  	_ =	swait.ge [sflag:s21], $0x80  }
0x10a: {  	[sflag:s21] =	ssyncset.done $0x0  }
0x10b: {  	[sflag:s21] =	ssyncadd.s32 $0xFFFFFF80  }
0x10c: {  	_ =	swait.ge [sflag:s21], $0x80  }
0x10d: {  	[sflag:s21] =	ssyncset.done $0x0  }
0x10e: {  	[sflag:s21] =	ssyncadd.s32 $0xFFFFFF80  }
0x10f: {  	_ =	swait.ge [sflag:s21], $0x80  }
0x110: {  	[sflag:s21] =	ssyncset.done $0x0  }
0x111: {  	[sflag:s21] =	ssyncadd.s32 $0xFFFFFF80  }
0x112: {  	_ =	swait.ge [sflag:s21], $0x80  }
0x113: {  	[sflag:s21] =	ssyncset.done $0x0  }
0x114: {  	[sflag:s21] =	ssyncadd.s32 $0xFFFFFF80  }
0x115: {  	_ =	swait.ge [sflag:s21], $0x80  }
0x116: {  	[sflag:s21] =	ssyncset.done $0x0  }
0x117: {  	[sflag:s21] =	ssyncadd.s32 $0xFFFFFF80  }
0x118: {  	_ =	swait.ge [sflag:s21], $0x80  }
0x119: {  	[sflag:s21] =	ssyncset.done $0x0  }
0x11a: {  	[sflag:s21] =	ssyncadd.s32 $0xFFFFFF80  }
0x11b: {  	_ =	swait.ge [sflag:s21], $0x80  }
0x11c: {  	[sflag:s21] =	ssyncset.done $0x0  }
0x11d: {  	[sflag:s21] =	ssyncadd.s32 $0xFFFFFF80  }
0x11e: {  	_ =	swait.ge [sflag:s21], $0x80  }
0x11f: {  	[sflag:s21] =	ssyncset.done $0x0  }
0x120: {  	[sflag:s21] =	ssyncadd.s32 $0xFFFFFF80  }
0x121: {  	_ =	swait.ge [sflag:s21], $0x80  }
0x122: {  	[sflag:s21] =	ssyncset.done $0x0  }
0x123: {  	s10 =	simm.s32 $0x7080;
	[sflag:s21] =	ssyncadd.s32 $0xFFFFFF80  }
0x124: {  	[spmem:s1] =	stream.indirect.scatter.add.f32 [tilespmem:s20], [sflag:$0x2], $0x1, s10, s19, $0xb8;
	[tilespmem:$0xAB80] =	vst v63  }
0x125: {  	_ =	swait.ge [sflag:s18], $0x80  }
0x126: {  	[sflag:s18] =	ssyncset.done $0x0  }
0x127: {  	[sflag:s18] =	ssyncadd.s32 $0xFFFFFF80  }
0x128: {  	[spmem:s1] =	stream.indirect.scatter.add.f32 [tilespmem:s20], [sflag:$0x2], $0x1, s23, s19, $0xb8;
	[tilespmem:$0xAB80] =	vst v63  }
0x129: {  	_ =	swait.ge [sflag:s18], $0x80  }
0x12a: {  	[sflag:s18] =	ssyncset.done $0x0  }
0x12b: {  	[sflag:s18] =	ssyncadd.s32 $0xFFFFFF80  }
0x12c: {  	[spmem:s1] =	stream.indirect.scatter.add.f32 [tilespmem:s20], [sflag:$0x2], $0x1, s24, s19, $0xb8;
	[tilespmem:$0xAB80] =	vst v63  }
0x12d: {  	_ =	swait.ge [sflag:s18], $0x80  }
0x12e: {  	[sflag:s18] =	ssyncset.done $0x0  }
0x12f: {  	[sflag:s18] =	ssyncadd.s32 $0xFFFFFF80  }
0x130: {  	[spmem:s1] =	stream.indirect.scatter.add.f32 [tilespmem:s20], [sflag:$0x2], $0x1, s25, s19, $0xb8;
	[tilespmem:$0xAB80] =	vst v63  }
0x131: {  	_ =	swait.ge [sflag:s18], $0x80  }
0x132: {  	[sflag:s18] =	ssyncset.done $0x0  }
0x133: {  	[sflag:s18] =	ssyncadd.s32 $0xFFFFFF80  }
0x134: {  	[spmem:s1] =	stream.indirect.scatter.add.f32 [tilespmem:s20], [sflag:$0x2], $0x1, s26, s19, $0xb8;
	[tilespmem:$0xAB80] =	vst v63  }
0x135: {  	_ =	swait.ge [sflag:s18], $0x80  }
0x136: {  	[sflag:s18] =	ssyncset.done $0x0  }
0x137: {  	[sflag:s18] =	ssyncadd.s32 $0xFFFFFF80  }
0x138: {  	[spmem:s1] =	stream.indirect.scatter.add.f32 [tilespmem:s20], [sflag:$0x2], $0x1, s28, s19, $0xb8;
	[tilespmem:$0xAB80] =	vst v63  }
0x139: {  	_ =	swait.ge [sflag:s18], $0x80  }
0x13a: {  	[sflag:s18] =	ssyncset.done $0x0  }
0x13b: {  	[sflag:s18] =	ssyncadd.s32 $0xFFFFFF80  }
0x13c: {  	[spmem:s1] =	stream.indirect.scatter.add.f32 [tilespmem:s20], [sflag:$0x2], $0x1, s29, s19, $0xb8;
	[tilespmem:$0xAB80] =	vst v63  }
0x13d: {  	_ =	swait.ge [sflag:s18], $0x80  }
0x13e: {  	[sflag:s18] =	ssyncset.done $0x0  }
0x13f: {  	[sflag:s18] =	ssyncadd.s32 $0xFFFFFF80  }
0x140: {  	[spmem:s1] =	stream.indirect.scatter.add.f32 [tilespmem:s20], [sflag:$0x2], $0x1, s30, s19, $0xb8;
	[tilespmem:$0xAB80] =	vst v63  }
0x141: {  	_ =	swait.ge [sflag:s18], $0x80  }
0x142: {  	[sflag:s18] =	ssyncset.done $0x0  }
0x143: {  	[sflag:s18] =	ssyncadd.s32 $0xFFFFFF80  }
0x144: {  	[spmem:s1] =	stream.indirect.scatter.add.f32 [tilespmem:s20], [sflag:$0x2], $0x1, s31, s19, $0xb8;
	[tilespmem:$0xAB80] =	vst v63  }
0x145: {  	_ =	swait.ge [sflag:s18], $0x80  }
0x146: {  	[sflag:s18] =	ssyncset.done $0x0  }
0x147: {  	[sflag:s18] =	ssyncadd.s32 $0xFFFFFF80  }
0x148: {  	[spmem:s1] =	stream.indirect.scatter.add.f32 [tilespmem:s20], [sflag:$0x2], $0x1, s0, s19, $0xb8;
	[tilespmem:$0xAB80] =	vst v63  }
0x149: {  	_ =	swait.ge [sflag:s18], $0x80  }
0x14a: {  	s5 =	simm.s32 @!p2 $0x0;
	[sflag:s18] =	ssyncset.done $0x0  }
0x14b: {  	s6 =	simm.s32 @!p2 $0x7A00;
	s9 =	rddreg [dreg:$0xa];
	[sflag:s18] =	ssyncadd.s32 $0xFFFFFF80  }
0x14c: {  	[tilespmem:s6], [sflag:$0x2] =	stream.linear.gather @!p2 [hbm4b:s9+s5], $0x100, $0x38;
	[tilespmem:$0xAB80] =	vst v63  }
0x14d: {  	s5 =	simm.s32 @!p2 $0x2  }
0x14e: {  	_ =	swait.ge @!p2 [sflag:s5], $0x100  }
0x14f: {  	s10 =	simm.s32 @!p2 $0x7B00;
	[sflag:s5] =	ssyncset.done @!p2 $0x0  }
0x150: {  	s6 =	simm.s32 @!p2 $0x80;
	s9 =	simm.s32 @!p2 $0x7A80;
	[sflag:s5] =	ssyncadd.s32 @!p2 $0xFFFFFF00  }
0x151: {  	[spmem:s1] =	stream.indirect.scatter.add.f32 @!p2 [tilespmem:s10], [sflag:$0x2], $0x1, s9, s6, $0xb8;
	[tilespmem:$0xAB80] =	vst v63  }
0x152: {  	_ =	swait.ge @!p2 [sflag:s5], $0x80  }
0x153: {  	[sflag:s5] =	ssyncset.done @!p2 $0x0  }
0x154: {  	s6 =	simm.s32 @p3 $0x7A00;
	[sflag:s5] =	ssyncadd.s32 @!p2 $0xFFFFFF80;
	s5 =	rddreg @p3 [dreg:$0x7]  }
0x155: {  	[tilespmem:s6], [sflag:$0x2] =	stream.linear.gather @p3 [hbm4b:s5+s3], $0x100, $0x38;
	[tilespmem:$0xAB80] =	vst v63  }
0x156: {  	_ =	swait.ge @p3 [sflag:s18], $0x100  }
0x157: {  	[sflag:s18] =	ssyncset.done @p3 $0x0  }
0x158: {  	s5 =	simm.s32 @p3 $0x7A80;
	[sflag:s18] =	ssyncadd.s32 @p3 $0xFFFFFF00  }
0x159: {  	[spmem:s1] =	stream.indirect.scatter.add.f32 @p3 [tilespmem:s20], [sflag:$0x2], $0x1, s5, s19, $0xb8;
	[tilespmem:$0xAB80] =	vst v63  }
0x15a: {  	_ =	swait.ge @p3 [sflag:s18], $0x80  }
0x15b: {  	[sflag:s18] =	ssyncset.done @p3 $0x0  }
0x15c: {  	s22 =	simm.s32 $0x0;
	[sflag:s18] =	ssyncadd.s32 @p3 $0xFFFFFF80  }
0x15d: {  	[tilespmem:s22], [sflag:$0x2] =	stream.linear.gather [hbm4b:s11+s22], $0x7A00, $0x38;
	[tilespmem:$0xAB80] =	vst v63  }
0x15e: {  	_ =	swait.ge [sflag:s18], $0x7A00  }
0x15f: {  	[sflag:s18] =	ssyncset.done $0x0  }
0x160: {  	s6 =	simm.s32 $0x80;
	[sflag:s18] =	ssyncadd.s32 $0xFFFF8600  }
0x161: {  	[spmem:s2] =	stream.indirect.scatter.add.f32 [tilespmem:s20], [sflag:$0x1], $0x1, s6, s19, $0xb8;
	[tilespmem:$0xAB80] =	vst v63  }
0x162: {  	s9 =	simm.s32 $0x180  }
0x163: {  	[spmem:s2] =	stream.indirect.scatter.add.f32 [tilespmem:s20], [sflag:$0x1], $0x1, s9, s19, $0xb8;
	[tilespmem:$0xAB80] =	vst v63  }
0x164: {  	s10 =	simm.s32 $0x280  }
0x165: {  	[spmem:s2] =	stream.indirect.scatter.add.f32 [tilespmem:s20], [sflag:$0x1], $0x1, s10, s19, $0xb8;
	[tilespmem:$0xAB80] =	vst v63  }
0x166: {  	s22 =	simm.s32 $0x380  }
0x167: {  	[spmem:s2] =	stream.indirect.scatter.add.f32 [tilespmem:s20], [sflag:$0x1], $0x1, s22, s19, $0xb8;
	[tilespmem:$0xAB80] =	vst v63  }
0x168: {  	s6 =	simm.s32 $0x480  }
0x169: {  	[spmem:s2] =	stream.indirect.scatter.add.f32 [tilespmem:s20], [sflag:$0x1], $0x1, s6, s19, $0xb8;
	[tilespmem:$0xAB80] =	vst v63  }
0x16a: {  	s9 =	simm.s32 $0x580  }
0x16b: {  	[spmem:s2] =	stream.indirect.scatter.add.f32 [tilespmem:s20], [sflag:$0x1], $0x1, s9, s19, $0xb8;
	[tilespmem:$0xAB80] =	vst v63  }
0x16c: {  	s10 =	simm.s32 $0x680  }
0x16d: {  	[spmem:s2] =	stream.indirect.scatter.add.f32 [tilespmem:s20], [sflag:$0x1], $0x1, s10, s19, $0xb8;
	[tilespmem:$0xAB80] =	vst v63  }
0x16e: {  	s22 =	simm.s32 $0x780  }
0x16f: {  	[spmem:s2] =	stream.indirect.scatter.add.f32 [tilespmem:s20], [sflag:$0x1], $0x1, s22, s19, $0xb8;
	[tilespmem:$0xAB80] =	vst v63  }
0x170: {  	s6 =	simm.s32 $0x880  }
0x171: {  	[spmem:s2] =	stream.indirect.scatter.add.f32 [tilespmem:s20], [sflag:$0x1], $0x1, s6, s19, $0xb8;
	[tilespmem:$0xAB80] =	vst v63  }
0x172: {  	s9 =	simm.s32 $0x980  }
0x173: {  	[spmem:s2] =	stream.indirect.scatter.add.f32 [tilespmem:s20], [sflag:$0x1], $0x1, s9, s19, $0xb8;
	[tilespmem:$0xAB80] =	vst v63  }
0x174: {  	s10 =	simm.s32 $0xA80  }
0x175: {  	[spmem:s2] =	stream.indirect.scatter.add.f32 [tilespmem:s20], [sflag:$0x1], $0x1, s10, s19, $0xb8;
	[tilespmem:$0xAB80] =	vst v63  }
0x176: {  	s22 =	simm.s32 $0xB80  }
0x177: {  	[spmem:s2] =	stream.indirect.scatter.add.f32 [tilespmem:s20], [sflag:$0x1], $0x1, s22, s19, $0xb8;
	[tilespmem:$0xAB80] =	vst v63  }
0x178: {  	s6 =	simm.s32 $0xC80  }
0x179: {  	[spmem:s2] =	stream.indirect.scatter.add.f32 [tilespmem:s20], [sflag:$0x1], $0x1, s6, s19, $0xb8;
	[tilespmem:$0xAB80] =	vst v63  }
0x17a: {  	s9 =	simm.s32 $0xD80  }
0x17b: {  	[spmem:s2] =	stream.indirect.scatter.add.f32 [tilespmem:s20], [sflag:$0x1], $0x1, s9, s19, $0xb8;
	[tilespmem:$0xAB80] =	vst v63  }
0x17c: {  	s10 =	simm.s32 $0xE80  }
0x17d: {  	[spmem:s2] =	stream.indirect.scatter.add.f32 [tilespmem:s20], [sflag:$0x1], $0x1, s10, s19, $0xb8;
	[tilespmem:$0xAB80] =	vst v63  }
0x17e: {  	s22 =	simm.s32 $0xF80  }
0x17f: {  	[spmem:s2] =	stream.indirect.scatter.add.f32 [tilespmem:s20], [sflag:$0x1], $0x1, s22, s19, $0xb8;
	[tilespmem:$0xAB80] =	vst v63  }
0x180: {  	_ =	swait.ge [sflag:s21], $0x80  }
0x181: {  	[sflag:s21] =	ssyncset.done $0x0  }
0x182: {  	[sflag:s21] =	ssyncadd.s32 $0xFFFFFF80  }
0x183: {  	_ =	swait.ge [sflag:s21], $0x80  }
0x184: {  	[sflag:s21] =	ssyncset.done $0x0  }
0x185: {  	[sflag:s21] =	ssyncadd.s32 $0xFFFFFF80  }
0x186: {  	_ =	swait.ge [sflag:s21], $0x80  }
0x187: {  	[sflag:s21] =	ssyncset.done $0x0  }
0x188: {  	[sflag:s21] =	ssyncadd.s32 $0xFFFFFF80  }
0x189: {  	_ =	swait.ge [sflag:s21], $0x80  }
0x18a: {  	[sflag:s21] =	ssyncset.done $0x0  }
0x18b: {  	[sflag:s21] =	ssyncadd.s32 $0xFFFFFF80  }
0x18c: {  	_ =	swait.ge [sflag:s21], $0x80  }
0x18d: {  	[sflag:s21] =	ssyncset.done $0x0  }
0x18e: {  	[sflag:s21] =	ssyncadd.s32 $0xFFFFFF80  }
0x18f: {  	_ =	swait.ge [sflag:s21], $0x80  }
0x190: {  	[sflag:s21] =	ssyncset.done $0x0  }
0x191: {  	[sflag:s21] =	ssyncadd.s32 $0xFFFFFF80  }
0x192: {  	_ =	swait.ge [sflag:s21], $0x80  }
0x193: {  	[sflag:s21] =	ssyncset.done $0x0  }
0x194: {  	[sflag:s21] =	ssyncadd.s32 $0xFFFFFF80  }
0x195: {  	_ =	swait.ge [sflag:s21], $0x80  }
0x196: {  	[sflag:s21] =	ssyncset.done $0x0  }
0x197: {  	[sflag:s21] =	ssyncadd.s32 $0xFFFFFF80  }
0x198: {  	_ =	swait.ge [sflag:s21], $0x80  }
0x199: {  	[sflag:s21] =	ssyncset.done $0x0  }
0x19a: {  	[sflag:s21] =	ssyncadd.s32 $0xFFFFFF80  }
0x19b: {  	_ =	swait.ge [sflag:s21], $0x80  }
0x19c: {  	[sflag:s21] =	ssyncset.done $0x0  }
0x19d: {  	[sflag:s21] =	ssyncadd.s32 $0xFFFFFF80  }
0x19e: {  	_ =	swait.ge [sflag:s21], $0x80  }
0x19f: {  	[sflag:s21] =	ssyncset.done $0x0  }
0x1a0: {  	[sflag:s21] =	ssyncadd.s32 $0xFFFFFF80  }
0x1a1: {  	_ =	swait.ge [sflag:s21], $0x80  }
0x1a2: {  	[sflag:s21] =	ssyncset.done $0x0  }
0x1a3: {  	[sflag:s21] =	ssyncadd.s32 $0xFFFFFF80  }
0x1a4: {  	_ =	swait.ge [sflag:s21], $0x80  }
0x1a5: {  	[sflag:s21] =	ssyncset.done $0x0  }
0x1a6: {  	[sflag:s21] =	ssyncadd.s32 $0xFFFFFF80  }
0x1a7: {  	_ =	swait.ge [sflag:s21], $0x80  }
0x1a8: {  	[sflag:s21] =	ssyncset.done $0x0  }
0x1a9: {  	[sflag:s21] =	ssyncadd.s32 $0xFFFFFF80  }
0x1aa: {  	_ =	swait.ge [sflag:s21], $0x80  }
0x1ab: {  	[sflag:s21] =	ssyncset.done $0x0  }
0x1ac: {  	p4 =	por @!p1 $0x0, $0x0;
	[sflag:s21] =	ssyncadd.s32 $0xFFFFFF80  }
0x1ad: {  	p4 =	por @p3 p0, p0;
	_ =	swait.ge [sflag:s21], $0x80  }
0x1ae: {  	s9 =	simm.s32 $0x1000;
	s10 =	simm.s32 $0x8000;
	[sflag:s21] =	ssyncset.done $0x0  }
.LBB2_6:
0x1af: {  	s22 =	sadd.s32 $0x80, s9  }
0x1b0: {  	[sflag:s21] =	ssyncadd.s32 $0xFFFFFF80;
	s6 =	smov.u32 s10;
	s5 =	sadd.s32 $0x4000, s10  }
0x1b1: {  	[spmem:s2] =	stream.indirect.scatter.add.f32 [tilespmem:s20], [sflag:$0x1], $0x1, s22, s19, $0xb8;
	[tilespmem:$0xAB80] =	vst v63  }
0x1b2: {  	p5 =	sne.s32 s10, $0x18000;
	s10 =	sadd.s32 $0x180, s9  }
0x1b3: {  	[spmem:s2] =	stream.indirect.scatter.add.f32 [tilespmem:s20], [sflag:$0x1], $0x1, s10, s19, $0xb8;
	[tilespmem:$0xAB80] =	vst v63  }
0x1b4: {  	s10 =	sadd.s32 $0x280, s9  }
0x1b5: {  	[spmem:s2] =	stream.indirect.scatter.add.f32 [tilespmem:s20], [sflag:$0x1], $0x1, s10, s19, $0xb8;
	[tilespmem:$0xAB80] =	vst v63  }
0x1b6: {  	s10 =	sadd.s32 $0x380, s9  }
0x1b7: {  	[spmem:s2] =	stream.indirect.scatter.add.f32 [tilespmem:s20], [sflag:$0x1], $0x1, s10, s19, $0xb8;
	[tilespmem:$0xAB80] =	vst v63  }
0x1b8: {  	s10 =	sadd.s32 $0x480, s9  }
0x1b9: {  	[spmem:s2] =	stream.indirect.scatter.add.f32 [tilespmem:s20], [sflag:$0x1], $0x1, s10, s19, $0xb8;
	[tilespmem:$0xAB80] =	vst v63  }
0x1ba: {  	s10 =	sadd.s32 $0x580, s9  }
0x1bb: {  	[spmem:s2] =	stream.indirect.scatter.add.f32 [tilespmem:s20], [sflag:$0x1], $0x1, s10, s19, $0xb8;
	[tilespmem:$0xAB80] =	vst v63  }
0x1bc: {  	s10 =	sadd.s32 $0x680, s9  }
0x1bd: {  	[spmem:s2] =	stream.indirect.scatter.add.f32 [tilespmem:s20], [sflag:$0x1], $0x1, s10, s19, $0xb8;
	[tilespmem:$0xAB80] =	vst v63  }
0x1be: {  	s10 =	sadd.s32 $0x780, s9  }
0x1bf: {  	[spmem:s2] =	stream.indirect.scatter.add.f32 [tilespmem:s20], [sflag:$0x1], $0x1, s10, s19, $0xb8;
	[tilespmem:$0xAB80] =	vst v63  }
0x1c0: {  	s10 =	sadd.s32 $0x880, s9  }
0x1c1: {  	[spmem:s2] =	stream.indirect.scatter.add.f32 [tilespmem:s20], [sflag:$0x1], $0x1, s10, s19, $0xb8;
	[tilespmem:$0xAB80] =	vst v63  }
0x1c2: {  	s10 =	sadd.s32 $0x980, s9  }
0x1c3: {  	[spmem:s2] =	stream.indirect.scatter.add.f32 [tilespmem:s20], [sflag:$0x1], $0x1, s10, s19, $0xb8;
	[tilespmem:$0xAB80] =	vst v63  }
0x1c4: {  	s10 =	sadd.s32 $0xA80, s9  }
0x1c5: {  	[spmem:s2] =	stream.indirect.scatter.add.f32 [tilespmem:s20], [sflag:$0x1], $0x1, s10, s19, $0xb8;
	[tilespmem:$0xAB80] =	vst v63  }
0x1c6: {  	s10 =	sadd.s32 $0xB80, s9  }
0x1c7: {  	[spmem:s2] =	stream.indirect.scatter.add.f32 [tilespmem:s20], [sflag:$0x1], $0x1, s10, s19, $0xb8;
	[tilespmem:$0xAB80] =	vst v63  }
0x1c8: {  	s10 =	sadd.s32 $0xC80, s9  }
0x1c9: {  	[spmem:s2] =	stream.indirect.scatter.add.f32 [tilespmem:s20], [sflag:$0x1], $0x1, s10, s19, $0xb8;
	[tilespmem:$0xAB80] =	vst v63  }
0x1ca: {  	s10 =	sadd.s32 $0xD80, s9  }
0x1cb: {  	[spmem:s2] =	stream.indirect.scatter.add.f32 [tilespmem:s20], [sflag:$0x1], $0x1, s10, s19, $0xb8;
	[tilespmem:$0xAB80] =	vst v63  }
0x1cc: {  	s10 =	sadd.s32 $0xE80, s9  }
0x1cd: {  	[spmem:s2] =	stream.indirect.scatter.add.f32 [tilespmem:s20], [sflag:$0x1], $0x1, s10, s19, $0xb8;
	[tilespmem:$0xAB80] =	vst v63  }
0x1ce: {  	s9 =	sadd.s32 $0xF80, s9  }
0x1cf: {  	[spmem:s2] =	stream.indirect.scatter.add.f32 [tilespmem:s20], [sflag:$0x1], $0x1, s9, s19, $0xb8;
	[tilespmem:$0xAB80] =	vst v63  }
0x1d0: {  	_ =	swait.ge [sflag:s21], $0x80  }
0x1d1: {  	[sflag:s21] =	ssyncset.done $0x0  }
0x1d2: {  	[sflag:s21] =	ssyncadd.s32 $0xFFFFFF80  }
0x1d3: {  	_ =	swait.ge [sflag:s21], $0x80  }
0x1d4: {  	[sflag:s21] =	ssyncset.done $0x0  }
0x1d5: {  	[sflag:s21] =	ssyncadd.s32 $0xFFFFFF80  }
0x1d6: {  	_ =	swait.ge [sflag:s21], $0x80  }
0x1d7: {  	[sflag:s21] =	ssyncset.done $0x0  }
0x1d8: {  	[sflag:s21] =	ssyncadd.s32 $0xFFFFFF80  }
0x1d9: {  	_ =	swait.ge [sflag:s21], $0x80  }
0x1da: {  	[sflag:s21] =	ssyncset.done $0x0  }
0x1db: {  	[sflag:s21] =	ssyncadd.s32 $0xFFFFFF80  }
0x1dc: {  	_ =	swait.ge [sflag:s21], $0x80  }
0x1dd: {  	[sflag:s21] =	ssyncset.done $0x0  }
0x1de: {  	[sflag:s21] =	ssyncadd.s32 $0xFFFFFF80  }
0x1df: {  	_ =	swait.ge [sflag:s21], $0x80  }
0x1e0: {  	[sflag:s21] =	ssyncset.done $0x0  }
0x1e1: {  	[sflag:s21] =	ssyncadd.s32 $0xFFFFFF80  }
0x1e2: {  	_ =	swait.ge [sflag:s21], $0x80  }
0x1e3: {  	[sflag:s21] =	ssyncset.done $0x0  }
0x1e4: {  	[sflag:s21] =	ssyncadd.s32 $0xFFFFFF80  }
0x1e5: {  	_ =	swait.ge [sflag:s21], $0x80  }
0x1e6: {  	[sflag:s21] =	ssyncset.done $0x0  }
0x1e7: {  	[sflag:s21] =	ssyncadd.s32 $0xFFFFFF80  }
0x1e8: {  	_ =	swait.ge [sflag:s21], $0x80  }
0x1e9: {  	[sflag:s21] =	ssyncset.done $0x0  }
0x1ea: {  	[sflag:s21] =	ssyncadd.s32 $0xFFFFFF80  }
0x1eb: {  	_ =	swait.ge [sflag:s21], $0x80  }
0x1ec: {  	[sflag:s21] =	ssyncset.done $0x0  }
0x1ed: {  	[sflag:s21] =	ssyncadd.s32 $0xFFFFFF80  }
0x1ee: {  	_ =	swait.ge [sflag:s21], $0x80  }
0x1ef: {  	[sflag:s21] =	ssyncset.done $0x0  }
0x1f0: {  	[sflag:s21] =	ssyncadd.s32 $0xFFFFFF80  }
0x1f1: {  	_ =	swait.ge [sflag:s21], $0x80  }
0x1f2: {  	[sflag:s21] =	ssyncset.done $0x0  }
0x1f3: {  	[sflag:s21] =	ssyncadd.s32 $0xFFFFFF80  }
0x1f4: {  	_ =	swait.ge [sflag:s21], $0x80  }
0x1f5: {  	[sflag:s21] =	ssyncset.done $0x0  }
0x1f6: {  	[sflag:s21] =	ssyncadd.s32 $0xFFFFFF80  }
0x1f7: {  	_ =	swait.ge [sflag:s21], $0x80  }
0x1f8: {  	[sflag:s21] =	ssyncset.done $0x0  }
0x1f9: {  	[sflag:s21] =	ssyncadd.s32 $0xFFFFFF80  }
.Ltmp2:
0x1fa: {  	_ =	swait.ge [sflag:s21], $0x80;
	(pc) =	sbr.rel @p5 .LBB2_6-.Ltmp2, $4  }
0x1fb: {  	[sflag:s21] =	ssyncset.done $0x0  }
0x1fc: {  	[sflag:s21] =	ssyncadd.s32 $0xFFFFFF80  }
0x1fd: {  	_ =	swait.ge [sflag:s21], $0x80  }
0x1fe: {  	s10 =	smov.u32 s5;
	s9 =	sshra.s32 s6, $0x2;
	[sflag:s21] =	ssyncset.done $0x0  }
0x1ff: {  	s5 =	sadd.s32 $0x80, s9;
	[sflag:s21] =	ssyncadd.s32 $0xFFFFFF80  }
0x200: {  	[spmem:s2] =	stream.indirect.scatter.add.f32 [tilespmem:s20], [sflag:$0x1], $0x1, s5, s19, $0xb8;
	[tilespmem:$0xAB80] =	vst v63  }
0x201: {  	s22 =	sadd.s32 $0x180, s9  }
0x202: {  	[spmem:s2] =	stream.indirect.scatter.add.f32 [tilespmem:s20], [sflag:$0x1], $0x1, s22, s19, $0xb8;
	[tilespmem:$0xAB80] =	vst v63  }
0x203: {  	s6 =	sadd.s32 $0x280, s9  }
0x204: {  	[spmem:s2] =	stream.indirect.scatter.add.f32 [tilespmem:s20], [sflag:$0x1], $0x1, s6, s19, $0xb8;
	[tilespmem:$0xAB80] =	vst v63  }
0x205: {  	s10 =	sadd.s32 $0x380, s9  }
0x206: {  	[spmem:s2] =	stream.indirect.scatter.add.f32 [tilespmem:s20], [sflag:$0x1], $0x1, s10, s19, $0xb8;
	[tilespmem:$0xAB80] =	vst v63  }
0x207: {  	s22 =	sadd.s32 $0x480, s9  }
0x208: {  	[spmem:s2] =	stream.indirect.scatter.add.f32 [tilespmem:s20], [sflag:$0x1], $0x1, s22, s19, $0xb8;
	[tilespmem:$0xAB80] =	vst v63  }
0x209: {  	s6 =	sadd.s32 $0x580, s9  }
0x20a: {  	[spmem:s2] =	stream.indirect.scatter.add.f32 [tilespmem:s20], [sflag:$0x1], $0x1, s6, s19, $0xb8;
	[tilespmem:$0xAB80] =	vst v63  }
0x20b: {  	s10 =	sadd.s32 $0x680, s9  }
0x20c: {  	[spmem:s2] =	stream.indirect.scatter.add.f32 [tilespmem:s20], [sflag:$0x1], $0x1, s10, s19, $0xb8;
	[tilespmem:$0xAB80] =	vst v63  }
0x20d: {  	s22 =	sadd.s32 $0x780, s9  }
0x20e: {  	[spmem:s2] =	stream.indirect.scatter.add.f32 [tilespmem:s20], [sflag:$0x1], $0x1, s22, s19, $0xb8;
	[tilespmem:$0xAB80] =	vst v63  }
0x20f: {  	s6 =	sadd.s32 $0x880, s9  }
0x210: {  	[spmem:s2] =	stream.indirect.scatter.add.f32 [tilespmem:s20], [sflag:$0x1], $0x1, s6, s19, $0xb8;
	[tilespmem:$0xAB80] =	vst v63  }
0x211: {  	s10 =	sadd.s32 $0x980, s9  }
0x212: {  	[spmem:s2] =	stream.indirect.scatter.add.f32 [tilespmem:s20], [sflag:$0x1], $0x1, s10, s19, $0xb8;
	[tilespmem:$0xAB80] =	vst v63  }
0x213: {  	s22 =	sadd.s32 $0xA80, s9  }
0x214: {  	[spmem:s2] =	stream.indirect.scatter.add.f32 [tilespmem:s20], [sflag:$0x1], $0x1, s22, s19, $0xb8;
	[tilespmem:$0xAB80] =	vst v63  }
0x215: {  	s6 =	sadd.s32 $0xB80, s9  }
0x216: {  	[spmem:s2] =	stream.indirect.scatter.add.f32 [tilespmem:s20], [sflag:$0x1], $0x1, s6, s19, $0xb8;
	[tilespmem:$0xAB80] =	vst v63  }
0x217: {  	s10 =	sadd.s32 $0xC80, s9  }
0x218: {  	[spmem:s2] =	stream.indirect.scatter.add.f32 [tilespmem:s20], [sflag:$0x1], $0x1, s10, s19, $0xb8;
	[tilespmem:$0xAB80] =	vst v63  }
0x219: {  	s22 =	sadd.s32 $0xD80, s9  }
0x21a: {  	[spmem:s2] =	stream.indirect.scatter.add.f32 [tilespmem:s20], [sflag:$0x1], $0x1, s22, s19, $0xb8;
	[tilespmem:$0xAB80] =	vst v63  }
0x21b: {  	s6 =	sadd.s32 $0xE80, s9  }
0x21c: {  	[spmem:s2] =	stream.indirect.scatter.add.f32 [tilespmem:s20], [sflag:$0x1], $0x1, s6, s19, $0xb8;
	[tilespmem:$0xAB80] =	vst v63  }
0x21d: {  	s10 =	sadd.s32 $0xF80, s9  }
0x21e: {  	[spmem:s2] =	stream.indirect.scatter.add.f32 [tilespmem:s20], [sflag:$0x1], $0x1, s10, s19, $0xb8;
	[tilespmem:$0xAB80] =	vst v63  }
0x21f: {  	_ =	swait.ge [sflag:s21], $0x80  }
0x220: {  	[sflag:s21] =	ssyncset.done $0x0  }
0x221: {  	[sflag:s21] =	ssyncadd.s32 $0xFFFFFF80  }
0x222: {  	_ =	swait.ge [sflag:s21], $0x80  }
0x223: {  	[sflag:s21] =	ssyncset.done $0x0  }
0x224: {  	[sflag:s21] =	ssyncadd.s32 $0xFFFFFF80  }
0x225: {  	_ =	swait.ge [sflag:s21], $0x80  }
0x226: {  	[sflag:s21] =	ssyncset.done $0x0  }
0x227: {  	[sflag:s21] =	ssyncadd.s32 $0xFFFFFF80  }
0x228: {  	_ =	swait.ge [sflag:s21], $0x80  }
0x229: {  	[sflag:s21] =	ssyncset.done $0x0  }
0x22a: {  	[sflag:s21] =	ssyncadd.s32 $0xFFFFFF80  }
0x22b: {  	_ =	swait.ge [sflag:s21], $0x80  }
0x22c: {  	[sflag:s21] =	ssyncset.done $0x0  }
0x22d: {  	[sflag:s21] =	ssyncadd.s32 $0xFFFFFF80  }
0x22e: {  	_ =	swait.ge [sflag:s21], $0x80  }
0x22f: {  	[sflag:s21] =	ssyncset.done $0x0  }
0x230: {  	[sflag:s21] =	ssyncadd.s32 $0xFFFFFF80  }
0x231: {  	_ =	swait.ge [sflag:s21], $0x80  }
0x232: {  	[sflag:s21] =	ssyncset.done $0x0  }
0x233: {  	[sflag:s21] =	ssyncadd.s32 $0xFFFFFF80  }
0x234: {  	_ =	swait.ge [sflag:s21], $0x80  }
0x235: {  	[sflag:s21] =	ssyncset.done $0x0  }
0x236: {  	[sflag:s21] =	ssyncadd.s32 $0xFFFFFF80  }
0x237: {  	_ =	swait.ge [sflag:s21], $0x80  }
0x238: {  	[sflag:s21] =	ssyncset.done $0x0  }
0x239: {  	[sflag:s21] =	ssyncadd.s32 $0xFFFFFF80  }
0x23a: {  	_ =	swait.ge [sflag:s21], $0x80  }
0x23b: {  	[sflag:s21] =	ssyncset.done $0x0  }
0x23c: {  	[sflag:s21] =	ssyncadd.s32 $0xFFFFFF80  }
0x23d: {  	_ =	swait.ge [sflag:s21], $0x80  }
0x23e: {  	[sflag:s21] =	ssyncset.done $0x0  }
0x23f: {  	[sflag:s21] =	ssyncadd.s32 $0xFFFFFF80  }
0x240: {  	_ =	swait.ge [sflag:s21], $0x80  }
0x241: {  	[sflag:s21] =	ssyncset.done $0x0  }
0x242: {  	[sflag:s21] =	ssyncadd.s32 $0xFFFFFF80  }
0x243: {  	_ =	swait.ge [sflag:s21], $0x80  }
0x244: {  	[sflag:s21] =	ssyncset.done $0x0  }
0x245: {  	[sflag:s21] =	ssyncadd.s32 $0xFFFFFF80  }
0x246: {  	_ =	swait.ge [sflag:s21], $0x80  }
0x247: {  	[sflag:s21] =	ssyncset.done $0x0  }
0x248: {  	[sflag:s21] =	ssyncadd.s32 $0xFFFFFF80  }
0x249: {  	_ =	swait.ge [sflag:s21], $0x80  }
0x24a: {  	[sflag:s21] =	ssyncset.done $0x0  }
0x24b: {  	[sflag:s21] =	ssyncadd.s32 $0xFFFFFF80  }
0x24c: {  	_ =	swait.ge [sflag:s21], $0x80  }
0x24d: {  	[sflag:s21] =	ssyncset.done $0x0  }
0x24e: {  	s22 =	simm.s32 $0x7080;
	[sflag:s21] =	ssyncadd.s32 $0xFFFFFF80  }
0x24f: {  	[spmem:s2] =	stream.indirect.scatter.add.f32 [tilespmem:s20], [sflag:$0x2], $0x1, s22, s19, $0xb8;
	[tilespmem:$0xAB80] =	vst v63  }
0x250: {  	_ =	swait.ge [sflag:s18], $0x80  }
0x251: {  	[sflag:s18] =	ssyncset.done $0x0  }
0x252: {  	[sflag:s18] =	ssyncadd.s32 $0xFFFFFF80  }
0x253: {  	[spmem:s2] =	stream.indirect.scatter.add.f32 [tilespmem:s20], [sflag:$0x2], $0x1, s23, s19, $0xb8;
	[tilespmem:$0xAB80] =	vst v63  }
0x254: {  	_ =	swait.ge [sflag:s18], $0x80  }
0x255: {  	[sflag:s18] =	ssyncset.done $0x0  }
0x256: {  	[sflag:s18] =	ssyncadd.s32 $0xFFFFFF80  }
0x257: {  	[spmem:s2] =	stream.indirect.scatter.add.f32 [tilespmem:s20], [sflag:$0x2], $0x1, s24, s19, $0xb8;
	[tilespmem:$0xAB80] =	vst v63  }
0x258: {  	_ =	swait.ge [sflag:s18], $0x80  }
0x259: {  	[sflag:s18] =	ssyncset.done $0x0  }
0x25a: {  	[sflag:s18] =	ssyncadd.s32 $0xFFFFFF80  }
0x25b: {  	[spmem:s2] =	stream.indirect.scatter.add.f32 [tilespmem:s20], [sflag:$0x2], $0x1, s25, s19, $0xb8;
	[tilespmem:$0xAB80] =	vst v63  }
0x25c: {  	_ =	swait.ge [sflag:s18], $0x80  }
0x25d: {  	[sflag:s18] =	ssyncset.done $0x0  }
0x25e: {  	[sflag:s18] =	ssyncadd.s32 $0xFFFFFF80  }
0x25f: {  	[spmem:s2] =	stream.indirect.scatter.add.f32 [tilespmem:s20], [sflag:$0x2], $0x1, s26, s19, $0xb8;
	[tilespmem:$0xAB80] =	vst v63  }
0x260: {  	_ =	swait.ge [sflag:s18], $0x80  }
0x261: {  	[sflag:s18] =	ssyncset.done $0x0  }
0x262: {  	[sflag:s18] =	ssyncadd.s32 $0xFFFFFF80  }
0x263: {  	[spmem:s2] =	stream.indirect.scatter.add.f32 [tilespmem:s20], [sflag:$0x2], $0x1, s28, s19, $0xb8;
	[tilespmem:$0xAB80] =	vst v63  }
0x264: {  	_ =	swait.ge [sflag:s18], $0x80  }
0x265: {  	[sflag:s18] =	ssyncset.done $0x0  }
0x266: {  	[sflag:s18] =	ssyncadd.s32 $0xFFFFFF80  }
0x267: {  	[spmem:s2] =	stream.indirect.scatter.add.f32 [tilespmem:s20], [sflag:$0x2], $0x1, s29, s19, $0xb8;
	[tilespmem:$0xAB80] =	vst v63  }
0x268: {  	_ =	swait.ge [sflag:s18], $0x80  }
0x269: {  	[sflag:s18] =	ssyncset.done $0x0  }
0x26a: {  	[sflag:s18] =	ssyncadd.s32 $0xFFFFFF80  }
0x26b: {  	[spmem:s2] =	stream.indirect.scatter.add.f32 [tilespmem:s20], [sflag:$0x2], $0x1, s30, s19, $0xb8;
	[tilespmem:$0xAB80] =	vst v63  }
0x26c: {  	_ =	swait.ge [sflag:s18], $0x80  }
0x26d: {  	[sflag:s18] =	ssyncset.done $0x0  }
0x26e: {  	[sflag:s18] =	ssyncadd.s32 $0xFFFFFF80  }
0x26f: {  	[spmem:s2] =	stream.indirect.scatter.add.f32 [tilespmem:s20], [sflag:$0x2], $0x1, s31, s19, $0xb8;
	[tilespmem:$0xAB80] =	vst v63  }
0x270: {  	_ =	swait.ge [sflag:s18], $0x80  }
0x271: {  	[sflag:s18] =	ssyncset.done $0x0  }
0x272: {  	[sflag:s18] =	ssyncadd.s32 $0xFFFFFF80  }
0x273: {  	[spmem:s2] =	stream.indirect.scatter.add.f32 [tilespmem:s20], [sflag:$0x2], $0x1, s0, s19, $0xb8;
	[tilespmem:$0xAB80] =	vst v63  }
0x274: {  	_ =	swait.ge [sflag:s18], $0x80  }
0x275: {  	[sflag:s18] =	ssyncset.done $0x0  }
0x276: {  	s5 =	simm.s32 @!p2 $0x0;
	s6 =	simm.s32 @!p2 $0x7A00;
	[sflag:s18] =	ssyncadd.s32 $0xFFFFFF80  }
0x277: {  	[tilespmem:s6], [sflag:$0x2] =	stream.linear.gather @!p2 [hbm4b:s12+s5], $0x100, $0x38;
	[tilespmem:$0xAB80] =	vst v63  }
0x278: {  	s5 =	simm.s32 @!p2 $0x2  }
0x279: {  	_ =	swait.ge @!p2 [sflag:s5], $0x100  }
0x27a: {  	s9 =	simm.s32 @!p2 $0x7A80;
	[sflag:s5] =	ssyncset.done @!p2 $0x0  }
0x27b: {  	s10 =	simm.s32 @!p2 $0x7B00;
	s6 =	simm.s32 @!p2 $0x80;
	[sflag:s5] =	ssyncadd.s32 @!p2 $0xFFFFFF00  }
0x27c: {  	[spmem:s2] =	stream.indirect.scatter.add.f32 @!p2 [tilespmem:s10], [sflag:$0x2], $0x1, s9, s6, $0xb8;
	[tilespmem:$0xAB80] =	vst v63  }
0x27d: {  	_ =	swait.ge @!p2 [sflag:s5], $0x80  }
0x27e: {  	[sflag:s5] =	ssyncset.done @!p2 $0x0  }
0x27f: {  	s6 =	simm.s32 @p1 $0x7A00;
	[sflag:s5] =	ssyncadd.s32 @!p2 $0xFFFFFF80;
	s5 =	simm.s32 @p1 $0x0  }
0x280: {  	[tilespmem:s6], [sflag:$0x2] =	stream.linear.gather @p1 [hbm4b:s14+s5], $0x100, $0x38;
	[tilespmem:$0xAB80] =	vst v63  }
0x281: {  	s5 =	simm.s32 @p1 $0x2  }
0x282: {  	_ =	swait.ge @p1 [sflag:s5], $0x100  }
0x283: {  	s9 =	simm.s32 @p1 $0x7A80;
	[sflag:s5] =	ssyncset.done @p1 $0x0  }
0x284: {  	s10 =	simm.s32 @p1 $0x7B00;
	s6 =	simm.s32 @p1 $0x80;
	[sflag:s5] =	ssyncadd.s32 @p1 $0xFFFFFF00  }
0x285: {  	[spmem:s2] =	stream.indirect.scatter.add.f32 @p1 [tilespmem:s10], [sflag:$0x2], $0x1, s9, s6, $0xb8;
	[tilespmem:$0xAB80] =	vst v63  }
0x286: {  	_ =	swait.ge @p1 [sflag:s5], $0x80  }
0x287: {  	s6 =	simm.s32 @p4 $0x7A00;
	[sflag:s5] =	ssyncset.done @p1 $0x0  }
0x288: {  	s9 =	rddreg [dreg:$0x8];
	[sflag:s5] =	ssyncadd.s32 @p1 $0xFFFFFF80;
	s5 =	simm.s32 @p4 $0x0  }
0x289: {  	[tilespmem:s6], [sflag:$0x2] =	stream.linear.gather @p4 [hbm4b:s9+s5], $0x100, $0x38;
	[tilespmem:$0xAB80] =	vst v63  }
0x28a: {  	s5 =	simm.s32 @p4 $0x2  }
0x28b: {  	_ =	swait.ge @p4 [sflag:s5], $0x100  }
0x28c: {  	s10 =	simm.s32 @p4 $0x7B00;
	[sflag:s5] =	ssyncset.done @p4 $0x0  }
0x28d: {  	s6 =	simm.s32 @p4 $0x80;
	s9 =	simm.s32 @p4 $0x7A80;
	[sflag:s5] =	ssyncadd.s32 @p4 $0xFFFFFF00  }
0x28e: {  	[spmem:s2] =	stream.indirect.scatter.add.f32 @p4 [tilespmem:s10], [sflag:$0x2], $0x1, s9, s6, $0xb8;
	[tilespmem:$0xAB80] =	vst v63  }
0x28f: {  	_ =	swait.ge @p4 [sflag:s5], $0x80  }
0x290: {  	[sflag:s5] =	ssyncset.done @p4 $0x0  }
0x291: {  	[sflag:s5] =	ssyncadd.s32 @p4 $0xFFFFFF80  }
0x292: {  	[bflag:$0x0] =	sbarrier.arrive $0xFFFF  }
0x293: {  	[tilespmem:s17], [sflag:$0x2] =	stream.linear.gather [spmem:s7], $0x1000, $0x38;
	[tilespmem:$0xAB80] =	vst v63  }
0x294: {  	_ =	swait.ge [sflag:s18], $0x1000  }
0x295: {  	[sflag:s18] =	ssyncset.done $0x0  }
0x296: {  	[sflag:s18] =	ssyncadd.s32 $0xFFFFF000  }
0x297: {  	[hbm4b:s13+s3] =	stream.linear.scatter [tilespmem:s17], [sflag:$0x2], $0x1000, $0x38;
	[tilespmem:$0xAB80] =	vst v63  }
0x298: {  	_ =	swait.ge [sflag:s18], $0x1000  }
0x299: {  	[sflag:s18] =	ssyncset.done $0x0  }
0x29a: {  	[sflag:s18] =	ssyncadd.s32 $0xFFFFF000  }
0x29b: {  	[tilespmem:s17], [sflag:$0x2] =	stream.linear.gather [spmem:s8], $0x1000, $0x38;
	[tilespmem:$0xAB80] =	vst v63  }
0x29c: {  	s4 =	sadd.s32 $0x1, s4;
	_ =	swait.ge [sflag:s18], $0x1000  }
0x29d: {  	p4 =	sne.s32 s4, s16;
	[sflag:s18] =	ssyncset.done $0x0  }
.Ltmp3:
0x29e: {  	[sflag:s18] =	ssyncadd.s32 $0xFFFFF000;
	(pc) =	sbr.rel @p4 .LBB2_1-.Ltmp3, $4  }
0x29f: {  	[hbm4b:s15+s3] =	stream.linear.scatter [tilespmem:s17], [sflag:$0x2], $0x1000, $0x38;
	[tilespmem:$0xAB80] =	vst v63  }
0x2a0: {  	_ =	swait.ge [sflag:s18], $0x1000  }
0x2a1: {  	[sflag:s18] =	ssyncset.done $0x0  }
0x2a2: {  	[sflag:s18] =	ssyncadd.s32 $0xFFFFF000  }
0x2a3: {  	_ =	sfence.sel $0x180000  }
0x2a4: {  	[bflag:$0x0] =	sbarrier.arrive $0xFFFF  }
0x2a5: {  	_ =	strace $0x90000047  }
0x2a6: {  	s0 =	stileid.u32;
	[bflag:$0x2] =	sbarrier.arrive $0xFFFF  }
0x2a7: {  	p0 =	sne.s32 s0, $0x0;
	s0 =	rddreg [dreg:$0x6]  }
0x2a8: {  	s0 =	sadd.s32 @!p0 $0x100000, s0  }
0x2a9: {  	[sflag:s0] =	ssyncadd.tile.s32 @!p0 $0x1;
	_ =	shalt  }
.Lfunc_end2:
_tile_overlayer_lowered:
.L_overlay_start_2:
0x2aa: {  	(tag) =	ssettag $0x2  }
0x2ab: {  	s0 =	rddreg [dreg:$0x0];
	s2 =	stileid.u32  }
0x2ac: {  	s1 =	rddreg [dreg:$0x1];
	p0 =	sne.s32 s2, $0x0  }
0x2ad: {  	s3 =	rddreg [dreg:$0x2];
	[bflag:$0x3] =	sbarrier.arrive $0xFFFF;
	s2 =	simm.s32 @!p0 $0x1C02  }
0x2ae: {  	[timem:s3], [sflag:s2] =	dma.local @!p0 [hbm:s0], s1  }
0x2af: {  	s0 =	simm.s32 @!p0 $0x2  }
0x2b0: {  	_ =	swait.ge @!p0 [sflag:s0], s1  }
0x2b1: {  	s1 =	ssub.s32 @!p0 $0x0, s1;
	[sflag:s0] =	ssyncset.done @!p0 $0x0  }
0x2b2: {  	[sflag:s0] =	ssyncadd.s32 @!p0 s1  }
0x2b3: {  	[bflag:$0x3] =	sbarrier.arrive $0xFFFF  }
0x2b4: {  	_ =	shalt  }

</sc_bundles>
